<compile_context>
chip_gen: v7x
topology: tpu7x:2x2x1
jax: 0.10.2.dev20260603
libtpu: 0.0.44.dev20260713+nightly
codegen_flags: <defaults>
</compile_context>

<pallas_src>
import functools

import jax
import jax.numpy as jnp
from jax import lax
from jax.experimental import pallas as pl
from jax.experimental.pallas import tpu as pltpu
from jax.experimental.pallas import tpu_sc as plsc

NC = 2
NS = 16
NW = NC * NS
LANES = 16
CHUNK = 128


def _make_kernel(B, D):
    assert B % NW == 0
    bpw = B // NW
    nchunk = bpw // CHUNK
    ngroup = bpw // LANES

    mesh = plsc.VectorSubcoreMesh(core_axis_name="c", subcore_axis_name="s")
    f32 = jnp.float32

    @functools.partial(
        pl.kernel,
        out_type=(
            jax.ShapeDtypeStruct((B,), f32),
            jax.ShapeDtypeStruct((B,), f32),
        ),
        mesh=mesh,
        compiler_params=pltpu.CompilerParams(needs_layout_passes=False,
                                             use_tc_tiling_on_sc=False),
        scratch_types=[
            pltpu.VMEM((bpw,), jnp.int32),
            pltpu.VMEM((bpw,), jnp.int32),
            pltpu.VMEM((bpw,), jnp.int32),
            pltpu.VMEM((bpw, D), f32),
            pltpu.VMEM((bpw, D), f32),
            pltpu.VMEM((bpw, D), f32),
            pltpu.VMEM((bpw, LANES), f32),
            pltpu.VMEM((bpw, LANES), f32),
            pltpu.VMEM((bpw,), f32),
            pltpu.VMEM((bpw,), f32),
            pltpu.SemaphoreType.DMA,
            pltpu.SemaphoreType.DMA,
            pltpu.SemaphoreType.DMA,
            pltpu.SemaphoreType.DMA,
            pltpu.SemaphoreType.DMA,
            pltpu.SemaphoreType.DMA,
        ],
    )
    def run(user_h, pos_h, neg_h, utab_h, itab_h, pos_out, neg_out,
            idx_u, idx_p, idx_n, rows_u, rows_p, rows_n, sums_p, sums_n,
            outp_v, outn_v, sem_i, sem_g0, sem_g1, sem_g2, sem_g3, sem_o):
        wid = lax.axis_index("s") * NC + lax.axis_index("c")
        base = wid * bpw
        gsems = [sem_g0, sem_g1, sem_g2, sem_g3][:nchunk]

        ci_u = pltpu.async_copy(user_h.at[pl.ds(base, bpw)], idx_u, sem_i)
        ci_p = pltpu.async_copy(pos_h.at[pl.ds(base, bpw)], idx_p, sem_i)
        ci_n = pltpu.async_copy(neg_h.at[pl.ds(base, bpw)], idx_n, sem_i)
        ci_u.wait()
        ci_p.wait()
        ci_n.wait()

        chunk_copies = []
        for j in range(nchunk):
            sl = pl.ds(j * CHUNK, CHUNK)
            chunk_copies.append([
                pltpu.async_copy(utab_h.at[idx_u.at[sl]],
                                 rows_u.at[sl], gsems[j]),
                pltpu.async_copy(itab_h.at[idx_p.at[sl]],
                                 rows_p.at[sl], gsems[j]),
                pltpu.async_copy(itab_h.at[idx_n.at[sl]],
                                 rows_n.at[sl], gsems[j]),
            ])

        nv = D // LANES
        gpc = CHUNK // LANES
        lane = lax.iota(jnp.int32, 16)
        out_copies = []
        for j in range(nchunk):
            for c in chunk_copies[j]:
                c.wait()

            @plsc.parallel_loop(j * CHUNK, (j + 1) * CHUNK, 1, unroll=4)
            def _rowb(r):
                us = [rows_u[r, pl.ds(k * LANES, LANES)] for k in range(nv)]
                ps = [rows_p[r, pl.ds(k * LANES, LANES)] for k in range(nv)]
                ns = [rows_n[r, pl.ds(k * LANES, LANES)] for k in range(nv)]
                sp = us[0] * ps[0]
                sn = us[0] * ns[0]
                for k in range(1, nv):
                    sp = sp + us[k] * ps[k]
                    sn = sn + us[k] * ns[k]
                sums_p[r, :] = sp
                sums_n[r, :] = sn

            @plsc.parallel_loop(j * gpc, (j + 1) * gpc, 1, unroll=2)
            def _gb(g):
                row0 = g * LANES
                rows = lane + row0
                accp = jnp.zeros((LANES,), f32)
                accn = jnp.zeros((LANES,), f32)
                for c in range(LANES):
                    col = jnp.full((LANES,), c, jnp.int32)
                    accp = accp + plsc.load_gather(sums_p, [rows, col])
                    accn = accn + plsc.load_gather(sums_n, [rows, col])
                outp_v[pl.ds(row0, LANES)] = accp
                outn_v[pl.ds(row0, LANES)] = accn

            sl = pl.ds(j * CHUNK, CHUNK)
            osl = pl.ds(base + j * CHUNK, CHUNK)
            out_copies.append(pltpu.async_copy(outp_v.at[sl],
                                               pos_out.at[osl], sem_o))
            out_copies.append(pltpu.async_copy(outn_v.at[sl],
                                               neg_out.at[osl], sem_o))

        for c in out_copies:
            c.wait()

    return run


def kernel(user, pos_item, neg_item, user_table, item_table):
    user = user.astype(jnp.int32)
    pos_item = pos_item.astype(jnp.int32)
    neg_item = neg_item.astype(jnp.int32)
    B = user.shape[0]
    D = user_table.shape[1]
    run = _make_kernel(B, D)
    pos, neg = run(user, pos_item, neg_item, user_table, item_table)
    return (pos, neg)

# --- scband reference (transcript-rebuilt; emitter-appended) ---
"""Pipeline reference for scband-bprmf-6803228197245 (READ-ONLY COPY).

The authoritative reference and input builder live on the scoring server;
editing this copy changes nothing except your own understanding.
"""

import jax, jax.numpy as jnp
import numpy as np

NUM_USERS = 100000
NUM_ITEMS = 100000
EMBED_DIM = 64
BATCH = 16384

def setup_inputs(seed: int = 0) -> dict:
    key = jax.random.key(seed)
    k1, k2, k3, k4, k5 = jax.random.split(key, 5)
    user = jax.random.randint(k1, (BATCH,), 0, NUM_USERS, dtype=jnp.int64) if jax.config.jax_enable_x64 else jax.random.randint(k1, (BATCH,), 0, NUM_USERS, dtype=jnp.int32)
    pos_item = jax.random.randint(k2, (BATCH,), 0, NUM_ITEMS, dtype=user.dtype)
    neg_item = jax.random.randint(k3, (BATCH,), 0, NUM_ITEMS, dtype=user.dtype)
    # glorot_uniform init for embedding tables (fan_in=vocab, fan_out=dim)
    limit_u = float(np.sqrt(6.0 / (NUM_USERS + EMBED_DIM)))
    limit_i = float(np.sqrt(6.0 / (NUM_ITEMS + EMBED_DIM)))
    user_table = jax.random.uniform(k4, (NUM_USERS, EMBED_DIM), minval=-limit_u, maxval=limit_u, dtype=jnp.float32)
    item_table = jax.random.uniform(k5, (NUM_ITEMS, EMBED_DIM), minval=-limit_i, maxval=limit_i, dtype=jnp.float32)
    return {"user": user, "pos_item": pos_item, "neg_item": neg_item, "user_table": user_table, "item_table": item_table}

def reference(user, pos_item, neg_item, user_table, item_table):
    user_emb = jnp.take(user_table, user, axis=0)
    pos_item_emb = jnp.take(item_table, pos_item, axis=0)
    neg_item_emb = jnp.take(item_table, neg_item, axis=0)
    pos_score = jnp.sum(user_emb * pos_item_emb, axis=1)
    neg_score = jnp.sum(user_emb * neg_item_emb, axis=1)
    return (pos_score, neg_score)

if __name__ == "__main__":
    import jax
    _d = setup_inputs()
    print(jax.jit(kernel)(*tuple(_d.values())))

</pallas_src>

<mosaic_0001>
#map = affine_map<(d0, d1) -> (0)>
#map1 = affine_map<(d0, d1) -> (0, 0)>
module attributes {stable_mosaic.version = 14 : i64} {
  func.func @run(%arg0: i32, %arg1: i32, %arg2: memref<16384xi32, #tpu.memory_space<hbm>>, %arg3: memref<16384xi32, #tpu.memory_space<hbm>>, %arg4: memref<16384xi32, #tpu.memory_space<hbm>>, %arg5: memref<100000x64xf32, #tpu.memory_space<hbm>>, %arg6: memref<100000x64xf32, #tpu.memory_space<hbm>>, %arg7: memref<16384xf32, #tpu.memory_space<hbm>>, %arg8: memref<16384xf32, #tpu.memory_space<hbm>>, %arg9: memref<512xi32, #tpu.memory_space<vmem>>, %arg10: memref<512xi32, #tpu.memory_space<vmem>>, %arg11: memref<512xi32, #tpu.memory_space<vmem>>, %arg12: memref<512x64xf32, #tpu.memory_space<vmem>>, %arg13: memref<512x64xf32, #tpu.memory_space<vmem>>, %arg14: memref<512x64xf32, #tpu.memory_space<vmem>>, %arg15: memref<512x16xf32, #tpu.memory_space<vmem>>, %arg16: memref<512x16xf32, #tpu.memory_space<vmem>>, %arg17: memref<512xf32, #tpu.memory_space<vmem>>, %arg18: memref<512xf32, #tpu.memory_space<vmem>>, %arg19: memref<!tpu.dma_semaphore, #tpu.memory_space<semaphore_mem>>, %arg20: memref<!tpu.dma_semaphore, #tpu.memory_space<semaphore_mem>>, %arg21: memref<!tpu.dma_semaphore, #tpu.memory_space<semaphore_mem>>, %arg22: memref<!tpu.dma_semaphore, #tpu.memory_space<semaphore_mem>>, %arg23: memref<!tpu.dma_semaphore, #tpu.memory_space<semaphore_mem>>, %arg24: memref<!tpu.dma_semaphore, #tpu.memory_space<semaphore_mem>>) attributes {dimension_semantics = [#tpu.dimension_semantics<core_parallel>, #tpu.dimension_semantics<subcore_parallel>], iteration_bounds = array<i64: 2, 16>, scalar_prefetch = 0 : i64, scratch_operands = 16 : i64, tpu.core_type = #tpu.core_type<sc_vector_subcore>, window_params = [{transform_indices = #map}, {transform_indices = #map}, {transform_indices = #map}, {transform_indices = #map1}, {transform_indices = #map1}, {transform_indices = #map}, {transform_indices = #map}]} {
    %mul3A = arith.constant 2 : i32
    %mul3A_0 = arith.muli %arg1, %mul3A : i32
    %add3A = arith.addi %mul3A_0, %arg0 : i32
    %mul3A_1 = arith.constant 512 : i32
    %mul3A_2 = arith.muli %add3A, %mul3A_1 : i32
    %dma_start3A = tpu.memref_slice %arg2[%mul3A_2] : memref<16384xi32, #tpu.memory_space<hbm>> -> memref<512xi32, #tpu.memory_space<hbm>>
    %dma_start3A_3 = tpu.memref_slice %arg2[%mul3A_2] : memref<16384xi32, #tpu.memory_space<hbm>> -> memref<512xi32, #tpu.memory_space<hbm>>
    tpu.enqueue_dma source(%dma_start3A_3 : memref<512xi32, #tpu.memory_space<hbm>>) target(%arg9 : memref<512xi32, #tpu.memory_space<vmem>>) target_semaphore(%arg19 : memref<!tpu.dma_semaphore, #tpu.memory_space<semaphore_mem>>)
    %dma_start3A_4 = tpu.memref_slice %arg3[%mul3A_2] : memref<16384xi32, #tpu.memory_space<hbm>> -> memref<512xi32, #tpu.memory_space<hbm>>
    %dma_start3A_5 = tpu.memref_slice %arg3[%mul3A_2] : memref<16384xi32, #tpu.memory_space<hbm>> -> memref<512xi32, #tpu.memory_space<hbm>>
    tpu.enqueue_dma source(%dma_start3A_5 : memref<512xi32, #tpu.memory_space<hbm>>) target(%arg10 : memref<512xi32, #tpu.memory_space<vmem>>) target_semaphore(%arg19 : memref<!tpu.dma_semaphore, #tpu.memory_space<semaphore_mem>>)
    %dma_start3A_6 = tpu.memref_slice %arg4[%mul3A_2] : memref<16384xi32, #tpu.memory_space<hbm>> -> memref<512xi32, #tpu.memory_space<hbm>>
    %dma_start3A_7 = tpu.memref_slice %arg4[%mul3A_2] : memref<16384xi32, #tpu.memory_space<hbm>> -> memref<512xi32, #tpu.memory_space<hbm>>
    tpu.enqueue_dma source(%dma_start3A_7 : memref<512xi32, #tpu.memory_space<hbm>>) target(%arg11 : memref<512xi32, #tpu.memory_space<vmem>>) target_semaphore(%arg19 : memref<!tpu.dma_semaphore, #tpu.memory_space<semaphore_mem>>)
    %dma_wait3A = tpu.memref_slice %arg2[%mul3A_2] : memref<16384xi32, #tpu.memory_space<hbm>> -> memref<512xi32, #tpu.memory_space<hbm>>
    %dma_wait3A_8 = tpu.memref_slice %arg2[%mul3A_2] : memref<16384xi32, #tpu.memory_space<hbm>> -> memref<512xi32, #tpu.memory_space<hbm>>
    tpu.wait_dma2 semaphore(%arg19 : memref<!tpu.dma_semaphore, #tpu.memory_space<semaphore_mem>>) src(%dma_wait3A_8 : memref<512xi32, #tpu.memory_space<hbm>>) dst(%arg9 : memref<512xi32, #tpu.memory_space<vmem>>)
    %dma_wait3A_9 = tpu.memref_slice %arg3[%mul3A_2] : memref<16384xi32, #tpu.memory_space<hbm>> -> memref<512xi32, #tpu.memory_space<hbm>>
    %dma_wait3A_10 = tpu.memref_slice %arg3[%mul3A_2] : memref<16384xi32, #tpu.memory_space<hbm>> -> memref<512xi32, #tpu.memory_space<hbm>>
    tpu.wait_dma2 semaphore(%arg19 : memref<!tpu.dma_semaphore, #tpu.memory_space<semaphore_mem>>) src(%dma_wait3A_10 : memref<512xi32, #tpu.memory_space<hbm>>) dst(%arg10 : memref<512xi32, #tpu.memory_space<vmem>>)
    %dma_wait3A_11 = tpu.memref_slice %arg4[%mul3A_2] : memref<16384xi32, #tpu.memory_space<hbm>> -> memref<512xi32, #tpu.memory_space<hbm>>
    %dma_wait3A_12 = tpu.memref_slice %arg4[%mul3A_2] : memref<16384xi32, #tpu.memory_space<hbm>> -> memref<512xi32, #tpu.memory_space<hbm>>
    tpu.wait_dma2 semaphore(%arg19 : memref<!tpu.dma_semaphore, #tpu.memory_space<semaphore_mem>>) src(%dma_wait3A_12 : memref<512xi32, #tpu.memory_space<hbm>>) dst(%arg11 : memref<512xi32, #tpu.memory_space<vmem>>)
    %dma_start3A_13 = arith.constant 0 : i32
    %dma_start3A_14 = arith.constant 0 : i32
    %dma_start3A_15 = tpu.memref_slice %arg12[%dma_start3A_13, %dma_start3A_14] : memref<512x64xf32, #tpu.memory_space<vmem>> -> memref<128x64xf32, #tpu.memory_space<vmem>>
    %dma_start3A_16 = arith.constant 0 : i32
    %dma_start3A_17 = tpu.memref_slice %arg9[%dma_start3A_16] : memref<512xi32, #tpu.memory_space<vmem>> -> memref<128xi32, #tpu.memory_space<vmem>>
    %dma_start3A_18 = arith.constant 0 : i32
    %dma_start3A_19 = arith.constant 0 : i32
    %dma_start3A_20 = tpu.memref_slice %arg5[%dma_start3A_18, %dma_start3A_19] : memref<100000x64xf32, #tpu.memory_space<hbm>> -> memref<100000x64xf32, #tpu.memory_space<hbm>>
    tpu.enqueue_indirect_dma source(%dma_start3A_20 : memref<100000x64xf32, #tpu.memory_space<hbm>>) target(%dma_start3A_15 : memref<128x64xf32, #tpu.memory_space<vmem>>) offsets(%dma_start3A_17 : memref<128xi32, #tpu.memory_space<vmem>>) semaphore(%arg20 : memref<!tpu.dma_semaphore, #tpu.memory_space<semaphore_mem>>)
    %dma_start3A_21 = arith.constant 0 : i32
    %dma_start3A_22 = arith.constant 0 : i32
    %dma_start3A_23 = tpu.memref_slice %arg13[%dma_start3A_21, %dma_start3A_22] : memref<512x64xf32, #tpu.memory_space<vmem>> -> memref<128x64xf32, #tpu.memory_space<vmem>>
    %dma_start3A_24 = arith.constant 0 : i32
    %dma_start3A_25 = tpu.memref_slice %arg10[%dma_start3A_24] : memref<512xi32, #tpu.memory_space<vmem>> -> memref<128xi32, #tpu.memory_space<vmem>>
    %dma_start3A_26 = arith.constant 0 : i32
    %dma_start3A_27 = arith.constant 0 : i32
    %dma_start3A_28 = tpu.memref_slice %arg6[%dma_start3A_26, %dma_start3A_27] : memref<100000x64xf32, #tpu.memory_space<hbm>> -> memref<100000x64xf32, #tpu.memory_space<hbm>>
    tpu.enqueue_indirect_dma source(%dma_start3A_28 : memref<100000x64xf32, #tpu.memory_space<hbm>>) target(%dma_start3A_23 : memref<128x64xf32, #tpu.memory_space<vmem>>) offsets(%dma_start3A_25 : memref<128xi32, #tpu.memory_space<vmem>>) semaphore(%arg20 : memref<!tpu.dma_semaphore, #tpu.memory_space<semaphore_mem>>)
    %dma_start3A_29 = arith.constant 0 : i32
    %dma_start3A_30 = arith.constant 0 : i32
    %dma_start3A_31 = tpu.memref_slice %arg14[%dma_start3A_29, %dma_start3A_30] : memref<512x64xf32, #tpu.memory_space<vmem>> -> memref<128x64xf32, #tpu.memory_space<vmem>>
    %dma_start3A_32 = arith.constant 0 : i32
    %dma_start3A_33 = tpu.memref_slice %arg11[%dma_start3A_32] : memref<512xi32, #tpu.memory_space<vmem>> -> memref<128xi32, #tpu.memory_space<vmem>>
    %dma_start3A_34 = arith.constant 0 : i32
    %dma_start3A_35 = arith.constant 0 : i32
    %dma_start3A_36 = tpu.memref_slice %arg6[%dma_start3A_34, %dma_start3A_35] : memref<100000x64xf32, #tpu.memory_space<hbm>> -> memref<100000x64xf32, #tpu.memory_space<hbm>>
    tpu.enqueue_indirect_dma source(%dma_start3A_36 : memref<100000x64xf32, #tpu.memory_space<hbm>>) target(%dma_start3A_31 : memref<128x64xf32, #tpu.memory_space<vmem>>) offsets(%dma_start3A_33 : memref<128xi32, #tpu.memory_space<vmem>>) semaphore(%arg20 : memref<!tpu.dma_semaphore, #tpu.memory_space<semaphore_mem>>)
    %dma_start3A_37 = arith.constant 128 : i32
    %dma_start3A_38 = arith.constant 0 : i32
    %dma_start3A_39 = tpu.memref_slice %arg12[%dma_start3A_37, %dma_start3A_38] : memref<512x64xf32, #tpu.memory_space<vmem>> -> memref<128x64xf32, #tpu.memory_space<vmem>>
    %dma_start3A_40 = arith.constant 128 : i32
    %dma_start3A_41 = tpu.memref_slice %arg9[%dma_start3A_40] : memref<512xi32, #tpu.memory_space<vmem>> -> memref<128xi32, #tpu.memory_space<vmem>>
    %dma_start3A_42 = arith.constant 0 : i32
    %dma_start3A_43 = arith.constant 0 : i32
    %dma_start3A_44 = tpu.memref_slice %arg5[%dma_start3A_42, %dma_start3A_43] : memref<100000x64xf32, #tpu.memory_space<hbm>> -> memref<100000x64xf32, #tpu.memory_space<hbm>>
    tpu.enqueue_indirect_dma source(%dma_start3A_44 : memref<100000x64xf32, #tpu.memory_space<hbm>>) target(%dma_start3A_39 : memref<128x64xf32, #tpu.memory_space<vmem>>) offsets(%dma_start3A_41 : memref<128xi32, #tpu.memory_space<vmem>>) semaphore(%arg21 : memref<!tpu.dma_semaphore, #tpu.memory_space<semaphore_mem>>)
    %dma_start3A_45 = arith.constant 128 : i32
    %dma_start3A_46 = arith.constant 0 : i32
    %dma_start3A_47 = tpu.memref_slice %arg13[%dma_start3A_45, %dma_start3A_46] : memref<512x64xf32, #tpu.memory_space<vmem>> -> memref<128x64xf32, #tpu.memory_space<vmem>>
    %dma_start3A_48 = arith.constant 128 : i32
    %dma_start3A_49 = tpu.memref_slice %arg10[%dma_start3A_48] : memref<512xi32, #tpu.memory_space<vmem>> -> memref<128xi32, #tpu.memory_space<vmem>>
    %dma_start3A_50 = arith.constant 0 : i32
    %dma_start3A_51 = arith.constant 0 : i32
    %dma_start3A_52 = tpu.memref_slice %arg6[%dma_start3A_50, %dma_start3A_51] : memref<100000x64xf32, #tpu.memory_space<hbm>> -> memref<100000x64xf32, #tpu.memory_space<hbm>>
    tpu.enqueue_indirect_dma source(%dma_start3A_52 : memref<100000x64xf32, #tpu.memory_space<hbm>>) target(%dma_start3A_47 : memref<128x64xf32, #tpu.memory_space<vmem>>) offsets(%dma_start3A_49 : memref<128xi32, #tpu.memory_space<vmem>>) semaphore(%arg21 : memref<!tpu.dma_semaphore, #tpu.memory_space<semaphore_mem>>)
    %dma_start3A_53 = arith.constant 128 : i32
    %dma_start3A_54 = arith.constant 0 : i32
    %dma_start3A_55 = tpu.memref_slice %arg14[%dma_start3A_53, %dma_start3A_54] : memref<512x64xf32, #tpu.memory_space<vmem>> -> memref<128x64xf32, #tpu.memory_space<vmem>>
    %dma_start3A_56 = arith.constant 128 : i32
    %dma_start3A_57 = tpu.memref_slice %arg11[%dma_start3A_56] : memref<512xi32, #tpu.memory_space<vmem>> -> memref<128xi32, #tpu.memory_space<vmem>>
    %dma_start3A_58 = arith.constant 0 : i32
    %dma_start3A_59 = arith.constant 0 : i32
    %dma_start3A_60 = tpu.memref_slice %arg6[%dma_start3A_58, %dma_start3A_59] : memref<100000x64xf32, #tpu.memory_space<hbm>> -> memref<100000x64xf32, #tpu.memory_space<hbm>>
    tpu.enqueue_indirect_dma source(%dma_start3A_60 : memref<100000x64xf32, #tpu.memory_space<hbm>>) target(%dma_start3A_55 : memref<128x64xf32, #tpu.memory_space<vmem>>) offsets(%dma_start3A_57 : memref<128xi32, #tpu.memory_space<vmem>>) semaphore(%arg21 : memref<!tpu.dma_semaphore, #tpu.memory_space<semaphore_mem>>)
    %dma_start3A_61 = arith.constant 256 : i32
    %dma_start3A_62 = arith.constant 0 : i32
    %dma_start3A_63 = tpu.memref_slice %arg12[%dma_start3A_61, %dma_start3A_62] : memref<512x64xf32, #tpu.memory_space<vmem>> -> memref<128x64xf32, #tpu.memory_space<vmem>>
    %dma_start3A_64 = arith.constant 256 : i32
    %dma_start3A_65 = tpu.memref_slice %arg9[%dma_start3A_64] : memref<512xi32, #tpu.memory_space<vmem>> -> memref<128xi32, #tpu.memory_space<vmem>>
    %dma_start3A_66 = arith.constant 0 : i32
    %dma_start3A_67 = arith.constant 0 : i32
    %dma_start3A_68 = tpu.memref_slice %arg5[%dma_start3A_66, %dma_start3A_67] : memref<100000x64xf32, #tpu.memory_space<hbm>> -> memref<100000x64xf32, #tpu.memory_space<hbm>>
    tpu.enqueue_indirect_dma source(%dma_start3A_68 : memref<100000x64xf32, #tpu.memory_space<hbm>>) target(%dma_start3A_63 : memref<128x64xf32, #tpu.memory_space<vmem>>) offsets(%dma_start3A_65 : memref<128xi32, #tpu.memory_space<vmem>>) semaphore(%arg22 : memref<!tpu.dma_semaphore, #tpu.memory_space<semaphore_mem>>)
    %dma_start3A_69 = arith.constant 256 : i32
    %dma_start3A_70 = arith.constant 0 : i32
    %dma_start3A_71 = tpu.memref_slice %arg13[%dma_start3A_69, %dma_start3A_70] : memref<512x64xf32, #tpu.memory_space<vmem>> -> memref<128x64xf32, #tpu.memory_space<vmem>>
    %dma_start3A_72 = arith.constant 256 : i32
    %dma_start3A_73 = tpu.memref_slice %arg10[%dma_start3A_72] : memref<512xi32, #tpu.memory_space<vmem>> -> memref<128xi32, #tpu.memory_space<vmem>>
    %dma_start3A_74 = arith.constant 0 : i32
    %dma_start3A_75 = arith.constant 0 : i32
    %dma_start3A_76 = tpu.memref_slice %arg6[%dma_start3A_74, %dma_start3A_75] : memref<100000x64xf32, #tpu.memory_space<hbm>> -> memref<100000x64xf32, #tpu.memory_space<hbm>>
    tpu.enqueue_indirect_dma source(%dma_start3A_76 : memref<100000x64xf32, #tpu.memory_space<hbm>>) target(%dma_start3A_71 : memref<128x64xf32, #tpu.memory_space<vmem>>) offsets(%dma_start3A_73 : memref<128xi32, #tpu.memory_space<vmem>>) semaphore(%arg22 : memref<!tpu.dma_semaphore, #tpu.memory_space<semaphore_mem>>)
    %dma_start3A_77 = arith.constant 256 : i32
    %dma_start3A_78 = arith.constant 0 : i32
    %dma_start3A_79 = tpu.memref_slice %arg14[%dma_start3A_77, %dma_start3A_78] : memref<512x64xf32, #tpu.memory_space<vmem>> -> memref<128x64xf32, #tpu.memory_space<vmem>>
    %dma_start3A_80 = arith.constant 256 : i32
    %dma_start3A_81 = tpu.memref_slice %arg11[%dma_start3A_80] : memref<512xi32, #tpu.memory_space<vmem>> -> memref<128xi32, #tpu.memory_space<vmem>>
    %dma_start3A_82 = arith.constant 0 : i32
    %dma_start3A_83 = arith.constant 0 : i32
    %dma_start3A_84 = tpu.memref_slice %arg6[%dma_start3A_82, %dma_start3A_83] : memref<100000x64xf32, #tpu.memory_space<hbm>> -> memref<100000x64xf32, #tpu.memory_space<hbm>>
    tpu.enqueue_indirect_dma source(%dma_start3A_84 : memref<100000x64xf32, #tpu.memory_space<hbm>>) target(%dma_start3A_79 : memref<128x64xf32, #tpu.memory_space<vmem>>) offsets(%dma_start3A_81 : memref<128xi32, #tpu.memory_space<vmem>>) semaphore(%arg22 : memref<!tpu.dma_semaphore, #tpu.memory_space<semaphore_mem>>)
    %dma_start3A_85 = arith.constant 384 : i32
    %dma_start3A_86 = arith.constant 0 : i32
    %dma_start3A_87 = tpu.memref_slice %arg12[%dma_start3A_85, %dma_start3A_86] : memref<512x64xf32, #tpu.memory_space<vmem>> -> memref<128x64xf32, #tpu.memory_space<vmem>>
    %dma_start3A_88 = arith.constant 384 : i32
    %dma_start3A_89 = tpu.memref_slice %arg9[%dma_start3A_88] : memref<512xi32, #tpu.memory_space<vmem>> -> memref<128xi32, #tpu.memory_space<vmem>>
    %dma_start3A_90 = arith.constant 0 : i32
    %dma_start3A_91 = arith.constant 0 : i32
    %dma_start3A_92 = tpu.memref_slice %arg5[%dma_start3A_90, %dma_start3A_91] : memref<100000x64xf32, #tpu.memory_space<hbm>> -> memref<100000x64xf32, #tpu.memory_space<hbm>>
    tpu.enqueue_indirect_dma source(%dma_start3A_92 : memref<100000x64xf32, #tpu.memory_space<hbm>>) target(%dma_start3A_87 : memref<128x64xf32, #tpu.memory_space<vmem>>) offsets(%dma_start3A_89 : memref<128xi32, #tpu.memory_space<vmem>>) semaphore(%arg23 : memref<!tpu.dma_semaphore, #tpu.memory_space<semaphore_mem>>)
    %dma_start3A_93 = arith.constant 384 : i32
    %dma_start3A_94 = arith.constant 0 : i32
    %dma_start3A_95 = tpu.memref_slice %arg13[%dma_start3A_93, %dma_start3A_94] : memref<512x64xf32, #tpu.memory_space<vmem>> -> memref<128x64xf32, #tpu.memory_space<vmem>>
    %dma_start3A_96 = arith.constant 384 : i32
    %dma_start3A_97 = tpu.memref_slice %arg10[%dma_start3A_96] : memref<512xi32, #tpu.memory_space<vmem>> -> memref<128xi32, #tpu.memory_space<vmem>>
    %dma_start3A_98 = arith.constant 0 : i32
    %dma_start3A_99 = arith.constant 0 : i32
    %dma_start3A_100 = tpu.memref_slice %arg6[%dma_start3A_98, %dma_start3A_99] : memref<100000x64xf32, #tpu.memory_space<hbm>> -> memref<100000x64xf32, #tpu.memory_space<hbm>>
    tpu.enqueue_indirect_dma source(%dma_start3A_100 : memref<100000x64xf32, #tpu.memory_space<hbm>>) target(%dma_start3A_95 : memref<128x64xf32, #tpu.memory_space<vmem>>) offsets(%dma_start3A_97 : memref<128xi32, #tpu.memory_space<vmem>>) semaphore(%arg23 : memref<!tpu.dma_semaphore, #tpu.memory_space<semaphore_mem>>)
    %dma_start3A_101 = arith.constant 384 : i32
    %dma_start3A_102 = arith.constant 0 : i32
    %dma_start3A_103 = tpu.memref_slice %arg14[%dma_start3A_101, %dma_start3A_102] : memref<512x64xf32, #tpu.memory_space<vmem>> -> memref<128x64xf32, #tpu.memory_space<vmem>>
    %dma_start3A_104 = arith.constant 384 : i32
    %dma_start3A_105 = tpu.memref_slice %arg11[%dma_start3A_104] : memref<512xi32, #tpu.memory_space<vmem>> -> memref<128xi32, #tpu.memory_space<vmem>>
    %dma_start3A_106 = arith.constant 0 : i32
    %dma_start3A_107 = arith.constant 0 : i32
    %dma_start3A_108 = tpu.memref_slice %arg6[%dma_start3A_106, %dma_start3A_107] : memref<100000x64xf32, #tpu.memory_space<hbm>> -> memref<100000x64xf32, #tpu.memory_space<hbm>>
    tpu.enqueue_indirect_dma source(%dma_start3A_108 : memref<100000x64xf32, #tpu.memory_space<hbm>>) target(%dma_start3A_103 : memref<128x64xf32, #tpu.memory_space<vmem>>) offsets(%dma_start3A_105 : memref<128xi32, #tpu.memory_space<vmem>>) semaphore(%arg23 : memref<!tpu.dma_semaphore, #tpu.memory_space<semaphore_mem>>)
    %iota3A = tpu.iota {dimensions = array<i32: 0>} : vector<16xi32>
    %dma_wait3A_109 = arith.constant 0 : i32
    %dma_wait3A_110 = arith.constant 0 : i32
    %dma_wait3A_111 = tpu.memref_slice %arg12[%dma_wait3A_109, %dma_wait3A_110] : memref<512x64xf32, #tpu.memory_space<vmem>> -> memref<128x64xf32, #tpu.memory_space<vmem>>
    %dma_wait3A_112 = arith.constant 0 : i32
    %dma_wait3A_113 = tpu.memref_slice %arg9[%dma_wait3A_112] : memref<512xi32, #tpu.memory_space<vmem>> -> memref<128xi32, #tpu.memory_space<vmem>>
    %dma_wait3A_114 = arith.constant 0 : i32
    %dma_wait3A_115 = arith.constant 0 : i32
    %dma_wait3A_116 = tpu.memref_slice %arg5[%dma_wait3A_114, %dma_wait3A_115] : memref<100000x64xf32, #tpu.memory_space<hbm>> -> memref<100000x64xf32, #tpu.memory_space<hbm>>
    tpu.wait_indirect_dma semaphore(%arg20 : memref<!tpu.dma_semaphore, #tpu.memory_space<semaphore_mem>>) src(%dma_wait3A_116 : memref<100000x64xf32, #tpu.memory_space<hbm>>) dst(%dma_wait3A_111 : memref<128x64xf32, #tpu.memory_space<vmem>>)
    %dma_wait3A_117 = arith.constant 0 : i32
    %dma_wait3A_118 = arith.constant 0 : i32
    %dma_wait3A_119 = tpu.memref_slice %arg13[%dma_wait3A_117, %dma_wait3A_118] : memref<512x64xf32, #tpu.memory_space<vmem>> -> memref<128x64xf32, #tpu.memory_space<vmem>>
    %dma_wait3A_120 = arith.constant 0 : i32
    %dma_wait3A_121 = tpu.memref_slice %arg10[%dma_wait3A_120] : memref<512xi32, #tpu.memory_space<vmem>> -> memref<128xi32, #tpu.memory_space<vmem>>
    %dma_wait3A_122 = arith.constant 0 : i32
    %dma_wait3A_123 = arith.constant 0 : i32
    %dma_wait3A_124 = tpu.memref_slice %arg6[%dma_wait3A_122, %dma_wait3A_123] : memref<100000x64xf32, #tpu.memory_space<hbm>> -> memref<100000x64xf32, #tpu.memory_space<hbm>>
    tpu.wait_indirect_dma semaphore(%arg20 : memref<!tpu.dma_semaphore, #tpu.memory_space<semaphore_mem>>) src(%dma_wait3A_124 : memref<100000x64xf32, #tpu.memory_space<hbm>>) dst(%dma_wait3A_119 : memref<128x64xf32, #tpu.memory_space<vmem>>)
    %dma_wait3A_125 = arith.constant 0 : i32
    %dma_wait3A_126 = arith.constant 0 : i32
    %dma_wait3A_127 = tpu.memref_slice %arg14[%dma_wait3A_125, %dma_wait3A_126] : memref<512x64xf32, #tpu.memory_space<vmem>> -> memref<128x64xf32, #tpu.memory_space<vmem>>
    %dma_wait3A_128 = arith.constant 0 : i32
    %dma_wait3A_129 = tpu.memref_slice %arg11[%dma_wait3A_128] : memref<512xi32, #tpu.memory_space<vmem>> -> memref<128xi32, #tpu.memory_space<vmem>>
    %dma_wait3A_130 = arith.constant 0 : i32
    %dma_wait3A_131 = arith.constant 0 : i32
    %dma_wait3A_132 = tpu.memref_slice %arg6[%dma_wait3A_130, %dma_wait3A_131] : memref<100000x64xf32, #tpu.memory_space<hbm>> -> memref<100000x64xf32, #tpu.memory_space<hbm>>
    tpu.wait_indirect_dma semaphore(%arg20 : memref<!tpu.dma_semaphore, #tpu.memory_space<semaphore_mem>>) src(%dma_wait3A_132 : memref<100000x64xf32, #tpu.memory_space<hbm>>) dst(%dma_wait3A_127 : memref<128x64xf32, #tpu.memory_space<vmem>>)
    %parallel_loop3A = arith.constant 0 : i32
    %parallel_loop3A_133 = arith.constant 128 : i32
    %parallel_loop3A_134 = arith.constant 1 : i32
    scf.for %parallel_loop3A_332 = %parallel_loop3A to %parallel_loop3A_133 step %parallel_loop3A_134  : i32 {
      %parallel_loop3A_333 = arith.index_cast %parallel_loop3A_332 : i32 to index
      %parallel_loop3A_334 = arith.constant 0 : index
      %parallel_loop3A_335 = tpu.vector_load %arg12[%parallel_loop3A_333, %parallel_loop3A_334] {strides = array<i32>} : memref<512x64xf32, #tpu.memory_space<vmem>>, vector<16xf32>,
      %parallel_loop3A_336 = arith.index_cast %parallel_loop3A_332 : i32 to index
      %parallel_loop3A_337 = arith.constant 16 : index
      %parallel_loop3A_338 = tpu.vector_load %arg12[%parallel_loop3A_336, %parallel_loop3A_337] {strides = array<i32>} : memref<512x64xf32, #tpu.memory_space<vmem>>, vector<16xf32>,
      %parallel_loop3A_339 = arith.index_cast %parallel_loop3A_332 : i32 to index
      %parallel_loop3A_340 = arith.constant 32 : index
      %parallel_loop3A_341 = tpu.vector_load %arg12[%parallel_loop3A_339, %parallel_loop3A_340] {strides = array<i32>} : memref<512x64xf32, #tpu.memory_space<vmem>>, vector<16xf32>,
      %parallel_loop3A_342 = arith.index_cast %parallel_loop3A_332 : i32 to index
      %parallel_loop3A_343 = arith.constant 48 : index
      %parallel_loop3A_344 = tpu.vector_load %arg12[%parallel_loop3A_342, %parallel_loop3A_343] {strides = array<i32>} : memref<512x64xf32, #tpu.memory_space<vmem>>, vector<16xf32>,
      %parallel_loop3A_345 = arith.index_cast %parallel_loop3A_332 : i32 to index
      %parallel_loop3A_346 = arith.constant 0 : index
      %parallel_loop3A_347 = tpu.vector_load %arg13[%parallel_loop3A_345, %parallel_loop3A_346] {strides = array<i32>} : memref<512x64xf32, #tpu.memory_space<vmem>>, vector<16xf32>,
      %parallel_loop3A_348 = arith.index_cast %parallel_loop3A_332 : i32 to index
      %parallel_loop3A_349 = arith.constant 16 : index
      %parallel_loop3A_350 = tpu.vector_load %arg13[%parallel_loop3A_348, %parallel_loop3A_349] {strides = array<i32>} : memref<512x64xf32, #tpu.memory_space<vmem>>, vector<16xf32>,
      %parallel_loop3A_351 = arith.index_cast %parallel_loop3A_332 : i32 to index
      %parallel_loop3A_352 = arith.constant 32 : index
      %parallel_loop3A_353 = tpu.vector_load %arg13[%parallel_loop3A_351, %parallel_loop3A_352] {strides = array<i32>} : memref<512x64xf32, #tpu.memory_space<vmem>>, vector<16xf32>,
      %parallel_loop3A_354 = arith.index_cast %parallel_loop3A_332 : i32 to index
      %parallel_loop3A_355 = arith.constant 48 : index
      %parallel_loop3A_356 = tpu.vector_load %arg13[%parallel_loop3A_354, %parallel_loop3A_355] {strides = array<i32>} : memref<512x64xf32, #tpu.memory_space<vmem>>, vector<16xf32>,
      %parallel_loop3A_357 = arith.index_cast %parallel_loop3A_332 : i32 to index
      %parallel_loop3A_358 = arith.constant 0 : index
      %parallel_loop3A_359 = tpu.vector_load %arg14[%parallel_loop3A_357, %parallel_loop3A_358] {strides = array<i32>} : memref<512x64xf32, #tpu.memory_space<vmem>>, vector<16xf32>,
      %parallel_loop3A_360 = arith.index_cast %parallel_loop3A_332 : i32 to index
      %parallel_loop3A_361 = arith.constant 16 : index
      %parallel_loop3A_362 = tpu.vector_load %arg14[%parallel_loop3A_360, %parallel_loop3A_361] {strides = array<i32>} : memref<512x64xf32, #tpu.memory_space<vmem>>, vector<16xf32>,
      %parallel_loop3A_363 = arith.index_cast %parallel_loop3A_332 : i32 to index
      %parallel_loop3A_364 = arith.constant 32 : index
      %parallel_loop3A_365 = tpu.vector_load %arg14[%parallel_loop3A_363, %parallel_loop3A_364] {strides = array<i32>} : memref<512x64xf32, #tpu.memory_space<vmem>>, vector<16xf32>,
      %parallel_loop3A_366 = arith.index_cast %parallel_loop3A_332 : i32 to index
      %parallel_loop3A_367 = arith.constant 48 : index
      %parallel_loop3A_368 = tpu.vector_load %arg14[%parallel_loop3A_366, %parallel_loop3A_367] {strides = array<i32>} : memref<512x64xf32, #tpu.memory_space<vmem>>, vector<16xf32>,
      %parallel_loop3A_369 = arith.mulf %parallel_loop3A_335, %parallel_loop3A_347 : vector<16xf32>
      %parallel_loop3A_370 = arith.mulf %parallel_loop3A_335, %parallel_loop3A_359 : vector<16xf32>
      %parallel_loop3A_371 = arith.mulf %parallel_loop3A_338, %parallel_loop3A_350 : vector<16xf32>
      %parallel_loop3A_372 = arith.addf %parallel_loop3A_369, %parallel_loop3A_371 : vector<16xf32>
      %parallel_loop3A_373 = arith.mulf %parallel_loop3A_338, %parallel_loop3A_362 : vector<16xf32>
      %parallel_loop3A_374 = arith.addf %parallel_loop3A_370, %parallel_loop3A_373 : vector<16xf32>
      %parallel_loop3A_375 = arith.mulf %parallel_loop3A_341, %parallel_loop3A_353 : vector<16xf32>
      %parallel_loop3A_376 = arith.addf %parallel_loop3A_372, %parallel_loop3A_375 : vector<16xf32>
      %parallel_loop3A_377 = arith.mulf %parallel_loop3A_341, %parallel_loop3A_365 : vector<16xf32>
      %parallel_loop3A_378 = arith.addf %parallel_loop3A_374, %parallel_loop3A_377 : vector<16xf32>
      %parallel_loop3A_379 = arith.mulf %parallel_loop3A_344, %parallel_loop3A_356 : vector<16xf32>
      %parallel_loop3A_380 = arith.addf %parallel_loop3A_376, %parallel_loop3A_379 : vector<16xf32>
      %parallel_loop3A_381 = arith.mulf %parallel_loop3A_344, %parallel_loop3A_368 : vector<16xf32>
      %parallel_loop3A_382 = arith.addf %parallel_loop3A_378, %parallel_loop3A_381 : vector<16xf32>
      %parallel_loop3A_383 = arith.index_cast %parallel_loop3A_332 : i32 to index
      %parallel_loop3A_384 = arith.constant 0 : index
      %parallel_loop3A_385 = tpu.vector_load %arg15[%parallel_loop3A_383, %parallel_loop3A_384] {strides = array<i32>} : memref<512x16xf32, #tpu.memory_space<vmem>>, vector<16xf32>,
      tpu.vector_store %arg15[%parallel_loop3A_383, %parallel_loop3A_384], %parallel_loop3A_380 {strides = array<i32>} : memref<512x16xf32, #tpu.memory_space<vmem>>, vector<16xf32>,
      %parallel_loop3A_386 = arith.index_cast %parallel_loop3A_332 : i32 to index
      %parallel_loop3A_387 = arith.constant 0 : index
      %parallel_loop3A_388 = tpu.vector_load %arg16[%parallel_loop3A_386, %parallel_loop3A_387] {strides = array<i32>} : memref<512x16xf32, #tpu.memory_space<vmem>>, vector<16xf32>,
      tpu.vector_store %arg16[%parallel_loop3A_386, %parallel_loop3A_387], %parallel_loop3A_382 {strides = array<i32>} : memref<512x16xf32, #tpu.memory_space<vmem>>, vector<16xf32>,
    } {sc.loop_unroll_factor = 4 : i64, sc.parallel_access}
    %parallel_loop3A_135 = arith.constant 0 : i32
    %parallel_loop3A_136 = arith.constant 8 : i32
    %parallel_loop3A_137 = arith.constant 1 : i32
    scf.for %parallel_loop3A_332 = %parallel_loop3A_135 to %parallel_loop3A_136 step %parallel_loop3A_137  : i32 {
      %parallel_loop3A_333 = arith.constant 16 : i32
      %parallel_loop3A_334 = arith.muli %parallel_loop3A_332, %parallel_loop3A_333 : i32
      %parallel_loop3A_335 = vector.broadcast %parallel_loop3A_334 : i32 to vector<16xi32>
      %parallel_loop3A_336 = arith.addi %iota3A, %parallel_loop3A_335 : vector<16xi32>
      %parallel_loop3A_337 = arith.constant 0.000000e+00 : f32
      %parallel_loop3A_338 = vector.broadcast %parallel_loop3A_337 : f32 to vector<16xf32>
      %parallel_loop3A_339 = arith.constant 0.000000e+00 : f32
      %parallel_loop3A_340 = vector.broadcast %parallel_loop3A_339 : f32 to vector<16xf32>
      %parallel_loop3A_341 = arith.constant 0 : i32
      %parallel_loop3A_342 = vector.broadcast %parallel_loop3A_341 : i32 to vector<16xi32>
      %parallel_loop3A_343 = tpu.vector_load_idx %arg15[%parallel_loop3A_336, %parallel_loop3A_342] : memref<512x16xf32, #tpu.memory_space<vmem>>[vector<16xi32>, vector<16xi32>], vector<16xf32>,
      %parallel_loop3A_344 = arith.addf %parallel_loop3A_338, %parallel_loop3A_343 : vector<16xf32>
      %parallel_loop3A_345 = tpu.vector_load_idx %arg16[%parallel_loop3A_336, %parallel_loop3A_342] : memref<512x16xf32, #tpu.memory_space<vmem>>[vector<16xi32>, vector<16xi32>], vector<16xf32>,
      %parallel_loop3A_346 = arith.addf %parallel_loop3A_340, %parallel_loop3A_345 : vector<16xf32>
      %parallel_loop3A_347 = arith.constant 1 : i32
      %parallel_loop3A_348 = vector.broadcast %parallel_loop3A_347 : i32 to vector<16xi32>
      %parallel_loop3A_349 = tpu.vector_load_idx %arg15[%parallel_loop3A_336, %parallel_loop3A_348] : memref<512x16xf32, #tpu.memory_space<vmem>>[vector<16xi32>, vector<16xi32>], vector<16xf32>,
      %parallel_loop3A_350 = arith.addf %parallel_loop3A_344, %parallel_loop3A_349 : vector<16xf32>
      %parallel_loop3A_351 = tpu.vector_load_idx %arg16[%parallel_loop3A_336, %parallel_loop3A_348] : memref<512x16xf32, #tpu.memory_space<vmem>>[vector<16xi32>, vector<16xi32>], vector<16xf32>,
      %parallel_loop3A_352 = arith.addf %parallel_loop3A_346, %parallel_loop3A_351 : vector<16xf32>
      %parallel_loop3A_353 = arith.constant 2 : i32
      %parallel_loop3A_354 = vector.broadcast %parallel_loop3A_353 : i32 to vector<16xi32>
      %parallel_loop3A_355 = tpu.vector_load_idx %arg15[%parallel_loop3A_336, %parallel_loop3A_354] : memref<512x16xf32, #tpu.memory_space<vmem>>[vector<16xi32>, vector<16xi32>], vector<16xf32>,
      %parallel_loop3A_356 = arith.addf %parallel_loop3A_350, %parallel_loop3A_355 : vector<16xf32>
      %parallel_loop3A_357 = tpu.vector_load_idx %arg16[%parallel_loop3A_336, %parallel_loop3A_354] : memref<512x16xf32, #tpu.memory_space<vmem>>[vector<16xi32>, vector<16xi32>], vector<16xf32>,
      %parallel_loop3A_358 = arith.addf %parallel_loop3A_352, %parallel_loop3A_357 : vector<16xf32>
      %parallel_loop3A_359 = arith.constant 3 : i32
      %parallel_loop3A_360 = vector.broadcast %parallel_loop3A_359 : i32 to vector<16xi32>
      %parallel_loop3A_361 = tpu.vector_load_idx %arg15[%parallel_loop3A_336, %parallel_loop3A_360] : memref<512x16xf32, #tpu.memory_space<vmem>>[vector<16xi32>, vector<16xi32>], vector<16xf32>,
      %parallel_loop3A_362 = arith.addf %parallel_loop3A_356, %parallel_loop3A_361 : vector<16xf32>
      %parallel_loop3A_363 = tpu.vector_load_idx %arg16[%parallel_loop3A_336, %parallel_loop3A_360] : memref<512x16xf32, #tpu.memory_space<vmem>>[vector<16xi32>, vector<16xi32>], vector<16xf32>,
      %parallel_loop3A_364 = arith.addf %parallel_loop3A_358, %parallel_loop3A_363 : vector<16xf32>
      %parallel_loop3A_365 = arith.constant 4 : i32
      %parallel_loop3A_366 = vector.broadcast %parallel_loop3A_365 : i32 to vector<16xi32>
      %parallel_loop3A_367 = tpu.vector_load_idx %arg15[%parallel_loop3A_336, %parallel_loop3A_366] : memref<512x16xf32, #tpu.memory_space<vmem>>[vector<16xi32>, vector<16xi32>], vector<16xf32>,
      %parallel_loop3A_368 = arith.addf %parallel_loop3A_362, %parallel_loop3A_367 : vector<16xf32>
      %parallel_loop3A_369 = tpu.vector_load_idx %arg16[%parallel_loop3A_336, %parallel_loop3A_366] : memref<512x16xf32, #tpu.memory_space<vmem>>[vector<16xi32>, vector<16xi32>], vector<16xf32>,
      %parallel_loop3A_370 = arith.addf %parallel_loop3A_364, %parallel_loop3A_369 : vector<16xf32>
      %parallel_loop3A_371 = arith.constant 5 : i32
      %parallel_loop3A_372 = vector.broadcast %parallel_loop3A_371 : i32 to vector<16xi32>
      %parallel_loop3A_373 = tpu.vector_load_idx %arg15[%parallel_loop3A_336, %parallel_loop3A_372] : memref<512x16xf32, #tpu.memory_space<vmem>>[vector<16xi32>, vector<16xi32>], vector<16xf32>,
      %parallel_loop3A_374 = arith.addf %parallel_loop3A_368, %parallel_loop3A_373 : vector<16xf32>
      %parallel_loop3A_375 = tpu.vector_load_idx %arg16[%parallel_loop3A_336, %parallel_loop3A_372] : memref<512x16xf32, #tpu.memory_space<vmem>>[vector<16xi32>, vector<16xi32>], vector<16xf32>,
      %parallel_loop3A_376 = arith.addf %parallel_loop3A_370, %parallel_loop3A_375 : vector<16xf32>
      %parallel_loop3A_377 = arith.constant 6 : i32
      %parallel_loop3A_378 = vector.broadcast %parallel_loop3A_377 : i32 to vector<16xi32>
      %parallel_loop3A_379 = tpu.vector_load_idx %arg15[%parallel_loop3A_336, %parallel_loop3A_378] : memref<512x16xf32, #tpu.memory_space<vmem>>[vector<16xi32>, vector<16xi32>], vector<16xf32>,
      %parallel_loop3A_380 = arith.addf %parallel_loop3A_374, %parallel_loop3A_379 : vector<16xf32>
      %parallel_loop3A_381 = tpu.vector_load_idx %arg16[%parallel_loop3A_336, %parallel_loop3A_378] : memref<512x16xf32, #tpu.memory_space<vmem>>[vector<16xi32>, vector<16xi32>], vector<16xf32>,
      %parallel_loop3A_382 = arith.addf %parallel_loop3A_376, %parallel_loop3A_381 : vector<16xf32>
      %parallel_loop3A_383 = arith.constant 7 : i32
      %parallel_loop3A_384 = vector.broadcast %parallel_loop3A_383 : i32 to vector<16xi32>
      %parallel_loop3A_385 = tpu.vector_load_idx %arg15[%parallel_loop3A_336, %parallel_loop3A_384] : memref<512x16xf32, #tpu.memory_space<vmem>>[vector<16xi32>, vector<16xi32>], vector<16xf32>,
      %parallel_loop3A_386 = arith.addf %parallel_loop3A_380, %parallel_loop3A_385 : vector<16xf32>
      %parallel_loop3A_387 = tpu.vector_load_idx %arg16[%parallel_loop3A_336, %parallel_loop3A_384] : memref<512x16xf32, #tpu.memory_space<vmem>>[vector<16xi32>, vector<16xi32>], vector<16xf32>,
      %parallel_loop3A_388 = arith.addf %parallel_loop3A_382, %parallel_loop3A_387 : vector<16xf32>
      %parallel_loop3A_389 = arith.constant 8 : i32
      %parallel_loop3A_390 = vector.broadcast %parallel_loop3A_389 : i32 to vector<16xi32>
      %parallel_loop3A_391 = tpu.vector_load_idx %arg15[%parallel_loop3A_336, %parallel_loop3A_390] : memref<512x16xf32, #tpu.memory_space<vmem>>[vector<16xi32>, vector<16xi32>], vector<16xf32>,
      %parallel_loop3A_392 = arith.addf %parallel_loop3A_386, %parallel_loop3A_391 : vector<16xf32>
      %parallel_loop3A_393 = tpu.vector_load_idx %arg16[%parallel_loop3A_336, %parallel_loop3A_390] : memref<512x16xf32, #tpu.memory_space<vmem>>[vector<16xi32>, vector<16xi32>], vector<16xf32>,
      %parallel_loop3A_394 = arith.addf %parallel_loop3A_388, %parallel_loop3A_393 : vector<16xf32>
      %parallel_loop3A_395 = arith.constant 9 : i32
      %parallel_loop3A_396 = vector.broadcast %parallel_loop3A_395 : i32 to vector<16xi32>
      %parallel_loop3A_397 = tpu.vector_load_idx %arg15[%parallel_loop3A_336, %parallel_loop3A_396] : memref<512x16xf32, #tpu.memory_space<vmem>>[vector<16xi32>, vector<16xi32>], vector<16xf32>,
      %parallel_loop3A_398 = arith.addf %parallel_loop3A_392, %parallel_loop3A_397 : vector<16xf32>
      %parallel_loop3A_399 = tpu.vector_load_idx %arg16[%parallel_loop3A_336, %parallel_loop3A_396] : memref<512x16xf32, #tpu.memory_space<vmem>>[vector<16xi32>, vector<16xi32>], vector<16xf32>,
      %parallel_loop3A_400 = arith.addf %parallel_loop3A_394, %parallel_loop3A_399 : vector<16xf32>
      %parallel_loop3A_401 = arith.constant 10 : i32
      %parallel_loop3A_402 = vector.broadcast %parallel_loop3A_401 : i32 to vector<16xi32>
      %parallel_loop3A_403 = tpu.vector_load_idx %arg15[%parallel_loop3A_336, %parallel_loop3A_402] : memref<512x16xf32, #tpu.memory_space<vmem>>[vector<16xi32>, vector<16xi32>], vector<16xf32>,
      %parallel_loop3A_404 = arith.addf %parallel_loop3A_398, %parallel_loop3A_403 : vector<16xf32>
      %parallel_loop3A_405 = tpu.vector_load_idx %arg16[%parallel_loop3A_336, %parallel_loop3A_402] : memref<512x16xf32, #tpu.memory_space<vmem>>[vector<16xi32>, vector<16xi32>], vector<16xf32>,
      %parallel_loop3A_406 = arith.addf %parallel_loop3A_400, %parallel_loop3A_405 : vector<16xf32>
      %parallel_loop3A_407 = arith.constant 11 : i32
      %parallel_loop3A_408 = vector.broadcast %parallel_loop3A_407 : i32 to vector<16xi32>
      %parallel_loop3A_409 = tpu.vector_load_idx %arg15[%parallel_loop3A_336, %parallel_loop3A_408] : memref<512x16xf32, #tpu.memory_space<vmem>>[vector<16xi32>, vector<16xi32>], vector<16xf32>,
      %parallel_loop3A_410 = arith.addf %parallel_loop3A_404, %parallel_loop3A_409 : vector<16xf32>
      %parallel_loop3A_411 = tpu.vector_load_idx %arg16[%parallel_loop3A_336, %parallel_loop3A_408] : memref<512x16xf32, #tpu.memory_space<vmem>>[vector<16xi32>, vector<16xi32>], vector<16xf32>,
      %parallel_loop3A_412 = arith.addf %parallel_loop3A_406, %parallel_loop3A_411 : vector<16xf32>
      %parallel_loop3A_413 = arith.constant 12 : i32
      %parallel_loop3A_414 = vector.broadcast %parallel_loop3A_413 : i32 to vector<16xi32>
      %parallel_loop3A_415 = tpu.vector_load_idx %arg15[%parallel_loop3A_336, %parallel_loop3A_414] : memref<512x16xf32, #tpu.memory_space<vmem>>[vector<16xi32>, vector<16xi32>], vector<16xf32>,
      %parallel_loop3A_416 = arith.addf %parallel_loop3A_410, %parallel_loop3A_415 : vector<16xf32>
      %parallel_loop3A_417 = tpu.vector_load_idx %arg16[%parallel_loop3A_336, %parallel_loop3A_414] : memref<512x16xf32, #tpu.memory_space<vmem>>[vector<16xi32>, vector<16xi32>], vector<16xf32>,
      %parallel_loop3A_418 = arith.addf %parallel_loop3A_412, %parallel_loop3A_417 : vector<16xf32>
      %parallel_loop3A_419 = arith.constant 13 : i32
      %parallel_loop3A_420 = vector.broadcast %parallel_loop3A_419 : i32 to vector<16xi32>
      %parallel_loop3A_421 = tpu.vector_load_idx %arg15[%parallel_loop3A_336, %parallel_loop3A_420] : memref<512x16xf32, #tpu.memory_space<vmem>>[vector<16xi32>, vector<16xi32>], vector<16xf32>,
      %parallel_loop3A_422 = arith.addf %parallel_loop3A_416, %parallel_loop3A_421 : vector<16xf32>
      %parallel_loop3A_423 = tpu.vector_load_idx %arg16[%parallel_loop3A_336, %parallel_loop3A_420] : memref<512x16xf32, #tpu.memory_space<vmem>>[vector<16xi32>, vector<16xi32>], vector<16xf32>,
      %parallel_loop3A_424 = arith.addf %parallel_loop3A_418, %parallel_loop3A_423 : vector<16xf32>
      %parallel_loop3A_425 = arith.constant 14 : i32
      %parallel_loop3A_426 = vector.broadcast %parallel_loop3A_425 : i32 to vector<16xi32>
      %parallel_loop3A_427 = tpu.vector_load_idx %arg15[%parallel_loop3A_336, %parallel_loop3A_426] : memref<512x16xf32, #tpu.memory_space<vmem>>[vector<16xi32>, vector<16xi32>], vector<16xf32>,
      %parallel_loop3A_428 = arith.addf %parallel_loop3A_422, %parallel_loop3A_427 : vector<16xf32>
      %parallel_loop3A_429 = tpu.vector_load_idx %arg16[%parallel_loop3A_336, %parallel_loop3A_426] : memref<512x16xf32, #tpu.memory_space<vmem>>[vector<16xi32>, vector<16xi32>], vector<16xf32>,
      %parallel_loop3A_430 = arith.addf %parallel_loop3A_424, %parallel_loop3A_429 : vector<16xf32>
      %parallel_loop3A_431 = arith.constant 15 : i32
      %parallel_loop3A_432 = vector.broadcast %parallel_loop3A_431 : i32 to vector<16xi32>
      %parallel_loop3A_433 = tpu.vector_load_idx %arg15[%parallel_loop3A_336, %parallel_loop3A_432] : memref<512x16xf32, #tpu.memory_space<vmem>>[vector<16xi32>, vector<16xi32>], vector<16xf32>,
      %parallel_loop3A_434 = arith.addf %parallel_loop3A_428, %parallel_loop3A_433 : vector<16xf32>
      %parallel_loop3A_435 = tpu.vector_load_idx %arg16[%parallel_loop3A_336, %parallel_loop3A_432] : memref<512x16xf32, #tpu.memory_space<vmem>>[vector<16xi32>, vector<16xi32>], vector<16xf32>,
      %parallel_loop3A_436 = arith.addf %parallel_loop3A_430, %parallel_loop3A_435 : vector<16xf32>
      %parallel_loop3A_437 = arith.index_cast %parallel_loop3A_334 : i32 to index
      %parallel_loop3A_438 = tpu.vector_load %arg17[%parallel_loop3A_437] {strides = array<i32>} : memref<512xf32, #tpu.memory_space<vmem>>, vector<16xf32>,
      tpu.vector_store %arg17[%parallel_loop3A_437], %parallel_loop3A_434 {strides = array<i32>} : memref<512xf32, #tpu.memory_space<vmem>>, vector<16xf32>,
      %parallel_loop3A_439 = arith.index_cast %parallel_loop3A_334 : i32 to index
      %parallel_loop3A_440 = tpu.vector_load %arg18[%parallel_loop3A_439] {strides = array<i32>} : memref<512xf32, #tpu.memory_space<vmem>>, vector<16xf32>,
      tpu.vector_store %arg18[%parallel_loop3A_439], %parallel_loop3A_436 {strides = array<i32>} : memref<512xf32, #tpu.memory_space<vmem>>, vector<16xf32>,
    } {sc.loop_unroll_factor = 2 : i64, sc.parallel_access}
    %add3A_138 = arith.constant 0 : i32
    %add3A_139 = arith.addi %mul3A_2, %add3A_138 : i32
    %dma_start3A_140 = arith.constant 0 : i32
    %dma_start3A_141 = tpu.memref_slice %arg17[%dma_start3A_140] : memref<512xf32, #tpu.memory_space<vmem>> -> memref<128xf32, #tpu.memory_space<vmem>>
    %dma_start3A_142 = tpu.memref_slice %arg7[%add3A_139] : memref<16384xf32, #tpu.memory_space<hbm>> -> memref<128xf32, #tpu.memory_space<hbm>>
    %dma_start3A_143 = tpu.memref_slice %arg7[%add3A_139] : memref<16384xf32, #tpu.memory_space<hbm>> -> memref<128xf32, #tpu.memory_space<hbm>>
    %dma_start3A_144 = arith.constant 0 : i32
    %dma_start3A_145 = tpu.memref_slice %arg17[%dma_start3A_144] : memref<512xf32, #tpu.memory_space<vmem>> -> memref<128xf32, #tpu.memory_space<vmem>>
    tpu.enqueue_dma source(%dma_start3A_145 : memref<128xf32, #tpu.memory_space<vmem>>) target(%dma_start3A_143 : memref<128xf32, #tpu.memory_space<hbm>>) target_semaphore(%arg24 : memref<!tpu.dma_semaphore, #tpu.memory_space<semaphore_mem>>)
    %dma_start3A_146 = arith.constant 0 : i32
    %dma_start3A_147 = tpu.memref_slice %arg18[%dma_start3A_146] : memref<512xf32, #tpu.memory_space<vmem>> -> memref<128xf32, #tpu.memory_space<vmem>>
    %dma_start3A_148 = tpu.memref_slice %arg8[%add3A_139] : memref<16384xf32, #tpu.memory_space<hbm>> -> memref<128xf32, #tpu.memory_space<hbm>>
    %dma_start3A_149 = tpu.memref_slice %arg8[%add3A_139] : memref<16384xf32, #tpu.memory_space<hbm>> -> memref<128xf32, #tpu.memory_space<hbm>>
    %dma_start3A_150 = arith.constant 0 : i32
    %dma_start3A_151 = tpu.memref_slice %arg18[%dma_start3A_150] : memref<512xf32, #tpu.memory_space<vmem>> -> memref<128xf32, #tpu.memory_space<vmem>>
    tpu.enqueue_dma source(%dma_start3A_151 : memref<128xf32, #tpu.memory_space<vmem>>) target(%dma_start3A_149 : memref<128xf32, #tpu.memory_space<hbm>>) target_semaphore(%arg24 : memref<!tpu.dma_semaphore, #tpu.memory_space<semaphore_mem>>)
    %dma_wait3A_152 = arith.constant 128 : i32
    %dma_wait3A_153 = arith.constant 0 : i32
    %dma_wait3A_154 = tpu.memref_slice %arg12[%dma_wait3A_152, %dma_wait3A_153] : memref<512x64xf32, #tpu.memory_space<vmem>> -> memref<128x64xf32, #tpu.memory_space<vmem>>
    %dma_wait3A_155 = arith.constant 128 : i32
    %dma_wait3A_156 = tpu.memref_slice %arg9[%dma_wait3A_155] : memref<512xi32, #tpu.memory_space<vmem>> -> memref<128xi32, #tpu.memory_space<vmem>>
    %dma_wait3A_157 = arith.constant 0 : i32
    %dma_wait3A_158 = arith.constant 0 : i32
    %dma_wait3A_159 = tpu.memref_slice %arg5[%dma_wait3A_157, %dma_wait3A_158] : memref<100000x64xf32, #tpu.memory_space<hbm>> -> memref<100000x64xf32, #tpu.memory_space<hbm>>
    tpu.wait_indirect_dma semaphore(%arg21 : memref<!tpu.dma_semaphore, #tpu.memory_space<semaphore_mem>>) src(%dma_wait3A_159 : memref<100000x64xf32, #tpu.memory_space<hbm>>) dst(%dma_wait3A_154 : memref<128x64xf32, #tpu.memory_space<vmem>>)
    %dma_wait3A_160 = arith.constant 128 : i32
    %dma_wait3A_161 = arith.constant 0 : i32
    %dma_wait3A_162 = tpu.memref_slice %arg13[%dma_wait3A_160, %dma_wait3A_161] : memref<512x64xf32, #tpu.memory_space<vmem>> -> memref<128x64xf32, #tpu.memory_space<vmem>>
    %dma_wait3A_163 = arith.constant 128 : i32
    %dma_wait3A_164 = tpu.memref_slice %arg10[%dma_wait3A_163] : memref<512xi32, #tpu.memory_space<vmem>> -> memref<128xi32, #tpu.memory_space<vmem>>
    %dma_wait3A_165 = arith.constant 0 : i32
    %dma_wait3A_166 = arith.constant 0 : i32
    %dma_wait3A_167 = tpu.memref_slice %arg6[%dma_wait3A_165, %dma_wait3A_166] : memref<100000x64xf32, #tpu.memory_space<hbm>> -> memref<100000x64xf32, #tpu.memory_space<hbm>>
    tpu.wait_indirect_dma semaphore(%arg21 : memref<!tpu.dma_semaphore, #tpu.memory_space<semaphore_mem>>) src(%dma_wait3A_167 : memref<100000x64xf32, #tpu.memory_space<hbm>>) dst(%dma_wait3A_162 : memref<128x64xf32, #tpu.memory_space<vmem>>)
    %dma_wait3A_168 = arith.constant 128 : i32
    %dma_wait3A_169 = arith.constant 0 : i32
    %dma_wait3A_170 = tpu.memref_slice %arg14[%dma_wait3A_168, %dma_wait3A_169] : memref<512x64xf32, #tpu.memory_space<vmem>> -> memref<128x64xf32, #tpu.memory_space<vmem>>
    %dma_wait3A_171 = arith.constant 128 : i32
    %dma_wait3A_172 = tpu.memref_slice %arg11[%dma_wait3A_171] : memref<512xi32, #tpu.memory_space<vmem>> -> memref<128xi32, #tpu.memory_space<vmem>>
    %dma_wait3A_173 = arith.constant 0 : i32
    %dma_wait3A_174 = arith.constant 0 : i32
    %dma_wait3A_175 = tpu.memref_slice %arg6[%dma_wait3A_173, %dma_wait3A_174] : memref<100000x64xf32, #tpu.memory_space<hbm>> -> memref<100000x64xf32, #tpu.memory_space<hbm>>
    tpu.wait_indirect_dma semaphore(%arg21 : memref<!tpu.dma_semaphore, #tpu.memory_space<semaphore_mem>>) src(%dma_wait3A_175 : memref<100000x64xf32, #tpu.memory_space<hbm>>) dst(%dma_wait3A_170 : memref<128x64xf32, #tpu.memory_space<vmem>>)
    %parallel_loop3A_176 = arith.constant 128 : i32
    %parallel_loop3A_177 = arith.constant 256 : i32
    %parallel_loop3A_178 = arith.constant 1 : i32
    scf.for %parallel_loop3A_332 = %parallel_loop3A_176 to %parallel_loop3A_177 step %parallel_loop3A_178  : i32 {
      %parallel_loop3A_333 = arith.index_cast %parallel_loop3A_332 : i32 to index
      %parallel_loop3A_334 = arith.constant 0 : index
      %parallel_loop3A_335 = tpu.vector_load %arg12[%parallel_loop3A_333, %parallel_loop3A_334] {strides = array<i32>} : memref<512x64xf32, #tpu.memory_space<vmem>>, vector<16xf32>,
      %parallel_loop3A_336 = arith.index_cast %parallel_loop3A_332 : i32 to index
      %parallel_loop3A_337 = arith.constant 16 : index
      %parallel_loop3A_338 = tpu.vector_load %arg12[%parallel_loop3A_336, %parallel_loop3A_337] {strides = array<i32>} : memref<512x64xf32, #tpu.memory_space<vmem>>, vector<16xf32>,
      %parallel_loop3A_339 = arith.index_cast %parallel_loop3A_332 : i32 to index
      %parallel_loop3A_340 = arith.constant 32 : index
      %parallel_loop3A_341 = tpu.vector_load %arg12[%parallel_loop3A_339, %parallel_loop3A_340] {strides = array<i32>} : memref<512x64xf32, #tpu.memory_space<vmem>>, vector<16xf32>,
      %parallel_loop3A_342 = arith.index_cast %parallel_loop3A_332 : i32 to index
      %parallel_loop3A_343 = arith.constant 48 : index
      %parallel_loop3A_344 = tpu.vector_load %arg12[%parallel_loop3A_342, %parallel_loop3A_343] {strides = array<i32>} : memref<512x64xf32, #tpu.memory_space<vmem>>, vector<16xf32>,
      %parallel_loop3A_345 = arith.index_cast %parallel_loop3A_332 : i32 to index
      %parallel_loop3A_346 = arith.constant 0 : index
      %parallel_loop3A_347 = tpu.vector_load %arg13[%parallel_loop3A_345, %parallel_loop3A_346] {strides = array<i32>} : memref<512x64xf32, #tpu.memory_space<vmem>>, vector<16xf32>,
      %parallel_loop3A_348 = arith.index_cast %parallel_loop3A_332 : i32 to index
      %parallel_loop3A_349 = arith.constant 16 : index
      %parallel_loop3A_350 = tpu.vector_load %arg13[%parallel_loop3A_348, %parallel_loop3A_349] {strides = array<i32>} : memref<512x64xf32, #tpu.memory_space<vmem>>, vector<16xf32>,
      %parallel_loop3A_351 = arith.index_cast %parallel_loop3A_332 : i32 to index
      %parallel_loop3A_352 = arith.constant 32 : index
      %parallel_loop3A_353 = tpu.vector_load %arg13[%parallel_loop3A_351, %parallel_loop3A_352] {strides = array<i32>} : memref<512x64xf32, #tpu.memory_space<vmem>>, vector<16xf32>,
      %parallel_loop3A_354 = arith.index_cast %parallel_loop3A_332 : i32 to index
      %parallel_loop3A_355 = arith.constant 48 : index
      %parallel_loop3A_356 = tpu.vector_load %arg13[%parallel_loop3A_354, %parallel_loop3A_355] {strides = array<i32>} : memref<512x64xf32, #tpu.memory_space<vmem>>, vector<16xf32>,
      %parallel_loop3A_357 = arith.index_cast %parallel_loop3A_332 : i32 to index
      %parallel_loop3A_358 = arith.constant 0 : index
      %parallel_loop3A_359 = tpu.vector_load %arg14[%parallel_loop3A_357, %parallel_loop3A_358] {strides = array<i32>} : memref<512x64xf32, #tpu.memory_space<vmem>>, vector<16xf32>,
      %parallel_loop3A_360 = arith.index_cast %parallel_loop3A_332 : i32 to index
      %parallel_loop3A_361 = arith.constant 16 : index
      %parallel_loop3A_362 = tpu.vector_load %arg14[%parallel_loop3A_360, %parallel_loop3A_361] {strides = array<i32>} : memref<512x64xf32, #tpu.memory_space<vmem>>, vector<16xf32>,
      %parallel_loop3A_363 = arith.index_cast %parallel_loop3A_332 : i32 to index
      %parallel_loop3A_364 = arith.constant 32 : index
      %parallel_loop3A_365 = tpu.vector_load %arg14[%parallel_loop3A_363, %parallel_loop3A_364] {strides = array<i32>} : memref<512x64xf32, #tpu.memory_space<vmem>>, vector<16xf32>,
      %parallel_loop3A_366 = arith.index_cast %parallel_loop3A_332 : i32 to index
      %parallel_loop3A_367 = arith.constant 48 : index
      %parallel_loop3A_368 = tpu.vector_load %arg14[%parallel_loop3A_366, %parallel_loop3A_367] {strides = array<i32>} : memref<512x64xf32, #tpu.memory_space<vmem>>, vector<16xf32>,
      %parallel_loop3A_369 = arith.mulf %parallel_loop3A_335, %parallel_loop3A_347 : vector<16xf32>
      %parallel_loop3A_370 = arith.mulf %parallel_loop3A_335, %parallel_loop3A_359 : vector<16xf32>
      %parallel_loop3A_371 = arith.mulf %parallel_loop3A_338, %parallel_loop3A_350 : vector<16xf32>
      %parallel_loop3A_372 = arith.addf %parallel_loop3A_369, %parallel_loop3A_371 : vector<16xf32>
      %parallel_loop3A_373 = arith.mulf %parallel_loop3A_338, %parallel_loop3A_362 : vector<16xf32>
      %parallel_loop3A_374 = arith.addf %parallel_loop3A_370, %parallel_loop3A_373 : vector<16xf32>
      %parallel_loop3A_375 = arith.mulf %parallel_loop3A_341, %parallel_loop3A_353 : vector<16xf32>
      %parallel_loop3A_376 = arith.addf %parallel_loop3A_372, %parallel_loop3A_375 : vector<16xf32>
      %parallel_loop3A_377 = arith.mulf %parallel_loop3A_341, %parallel_loop3A_365 : vector<16xf32>
      %parallel_loop3A_378 = arith.addf %parallel_loop3A_374, %parallel_loop3A_377 : vector<16xf32>
      %parallel_loop3A_379 = arith.mulf %parallel_loop3A_344, %parallel_loop3A_356 : vector<16xf32>
      %parallel_loop3A_380 = arith.addf %parallel_loop3A_376, %parallel_loop3A_379 : vector<16xf32>
      %parallel_loop3A_381 = arith.mulf %parallel_loop3A_344, %parallel_loop3A_368 : vector<16xf32>
      %parallel_loop3A_382 = arith.addf %parallel_loop3A_378, %parallel_loop3A_381 : vector<16xf32>
      %parallel_loop3A_383 = arith.index_cast %parallel_loop3A_332 : i32 to index
      %parallel_loop3A_384 = arith.constant 0 : index
      %parallel_loop3A_385 = tpu.vector_load %arg15[%parallel_loop3A_383, %parallel_loop3A_384] {strides = array<i32>} : memref<512x16xf32, #tpu.memory_space<vmem>>, vector<16xf32>,
      tpu.vector_store %arg15[%parallel_loop3A_383, %parallel_loop3A_384], %parallel_loop3A_380 {strides = array<i32>} : memref<512x16xf32, #tpu.memory_space<vmem>>, vector<16xf32>,
      %parallel_loop3A_386 = arith.index_cast %parallel_loop3A_332 : i32 to index
      %parallel_loop3A_387 = arith.constant 0 : index
      %parallel_loop3A_388 = tpu.vector_load %arg16[%parallel_loop3A_386, %parallel_loop3A_387] {strides = array<i32>} : memref<512x16xf32, #tpu.memory_space<vmem>>, vector<16xf32>,
      tpu.vector_store %arg16[%parallel_loop3A_386, %parallel_loop3A_387], %parallel_loop3A_382 {strides = array<i32>} : memref<512x16xf32, #tpu.memory_space<vmem>>, vector<16xf32>,
    } {sc.loop_unroll_factor = 4 : i64, sc.parallel_access}
    %parallel_loop3A_179 = arith.constant 8 : i32
    %parallel_loop3A_180 = arith.constant 16 : i32
    %parallel_loop3A_181 = arith.constant 1 : i32
    scf.for %parallel_loop3A_332 = %parallel_loop3A_179 to %parallel_loop3A_180 step %parallel_loop3A_181  : i32 {
      %parallel_loop3A_333 = arith.constant 16 : i32
      %parallel_loop3A_334 = arith.muli %parallel_loop3A_332, %parallel_loop3A_333 : i32
      %parallel_loop3A_335 = vector.broadcast %parallel_loop3A_334 : i32 to vector<16xi32>
      %parallel_loop3A_336 = arith.addi %iota3A, %parallel_loop3A_335 : vector<16xi32>
      %parallel_loop3A_337 = arith.constant 0.000000e+00 : f32
      %parallel_loop3A_338 = vector.broadcast %parallel_loop3A_337 : f32 to vector<16xf32>
      %parallel_loop3A_339 = arith.constant 0.000000e+00 : f32
      %parallel_loop3A_340 = vector.broadcast %parallel_loop3A_339 : f32 to vector<16xf32>
      %parallel_loop3A_341 = arith.constant 0 : i32
      %parallel_loop3A_342 = vector.broadcast %parallel_loop3A_341 : i32 to vector<16xi32>
      %parallel_loop3A_343 = tpu.vector_load_idx %arg15[%parallel_loop3A_336, %parallel_loop3A_342] : memref<512x16xf32, #tpu.memory_space<vmem>>[vector<16xi32>, vector<16xi32>], vector<16xf32>,
      %parallel_loop3A_344 = arith.addf %parallel_loop3A_338, %parallel_loop3A_343 : vector<16xf32>
      %parallel_loop3A_345 = tpu.vector_load_idx %arg16[%parallel_loop3A_336, %parallel_loop3A_342] : memref<512x16xf32, #tpu.memory_space<vmem>>[vector<16xi32>, vector<16xi32>], vector<16xf32>,
      %parallel_loop3A_346 = arith.addf %parallel_loop3A_340, %parallel_loop3A_345 : vector<16xf32>
      %parallel_loop3A_347 = arith.constant 1 : i32
      %parallel_loop3A_348 = vector.broadcast %parallel_loop3A_347 : i32 to vector<16xi32>
      %parallel_loop3A_349 = tpu.vector_load_idx %arg15[%parallel_loop3A_336, %parallel_loop3A_348] : memref<512x16xf32, #tpu.memory_space<vmem>>[vector<16xi32>, vector<16xi32>], vector<16xf32>,
      %parallel_loop3A_350 = arith.addf %parallel_loop3A_344, %parallel_loop3A_349 : vector<16xf32>
      %parallel_loop3A_351 = tpu.vector_load_idx %arg16[%parallel_loop3A_336, %parallel_loop3A_348] : memref<512x16xf32, #tpu.memory_space<vmem>>[vector<16xi32>, vector<16xi32>], vector<16xf32>,
      %parallel_loop3A_352 = arith.addf %parallel_loop3A_346, %parallel_loop3A_351 : vector<16xf32>
      %parallel_loop3A_353 = arith.constant 2 : i32
      %parallel_loop3A_354 = vector.broadcast %parallel_loop3A_353 : i32 to vector<16xi32>
      %parallel_loop3A_355 = tpu.vector_load_idx %arg15[%parallel_loop3A_336, %parallel_loop3A_354] : memref<512x16xf32, #tpu.memory_space<vmem>>[vector<16xi32>, vector<16xi32>], vector<16xf32>,
      %parallel_loop3A_356 = arith.addf %parallel_loop3A_350, %parallel_loop3A_355 : vector<16xf32>
      %parallel_loop3A_357 = tpu.vector_load_idx %arg16[%parallel_loop3A_336, %parallel_loop3A_354] : memref<512x16xf32, #tpu.memory_space<vmem>>[vector<16xi32>, vector<16xi32>], vector<16xf32>,
      %parallel_loop3A_358 = arith.addf %parallel_loop3A_352, %parallel_loop3A_357 : vector<16xf32>
      %parallel_loop3A_359 = arith.constant 3 : i32
      %parallel_loop3A_360 = vector.broadcast %parallel_loop3A_359 : i32 to vector<16xi32>
      %parallel_loop3A_361 = tpu.vector_load_idx %arg15[%parallel_loop3A_336, %parallel_loop3A_360] : memref<512x16xf32, #tpu.memory_space<vmem>>[vector<16xi32>, vector<16xi32>], vector<16xf32>,
      %parallel_loop3A_362 = arith.addf %parallel_loop3A_356, %parallel_loop3A_361 : vector<16xf32>
      %parallel_loop3A_363 = tpu.vector_load_idx %arg16[%parallel_loop3A_336, %parallel_loop3A_360] : memref<512x16xf32, #tpu.memory_space<vmem>>[vector<16xi32>, vector<16xi32>], vector<16xf32>,
      %parallel_loop3A_364 = arith.addf %parallel_loop3A_358, %parallel_loop3A_363 : vector<16xf32>
      %parallel_loop3A_365 = arith.constant 4 : i32
      %parallel_loop3A_366 = vector.broadcast %parallel_loop3A_365 : i32 to vector<16xi32>
      %parallel_loop3A_367 = tpu.vector_load_idx %arg15[%parallel_loop3A_336, %parallel_loop3A_366] : memref<512x16xf32, #tpu.memory_space<vmem>>[vector<16xi32>, vector<16xi32>], vector<16xf32>,
      %parallel_loop3A_368 = arith.addf %parallel_loop3A_362, %parallel_loop3A_367 : vector<16xf32>
      %parallel_loop3A_369 = tpu.vector_load_idx %arg16[%parallel_loop3A_336, %parallel_loop3A_366] : memref<512x16xf32, #tpu.memory_space<vmem>>[vector<16xi32>, vector<16xi32>], vector<16xf32>,
      %parallel_loop3A_370 = arith.addf %parallel_loop3A_364, %parallel_loop3A_369 : vector<16xf32>
      %parallel_loop3A_371 = arith.constant 5 : i32
      %parallel_loop3A_372 = vector.broadcast %parallel_loop3A_371 : i32 to vector<16xi32>
      %parallel_loop3A_373 = tpu.vector_load_idx %arg15[%parallel_loop3A_336, %parallel_loop3A_372] : memref<512x16xf32, #tpu.memory_space<vmem>>[vector<16xi32>, vector<16xi32>], vector<16xf32>,
      %parallel_loop3A_374 = arith.addf %parallel_loop3A_368, %parallel_loop3A_373 : vector<16xf32>
      %parallel_loop3A_375 = tpu.vector_load_idx %arg16[%parallel_loop3A_336, %parallel_loop3A_372] : memref<512x16xf32, #tpu.memory_space<vmem>>[vector<16xi32>, vector<16xi32>], vector<16xf32>,
      %parallel_loop3A_376 = arith.addf %parallel_loop3A_370, %parallel_loop3A_375 : vector<16xf32>
      %parallel_loop3A_377 = arith.constant 6 : i32
      %parallel_loop3A_378 = vector.broadcast %parallel_loop3A_377 : i32 to vector<16xi32>
      %parallel_loop3A_379 = tpu.vector_load_idx %arg15[%parallel_loop3A_336, %parallel_loop3A_378] : memref<512x16xf32, #tpu.memory_space<vmem>>[vector<16xi32>, vector<16xi32>], vector<16xf32>,
      %parallel_loop3A_380 = arith.addf %parallel_loop3A_374, %parallel_loop3A_379 : vector<16xf32>
      %parallel_loop3A_381 = tpu.vector_load_idx %arg16[%parallel_loop3A_336, %parallel_loop3A_378] : memref<512x16xf32, #tpu.memory_space<vmem>>[vector<16xi32>, vector<16xi32>], vector<16xf32>,
      %parallel_loop3A_382 = arith.addf %parallel_loop3A_376, %parallel_loop3A_381 : vector<16xf32>
      %parallel_loop3A_383 = arith.constant 7 : i32
      %parallel_loop3A_384 = vector.broadcast %parallel_loop3A_383 : i32 to vector<16xi32>
      %parallel_loop3A_385 = tpu.vector_load_idx %arg15[%parallel_loop3A_336, %parallel_loop3A_384] : memref<512x16xf32, #tpu.memory_space<vmem>>[vector<16xi32>, vector<16xi32>], vector<16xf32>,
      %parallel_loop3A_386 = arith.addf %parallel_loop3A_380, %parallel_loop3A_385 : vector<16xf32>
      %parallel_loop3A_387 = tpu.vector_load_idx %arg16[%parallel_loop3A_336, %parallel_loop3A_384] : memref<512x16xf32, #tpu.memory_space<vmem>>[vector<16xi32>, vector<16xi32>], vector<16xf32>,
      %parallel_loop3A_388 = arith.addf %parallel_loop3A_382, %parallel_loop3A_387 : vector<16xf32>
      %parallel_loop3A_389 = arith.constant 8 : i32
      %parallel_loop3A_390 = vector.broadcast %parallel_loop3A_389 : i32 to vector<16xi32>
      %parallel_loop3A_391 = tpu.vector_load_idx %arg15[%parallel_loop3A_336, %parallel_loop3A_390] : memref<512x16xf32, #tpu.memory_space<vmem>>[vector<16xi32>, vector<16xi32>], vector<16xf32>,
      %parallel_loop3A_392 = arith.addf %parallel_loop3A_386, %parallel_loop3A_391 : vector<16xf32>
      %parallel_loop3A_393 = tpu.vector_load_idx %arg16[%parallel_loop3A_336, %parallel_loop3A_390] : memref<512x16xf32, #tpu.memory_space<vmem>>[vector<16xi32>, vector<16xi32>], vector<16xf32>,
      %parallel_loop3A_394 = arith.addf %parallel_loop3A_388, %parallel_loop3A_393 : vector<16xf32>
      %parallel_loop3A_395 = arith.constant 9 : i32
      %parallel_loop3A_396 = vector.broadcast %parallel_loop3A_395 : i32 to vector<16xi32>
      %parallel_loop3A_397 = tpu.vector_load_idx %arg15[%parallel_loop3A_336, %parallel_loop3A_396] : memref<512x16xf32, #tpu.memory_space<vmem>>[vector<16xi32>, vector<16xi32>], vector<16xf32>,
      %parallel_loop3A_398 = arith.addf %parallel_loop3A_392, %parallel_loop3A_397 : vector<16xf32>
      %parallel_loop3A_399 = tpu.vector_load_idx %arg16[%parallel_loop3A_336, %parallel_loop3A_396] : memref<512x16xf32, #tpu.memory_space<vmem>>[vector<16xi32>, vector<16xi32>], vector<16xf32>,
      %parallel_loop3A_400 = arith.addf %parallel_loop3A_394, %parallel_loop3A_399 : vector<16xf32>
      %parallel_loop3A_401 = arith.constant 10 : i32
      %parallel_loop3A_402 = vector.broadcast %parallel_loop3A_401 : i32 to vector<16xi32>
      %parallel_loop3A_403 = tpu.vector_load_idx %arg15[%parallel_loop3A_336, %parallel_loop3A_402] : memref<512x16xf32, #tpu.memory_space<vmem>>[vector<16xi32>, vector<16xi32>], vector<16xf32>,
      %parallel_loop3A_404 = arith.addf %parallel_loop3A_398, %parallel_loop3A_403 : vector<16xf32>
      %parallel_loop3A_405 = tpu.vector_load_idx %arg16[%parallel_loop3A_336, %parallel_loop3A_402] : memref<512x16xf32, #tpu.memory_space<vmem>>[vector<16xi32>, vector<16xi32>], vector<16xf32>,
      %parallel_loop3A_406 = arith.addf %parallel_loop3A_400, %parallel_loop3A_405 : vector<16xf32>
      %parallel_loop3A_407 = arith.constant 11 : i32
      %parallel_loop3A_408 = vector.broadcast %parallel_loop3A_407 : i32 to vector<16xi32>
      %parallel_loop3A_409 = tpu.vector_load_idx %arg15[%parallel_loop3A_336, %parallel_loop3A_408] : memref<512x16xf32, #tpu.memory_space<vmem>>[vector<16xi32>, vector<16xi32>], vector<16xf32>,
      %parallel_loop3A_410 = arith.addf %parallel_loop3A_404, %parallel_loop3A_409 : vector<16xf32>
      %parallel_loop3A_411 = tpu.vector_load_idx %arg16[%parallel_loop3A_336, %parallel_loop3A_408] : memref<512x16xf32, #tpu.memory_space<vmem>>[vector<16xi32>, vector<16xi32>], vector<16xf32>,
      %parallel_loop3A_412 = arith.addf %parallel_loop3A_406, %parallel_loop3A_411 : vector<16xf32>
      %parallel_loop3A_413 = arith.constant 12 : i32
      %parallel_loop3A_414 = vector.broadcast %parallel_loop3A_413 : i32 to vector<16xi32>
      %parallel_loop3A_415 = tpu.vector_load_idx %arg15[%parallel_loop3A_336, %parallel_loop3A_414] : memref<512x16xf32, #tpu.memory_space<vmem>>[vector<16xi32>, vector<16xi32>], vector<16xf32>,
      %parallel_loop3A_416 = arith.addf %parallel_loop3A_410, %parallel_loop3A_415 : vector<16xf32>
      %parallel_loop3A_417 = tpu.vector_load_idx %arg16[%parallel_loop3A_336, %parallel_loop3A_414] : memref<512x16xf32, #tpu.memory_space<vmem>>[vector<16xi32>, vector<16xi32>], vector<16xf32>,
      %parallel_loop3A_418 = arith.addf %parallel_loop3A_412, %parallel_loop3A_417 : vector<16xf32>
      %parallel_loop3A_419 = arith.constant 13 : i32
      %parallel_loop3A_420 = vector.broadcast %parallel_loop3A_419 : i32 to vector<16xi32>
      %parallel_loop3A_421 = tpu.vector_load_idx %arg15[%parallel_loop3A_336, %parallel_loop3A_420] : memref<512x16xf32, #tpu.memory_space<vmem>>[vector<16xi32>, vector<16xi32>], vector<16xf32>,
      %parallel_loop3A_422 = arith.addf %parallel_loop3A_416, %parallel_loop3A_421 : vector<16xf32>
      %parallel_loop3A_423 = tpu.vector_load_idx %arg16[%parallel_loop3A_336, %parallel_loop3A_420] : memref<512x16xf32, #tpu.memory_space<vmem>>[vector<16xi32>, vector<16xi32>], vector<16xf32>,
      %parallel_loop3A_424 = arith.addf %parallel_loop3A_418, %parallel_loop3A_423 : vector<16xf32>
      %parallel_loop3A_425 = arith.constant 14 : i32
      %parallel_loop3A_426 = vector.broadcast %parallel_loop3A_425 : i32 to vector<16xi32>
      %parallel_loop3A_427 = tpu.vector_load_idx %arg15[%parallel_loop3A_336, %parallel_loop3A_426] : memref<512x16xf32, #tpu.memory_space<vmem>>[vector<16xi32>, vector<16xi32>], vector<16xf32>,
      %parallel_loop3A_428 = arith.addf %parallel_loop3A_422, %parallel_loop3A_427 : vector<16xf32>
      %parallel_loop3A_429 = tpu.vector_load_idx %arg16[%parallel_loop3A_336, %parallel_loop3A_426] : memref<512x16xf32, #tpu.memory_space<vmem>>[vector<16xi32>, vector<16xi32>], vector<16xf32>,
      %parallel_loop3A_430 = arith.addf %parallel_loop3A_424, %parallel_loop3A_429 : vector<16xf32>
      %parallel_loop3A_431 = arith.constant 15 : i32
      %parallel_loop3A_432 = vector.broadcast %parallel_loop3A_431 : i32 to vector<16xi32>
      %parallel_loop3A_433 = tpu.vector_load_idx %arg15[%parallel_loop3A_336, %parallel_loop3A_432] : memref<512x16xf32, #tpu.memory_space<vmem>>[vector<16xi32>, vector<16xi32>], vector<16xf32>,
      %parallel_loop3A_434 = arith.addf %parallel_loop3A_428, %parallel_loop3A_433 : vector<16xf32>
      %parallel_loop3A_435 = tpu.vector_load_idx %arg16[%parallel_loop3A_336, %parallel_loop3A_432] : memref<512x16xf32, #tpu.memory_space<vmem>>[vector<16xi32>, vector<16xi32>], vector<16xf32>,
      %parallel_loop3A_436 = arith.addf %parallel_loop3A_430, %parallel_loop3A_435 : vector<16xf32>
      %parallel_loop3A_437 = arith.index_cast %parallel_loop3A_334 : i32 to index
      %parallel_loop3A_438 = tpu.vector_load %arg17[%parallel_loop3A_437] {strides = array<i32>} : memref<512xf32, #tpu.memory_space<vmem>>, vector<16xf32>,
      tpu.vector_store %arg17[%parallel_loop3A_437], %parallel_loop3A_434 {strides = array<i32>} : memref<512xf32, #tpu.memory_space<vmem>>, vector<16xf32>,
      %parallel_loop3A_439 = arith.index_cast %parallel_loop3A_334 : i32 to index
      %parallel_loop3A_440 = tpu.vector_load %arg18[%parallel_loop3A_439] {strides = array<i32>} : memref<512xf32, #tpu.memory_space<vmem>>, vector<16xf32>,
      tpu.vector_store %arg18[%parallel_loop3A_439], %parallel_loop3A_436 {strides = array<i32>} : memref<512xf32, #tpu.memory_space<vmem>>, vector<16xf32>,
    } {sc.loop_unroll_factor = 2 : i64, sc.parallel_access}
    %add3A_182 = arith.constant 128 : i32
    %add3A_183 = arith.addi %mul3A_2, %add3A_182 : i32
    %dma_start3A_184 = arith.constant 128 : i32
    %dma_start3A_185 = tpu.memref_slice %arg17[%dma_start3A_184] : memref<512xf32, #tpu.memory_space<vmem>> -> memref<128xf32, #tpu.memory_space<vmem>>
    %dma_start3A_186 = tpu.memref_slice %arg7[%add3A_183] : memref<16384xf32, #tpu.memory_space<hbm>> -> memref<128xf32, #tpu.memory_space<hbm>>
    %dma_start3A_187 = tpu.memref_slice %arg7[%add3A_183] : memref<16384xf32, #tpu.memory_space<hbm>> -> memref<128xf32, #tpu.memory_space<hbm>>
    %dma_start3A_188 = arith.constant 128 : i32
    %dma_start3A_189 = tpu.memref_slice %arg17[%dma_start3A_188] : memref<512xf32, #tpu.memory_space<vmem>> -> memref<128xf32, #tpu.memory_space<vmem>>
    tpu.enqueue_dma source(%dma_start3A_189 : memref<128xf32, #tpu.memory_space<vmem>>) target(%dma_start3A_187 : memref<128xf32, #tpu.memory_space<hbm>>) target_semaphore(%arg24 : memref<!tpu.dma_semaphore, #tpu.memory_space<semaphore_mem>>)
    %dma_start3A_190 = arith.constant 128 : i32
    %dma_start3A_191 = tpu.memref_slice %arg18[%dma_start3A_190] : memref<512xf32, #tpu.memory_space<vmem>> -> memref<128xf32, #tpu.memory_space<vmem>>
    %dma_start3A_192 = tpu.memref_slice %arg8[%add3A_183] : memref<16384xf32, #tpu.memory_space<hbm>> -> memref<128xf32, #tpu.memory_space<hbm>>
    %dma_start3A_193 = tpu.memref_slice %arg8[%add3A_183] : memref<16384xf32, #tpu.memory_space<hbm>> -> memref<128xf32, #tpu.memory_space<hbm>>
    %dma_start3A_194 = arith.constant 128 : i32
    %dma_start3A_195 = tpu.memref_slice %arg18[%dma_start3A_194] : memref<512xf32, #tpu.memory_space<vmem>> -> memref<128xf32, #tpu.memory_space<vmem>>
    tpu.enqueue_dma source(%dma_start3A_195 : memref<128xf32, #tpu.memory_space<vmem>>) target(%dma_start3A_193 : memref<128xf32, #tpu.memory_space<hbm>>) target_semaphore(%arg24 : memref<!tpu.dma_semaphore, #tpu.memory_space<semaphore_mem>>)
    %dma_wait3A_196 = arith.constant 256 : i32
    %dma_wait3A_197 = arith.constant 0 : i32
    %dma_wait3A_198 = tpu.memref_slice %arg12[%dma_wait3A_196, %dma_wait3A_197] : memref<512x64xf32, #tpu.memory_space<vmem>> -> memref<128x64xf32, #tpu.memory_space<vmem>>
    %dma_wait3A_199 = arith.constant 256 : i32
    %dma_wait3A_200 = tpu.memref_slice %arg9[%dma_wait3A_199] : memref<512xi32, #tpu.memory_space<vmem>> -> memref<128xi32, #tpu.memory_space<vmem>>
    %dma_wait3A_201 = arith.constant 0 : i32
    %dma_wait3A_202 = arith.constant 0 : i32
    %dma_wait3A_203 = tpu.memref_slice %arg5[%dma_wait3A_201, %dma_wait3A_202] : memref<100000x64xf32, #tpu.memory_space<hbm>> -> memref<100000x64xf32, #tpu.memory_space<hbm>>
    tpu.wait_indirect_dma semaphore(%arg22 : memref<!tpu.dma_semaphore, #tpu.memory_space<semaphore_mem>>) src(%dma_wait3A_203 : memref<100000x64xf32, #tpu.memory_space<hbm>>) dst(%dma_wait3A_198 : memref<128x64xf32, #tpu.memory_space<vmem>>)
    %dma_wait3A_204 = arith.constant 256 : i32
    %dma_wait3A_205 = arith.constant 0 : i32
    %dma_wait3A_206 = tpu.memref_slice %arg13[%dma_wait3A_204, %dma_wait3A_205] : memref<512x64xf32, #tpu.memory_space<vmem>> -> memref<128x64xf32, #tpu.memory_space<vmem>>
    %dma_wait3A_207 = arith.constant 256 : i32
    %dma_wait3A_208 = tpu.memref_slice %arg10[%dma_wait3A_207] : memref<512xi32, #tpu.memory_space<vmem>> -> memref<128xi32, #tpu.memory_space<vmem>>
    %dma_wait3A_209 = arith.constant 0 : i32
    %dma_wait3A_210 = arith.constant 0 : i32
    %dma_wait3A_211 = tpu.memref_slice %arg6[%dma_wait3A_209, %dma_wait3A_210] : memref<100000x64xf32, #tpu.memory_space<hbm>> -> memref<100000x64xf32, #tpu.memory_space<hbm>>
    tpu.wait_indirect_dma semaphore(%arg22 : memref<!tpu.dma_semaphore, #tpu.memory_space<semaphore_mem>>) src(%dma_wait3A_211 : memref<100000x64xf32, #tpu.memory_space<hbm>>) dst(%dma_wait3A_206 : memref<128x64xf32, #tpu.memory_space<vmem>>)
    %dma_wait3A_212 = arith.constant 256 : i32
    %dma_wait3A_213 = arith.constant 0 : i32
    %dma_wait3A_214 = tpu.memref_slice %arg14[%dma_wait3A_212, %dma_wait3A_213] : memref<512x64xf32, #tpu.memory_space<vmem>> -> memref<128x64xf32, #tpu.memory_space<vmem>>
    %dma_wait3A_215 = arith.constant 256 : i32
    %dma_wait3A_216 = tpu.memref_slice %arg11[%dma_wait3A_215] : memref<512xi32, #tpu.memory_space<vmem>> -> memref<128xi32, #tpu.memory_space<vmem>>
    %dma_wait3A_217 = arith.constant 0 : i32
    %dma_wait3A_218 = arith.constant 0 : i32
    %dma_wait3A_219 = tpu.memref_slice %arg6[%dma_wait3A_217, %dma_wait3A_218] : memref<100000x64xf32, #tpu.memory_space<hbm>> -> memref<100000x64xf32, #tpu.memory_space<hbm>>
    tpu.wait_indirect_dma semaphore(%arg22 : memref<!tpu.dma_semaphore, #tpu.memory_space<semaphore_mem>>) src(%dma_wait3A_219 : memref<100000x64xf32, #tpu.memory_space<hbm>>) dst(%dma_wait3A_214 : memref<128x64xf32, #tpu.memory_space<vmem>>)
    %parallel_loop3A_220 = arith.constant 256 : i32
    %parallel_loop3A_221 = arith.constant 384 : i32
    %parallel_loop3A_222 = arith.constant 1 : i32
    scf.for %parallel_loop3A_332 = %parallel_loop3A_220 to %parallel_loop3A_221 step %parallel_loop3A_222  : i32 {
      %parallel_loop3A_333 = arith.index_cast %parallel_loop3A_332 : i32 to index
      %parallel_loop3A_334 = arith.constant 0 : index
      %parallel_loop3A_335 = tpu.vector_load %arg12[%parallel_loop3A_333, %parallel_loop3A_334] {strides = array<i32>} : memref<512x64xf32, #tpu.memory_space<vmem>>, vector<16xf32>,
      %parallel_loop3A_336 = arith.index_cast %parallel_loop3A_332 : i32 to index
      %parallel_loop3A_337 = arith.constant 16 : index
      %parallel_loop3A_338 = tpu.vector_load %arg12[%parallel_loop3A_336, %parallel_loop3A_337] {strides = array<i32>} : memref<512x64xf32, #tpu.memory_space<vmem>>, vector<16xf32>,
      %parallel_loop3A_339 = arith.index_cast %parallel_loop3A_332 : i32 to index
      %parallel_loop3A_340 = arith.constant 32 : index
      %parallel_loop3A_341 = tpu.vector_load %arg12[%parallel_loop3A_339, %parallel_loop3A_340] {strides = array<i32>} : memref<512x64xf32, #tpu.memory_space<vmem>>, vector<16xf32>,
      %parallel_loop3A_342 = arith.index_cast %parallel_loop3A_332 : i32 to index
      %parallel_loop3A_343 = arith.constant 48 : index
      %parallel_loop3A_344 = tpu.vector_load %arg12[%parallel_loop3A_342, %parallel_loop3A_343] {strides = array<i32>} : memref<512x64xf32, #tpu.memory_space<vmem>>, vector<16xf32>,
      %parallel_loop3A_345 = arith.index_cast %parallel_loop3A_332 : i32 to index
      %parallel_loop3A_346 = arith.constant 0 : index
      %parallel_loop3A_347 = tpu.vector_load %arg13[%parallel_loop3A_345, %parallel_loop3A_346] {strides = array<i32>} : memref<512x64xf32, #tpu.memory_space<vmem>>, vector<16xf32>,
      %parallel_loop3A_348 = arith.index_cast %parallel_loop3A_332 : i32 to index
      %parallel_loop3A_349 = arith.constant 16 : index
      %parallel_loop3A_350 = tpu.vector_load %arg13[%parallel_loop3A_348, %parallel_loop3A_349] {strides = array<i32>} : memref<512x64xf32, #tpu.memory_space<vmem>>, vector<16xf32>,
      %parallel_loop3A_351 = arith.index_cast %parallel_loop3A_332 : i32 to index
      %parallel_loop3A_352 = arith.constant 32 : index
      %parallel_loop3A_353 = tpu.vector_load %arg13[%parallel_loop3A_351, %parallel_loop3A_352] {strides = array<i32>} : memref<512x64xf32, #tpu.memory_space<vmem>>, vector<16xf32>,
      %parallel_loop3A_354 = arith.index_cast %parallel_loop3A_332 : i32 to index
      %parallel_loop3A_355 = arith.constant 48 : index
      %parallel_loop3A_356 = tpu.vector_load %arg13[%parallel_loop3A_354, %parallel_loop3A_355] {strides = array<i32>} : memref<512x64xf32, #tpu.memory_space<vmem>>, vector<16xf32>,
      %parallel_loop3A_357 = arith.index_cast %parallel_loop3A_332 : i32 to index
      %parallel_loop3A_358 = arith.constant 0 : index
      %parallel_loop3A_359 = tpu.vector_load %arg14[%parallel_loop3A_357, %parallel_loop3A_358] {strides = array<i32>} : memref<512x64xf32, #tpu.memory_space<vmem>>, vector<16xf32>,
      %parallel_loop3A_360 = arith.index_cast %parallel_loop3A_332 : i32 to index
      %parallel_loop3A_361 = arith.constant 16 : index
      %parallel_loop3A_362 = tpu.vector_load %arg14[%parallel_loop3A_360, %parallel_loop3A_361] {strides = array<i32>} : memref<512x64xf32, #tpu.memory_space<vmem>>, vector<16xf32>,
      %parallel_loop3A_363 = arith.index_cast %parallel_loop3A_332 : i32 to index
      %parallel_loop3A_364 = arith.constant 32 : index
      %parallel_loop3A_365 = tpu.vector_load %arg14[%parallel_loop3A_363, %parallel_loop3A_364] {strides = array<i32>} : memref<512x64xf32, #tpu.memory_space<vmem>>, vector<16xf32>,
      %parallel_loop3A_366 = arith.index_cast %parallel_loop3A_332 : i32 to index
      %parallel_loop3A_367 = arith.constant 48 : index
      %parallel_loop3A_368 = tpu.vector_load %arg14[%parallel_loop3A_366, %parallel_loop3A_367] {strides = array<i32>} : memref<512x64xf32, #tpu.memory_space<vmem>>, vector<16xf32>,
      %parallel_loop3A_369 = arith.mulf %parallel_loop3A_335, %parallel_loop3A_347 : vector<16xf32>
      %parallel_loop3A_370 = arith.mulf %parallel_loop3A_335, %parallel_loop3A_359 : vector<16xf32>
      %parallel_loop3A_371 = arith.mulf %parallel_loop3A_338, %parallel_loop3A_350 : vector<16xf32>
      %parallel_loop3A_372 = arith.addf %parallel_loop3A_369, %parallel_loop3A_371 : vector<16xf32>
      %parallel_loop3A_373 = arith.mulf %parallel_loop3A_338, %parallel_loop3A_362 : vector<16xf32>
      %parallel_loop3A_374 = arith.addf %parallel_loop3A_370, %parallel_loop3A_373 : vector<16xf32>
      %parallel_loop3A_375 = arith.mulf %parallel_loop3A_341, %parallel_loop3A_353 : vector<16xf32>
      %parallel_loop3A_376 = arith.addf %parallel_loop3A_372, %parallel_loop3A_375 : vector<16xf32>
      %parallel_loop3A_377 = arith.mulf %parallel_loop3A_341, %parallel_loop3A_365 : vector<16xf32>
      %parallel_loop3A_378 = arith.addf %parallel_loop3A_374, %parallel_loop3A_377 : vector<16xf32>
      %parallel_loop3A_379 = arith.mulf %parallel_loop3A_344, %parallel_loop3A_356 : vector<16xf32>
      %parallel_loop3A_380 = arith.addf %parallel_loop3A_376, %parallel_loop3A_379 : vector<16xf32>
      %parallel_loop3A_381 = arith.mulf %parallel_loop3A_344, %parallel_loop3A_368 : vector<16xf32>
      %parallel_loop3A_382 = arith.addf %parallel_loop3A_378, %parallel_loop3A_381 : vector<16xf32>
      %parallel_loop3A_383 = arith.index_cast %parallel_loop3A_332 : i32 to index
      %parallel_loop3A_384 = arith.constant 0 : index
      %parallel_loop3A_385 = tpu.vector_load %arg15[%parallel_loop3A_383, %parallel_loop3A_384] {strides = array<i32>} : memref<512x16xf32, #tpu.memory_space<vmem>>, vector<16xf32>,
      tpu.vector_store %arg15[%parallel_loop3A_383, %parallel_loop3A_384], %parallel_loop3A_380 {strides = array<i32>} : memref<512x16xf32, #tpu.memory_space<vmem>>, vector<16xf32>,
      %parallel_loop3A_386 = arith.index_cast %parallel_loop3A_332 : i32 to index
      %parallel_loop3A_387 = arith.constant 0 : index
      %parallel_loop3A_388 = tpu.vector_load %arg16[%parallel_loop3A_386, %parallel_loop3A_387] {strides = array<i32>} : memref<512x16xf32, #tpu.memory_space<vmem>>, vector<16xf32>,
      tpu.vector_store %arg16[%parallel_loop3A_386, %parallel_loop3A_387], %parallel_loop3A_382 {strides = array<i32>} : memref<512x16xf32, #tpu.memory_space<vmem>>, vector<16xf32>,
    } {sc.loop_unroll_factor = 4 : i64, sc.parallel_access}
    %parallel_loop3A_223 = arith.constant 16 : i32
    %parallel_loop3A_224 = arith.constant 24 : i32
    %parallel_loop3A_225 = arith.constant 1 : i32
    scf.for %parallel_loop3A_332 = %parallel_loop3A_223 to %parallel_loop3A_224 step %parallel_loop3A_225  : i32 {
      %parallel_loop3A_333 = arith.constant 16 : i32
      %parallel_loop3A_334 = arith.muli %parallel_loop3A_332, %parallel_loop3A_333 : i32
      %parallel_loop3A_335 = vector.broadcast %parallel_loop3A_334 : i32 to vector<16xi32>
      %parallel_loop3A_336 = arith.addi %iota3A, %parallel_loop3A_335 : vector<16xi32>
      %parallel_loop3A_337 = arith.constant 0.000000e+00 : f32
      %parallel_loop3A_338 = vector.broadcast %parallel_loop3A_337 : f32 to vector<16xf32>
      %parallel_loop3A_339 = arith.constant 0.000000e+00 : f32
      %parallel_loop3A_340 = vector.broadcast %parallel_loop3A_339 : f32 to vector<16xf32>
      %parallel_loop3A_341 = arith.constant 0 : i32
      %parallel_loop3A_342 = vector.broadcast %parallel_loop3A_341 : i32 to vector<16xi32>
      %parallel_loop3A_343 = tpu.vector_load_idx %arg15[%parallel_loop3A_336, %parallel_loop3A_342] : memref<512x16xf32, #tpu.memory_space<vmem>>[vector<16xi32>, vector<16xi32>], vector<16xf32>,
      %parallel_loop3A_344 = arith.addf %parallel_loop3A_338, %parallel_loop3A_343 : vector<16xf32>
      %parallel_loop3A_345 = tpu.vector_load_idx %arg16[%parallel_loop3A_336, %parallel_loop3A_342] : memref<512x16xf32, #tpu.memory_space<vmem>>[vector<16xi32>, vector<16xi32>], vector<16xf32>,
      %parallel_loop3A_346 = arith.addf %parallel_loop3A_340, %parallel_loop3A_345 : vector<16xf32>
      %parallel_loop3A_347 = arith.constant 1 : i32
      %parallel_loop3A_348 = vector.broadcast %parallel_loop3A_347 : i32 to vector<16xi32>
      %parallel_loop3A_349 = tpu.vector_load_idx %arg15[%parallel_loop3A_336, %parallel_loop3A_348] : memref<512x16xf32, #tpu.memory_space<vmem>>[vector<16xi32>, vector<16xi32>], vector<16xf32>,
      %parallel_loop3A_350 = arith.addf %parallel_loop3A_344, %parallel_loop3A_349 : vector<16xf32>
      %parallel_loop3A_351 = tpu.vector_load_idx %arg16[%parallel_loop3A_336, %parallel_loop3A_348] : memref<512x16xf32, #tpu.memory_space<vmem>>[vector<16xi32>, vector<16xi32>], vector<16xf32>,
      %parallel_loop3A_352 = arith.addf %parallel_loop3A_346, %parallel_loop3A_351 : vector<16xf32>
      %parallel_loop3A_353 = arith.constant 2 : i32
      %parallel_loop3A_354 = vector.broadcast %parallel_loop3A_353 : i32 to vector<16xi32>
      %parallel_loop3A_355 = tpu.vector_load_idx %arg15[%parallel_loop3A_336, %parallel_loop3A_354] : memref<512x16xf32, #tpu.memory_space<vmem>>[vector<16xi32>, vector<16xi32>], vector<16xf32>,
      %parallel_loop3A_356 = arith.addf %parallel_loop3A_350, %parallel_loop3A_355 : vector<16xf32>
      %parallel_loop3A_357 = tpu.vector_load_idx %arg16[%parallel_loop3A_336, %parallel_loop3A_354] : memref<512x16xf32, #tpu.memory_space<vmem>>[vector<16xi32>, vector<16xi32>], vector<16xf32>,
      %parallel_loop3A_358 = arith.addf %parallel_loop3A_352, %parallel_loop3A_357 : vector<16xf32>
      %parallel_loop3A_359 = arith.constant 3 : i32
      %parallel_loop3A_360 = vector.broadcast %parallel_loop3A_359 : i32 to vector<16xi32>
      %parallel_loop3A_361 = tpu.vector_load_idx %arg15[%parallel_loop3A_336, %parallel_loop3A_360] : memref<512x16xf32, #tpu.memory_space<vmem>>[vector<16xi32>, vector<16xi32>], vector<16xf32>,
      %parallel_loop3A_362 = arith.addf %parallel_loop3A_356, %parallel_loop3A_361 : vector<16xf32>
      %parallel_loop3A_363 = tpu.vector_load_idx %arg16[%parallel_loop3A_336, %parallel_loop3A_360] : memref<512x16xf32, #tpu.memory_space<vmem>>[vector<16xi32>, vector<16xi32>], vector<16xf32>,
      %parallel_loop3A_364 = arith.addf %parallel_loop3A_358, %parallel_loop3A_363 : vector<16xf32>
      %parallel_loop3A_365 = arith.constant 4 : i32
      %parallel_loop3A_366 = vector.broadcast %parallel_loop3A_365 : i32 to vector<16xi32>
      %parallel_loop3A_367 = tpu.vector_load_idx %arg15[%parallel_loop3A_336, %parallel_loop3A_366] : memref<512x16xf32, #tpu.memory_space<vmem>>[vector<16xi32>, vector<16xi32>], vector<16xf32>,
      %parallel_loop3A_368 = arith.addf %parallel_loop3A_362, %parallel_loop3A_367 : vector<16xf32>
      %parallel_loop3A_369 = tpu.vector_load_idx %arg16[%parallel_loop3A_336, %parallel_loop3A_366] : memref<512x16xf32, #tpu.memory_space<vmem>>[vector<16xi32>, vector<16xi32>], vector<16xf32>,
      %parallel_loop3A_370 = arith.addf %parallel_loop3A_364, %parallel_loop3A_369 : vector<16xf32>
      %parallel_loop3A_371 = arith.constant 5 : i32
      %parallel_loop3A_372 = vector.broadcast %parallel_loop3A_371 : i32 to vector<16xi32>
      %parallel_loop3A_373 = tpu.vector_load_idx %arg15[%parallel_loop3A_336, %parallel_loop3A_372] : memref<512x16xf32, #tpu.memory_space<vmem>>[vector<16xi32>, vector<16xi32>], vector<16xf32>,
      %parallel_loop3A_374 = arith.addf %parallel_loop3A_368, %parallel_loop3A_373 : vector<16xf32>
      %parallel_loop3A_375 = tpu.vector_load_idx %arg16[%parallel_loop3A_336, %parallel_loop3A_372] : memref<512x16xf32, #tpu.memory_space<vmem>>[vector<16xi32>, vector<16xi32>], vector<16xf32>,
      %parallel_loop3A_376 = arith.addf %parallel_loop3A_370, %parallel_loop3A_375 : vector<16xf32>
      %parallel_loop3A_377 = arith.constant 6 : i32
      %parallel_loop3A_378 = vector.broadcast %parallel_loop3A_377 : i32 to vector<16xi32>
      %parallel_loop3A_379 = tpu.vector_load_idx %arg15[%parallel_loop3A_336, %parallel_loop3A_378] : memref<512x16xf32, #tpu.memory_space<vmem>>[vector<16xi32>, vector<16xi32>], vector<16xf32>,
      %parallel_loop3A_380 = arith.addf %parallel_loop3A_374, %parallel_loop3A_379 : vector<16xf32>
      %parallel_loop3A_381 = tpu.vector_load_idx %arg16[%parallel_loop3A_336, %parallel_loop3A_378] : memref<512x16xf32, #tpu.memory_space<vmem>>[vector<16xi32>, vector<16xi32>], vector<16xf32>,
      %parallel_loop3A_382 = arith.addf %parallel_loop3A_376, %parallel_loop3A_381 : vector<16xf32>
      %parallel_loop3A_383 = arith.constant 7 : i32
      %parallel_loop3A_384 = vector.broadcast %parallel_loop3A_383 : i32 to vector<16xi32>
      %parallel_loop3A_385 = tpu.vector_load_idx %arg15[%parallel_loop3A_336, %parallel_loop3A_384] : memref<512x16xf32, #tpu.memory_space<vmem>>[vector<16xi32>, vector<16xi32>], vector<16xf32>,
      %parallel_loop3A_386 = arith.addf %parallel_loop3A_380, %parallel_loop3A_385 : vector<16xf32>
      %parallel_loop3A_387 = tpu.vector_load_idx %arg16[%parallel_loop3A_336, %parallel_loop3A_384] : memref<512x16xf32, #tpu.memory_space<vmem>>[vector<16xi32>, vector<16xi32>], vector<16xf32>,
      %parallel_loop3A_388 = arith.addf %parallel_loop3A_382, %parallel_loop3A_387 : vector<16xf32>
      %parallel_loop3A_389 = arith.constant 8 : i32
      %parallel_loop3A_390 = vector.broadcast %parallel_loop3A_389 : i32 to vector<16xi32>
      %parallel_loop3A_391 = tpu.vector_load_idx %arg15[%parallel_loop3A_336, %parallel_loop3A_390] : memref<512x16xf32, #tpu.memory_space<vmem>>[vector<16xi32>, vector<16xi32>], vector<16xf32>,
      %parallel_loop3A_392 = arith.addf %parallel_loop3A_386, %parallel_loop3A_391 : vector<16xf32>
      %parallel_loop3A_393 = tpu.vector_load_idx %arg16[%parallel_loop3A_336, %parallel_loop3A_390] : memref<512x16xf32, #tpu.memory_space<vmem>>[vector<16xi32>, vector<16xi32>], vector<16xf32>,
      %parallel_loop3A_394 = arith.addf %parallel_loop3A_388, %parallel_loop3A_393 : vector<16xf32>
      %parallel_loop3A_395 = arith.constant 9 : i32
      %parallel_loop3A_396 = vector.broadcast %parallel_loop3A_395 : i32 to vector<16xi32>
      %parallel_loop3A_397 = tpu.vector_load_idx %arg15[%parallel_loop3A_336, %parallel_loop3A_396] : memref<512x16xf32, #tpu.memory_space<vmem>>[vector<16xi32>, vector<16xi32>], vector<16xf32>,
      %parallel_loop3A_398 = arith.addf %parallel_loop3A_392, %parallel_loop3A_397 : vector<16xf32>
      %parallel_loop3A_399 = tpu.vector_load_idx %arg16[%parallel_loop3A_336, %parallel_loop3A_396] : memref<512x16xf32, #tpu.memory_space<vmem>>[vector<16xi32>, vector<16xi32>], vector<16xf32>,
      %parallel_loop3A_400 = arith.addf %parallel_loop3A_394, %parallel_loop3A_399 : vector<16xf32>
      %parallel_loop3A_401 = arith.constant 10 : i32
      %parallel_loop3A_402 = vector.broadcast %parallel_loop3A_401 : i32 to vector<16xi32>
      %parallel_loop3A_403 = tpu.vector_load_idx %arg15[%parallel_loop3A_336, %parallel_loop3A_402] : memref<512x16xf32, #tpu.memory_space<vmem>>[vector<16xi32>, vector<16xi32>], vector<16xf32>,
      %parallel_loop3A_404 = arith.addf %parallel_loop3A_398, %parallel_loop3A_403 : vector<16xf32>
      %parallel_loop3A_405 = tpu.vector_load_idx %arg16[%parallel_loop3A_336, %parallel_loop3A_402] : memref<512x16xf32, #tpu.memory_space<vmem>>[vector<16xi32>, vector<16xi32>], vector<16xf32>,
      %parallel_loop3A_406 = arith.addf %parallel_loop3A_400, %parallel_loop3A_405 : vector<16xf32>
      %parallel_loop3A_407 = arith.constant 11 : i32
      %parallel_loop3A_408 = vector.broadcast %parallel_loop3A_407 : i32 to vector<16xi32>
      %parallel_loop3A_409 = tpu.vector_load_idx %arg15[%parallel_loop3A_336, %parallel_loop3A_408] : memref<512x16xf32, #tpu.memory_space<vmem>>[vector<16xi32>, vector<16xi32>], vector<16xf32>,
      %parallel_loop3A_410 = arith.addf %parallel_loop3A_404, %parallel_loop3A_409 : vector<16xf32>
      %parallel_loop3A_411 = tpu.vector_load_idx %arg16[%parallel_loop3A_336, %parallel_loop3A_408] : memref<512x16xf32, #tpu.memory_space<vmem>>[vector<16xi32>, vector<16xi32>], vector<16xf32>,
      %parallel_loop3A_412 = arith.addf %parallel_loop3A_406, %parallel_loop3A_411 : vector<16xf32>
      %parallel_loop3A_413 = arith.constant 12 : i32
      %parallel_loop3A_414 = vector.broadcast %parallel_loop3A_413 : i32 to vector<16xi32>
      %parallel_loop3A_415 = tpu.vector_load_idx %arg15[%parallel_loop3A_336, %parallel_loop3A_414] : memref<512x16xf32, #tpu.memory_space<vmem>>[vector<16xi32>, vector<16xi32>], vector<16xf32>,
      %parallel_loop3A_416 = arith.addf %parallel_loop3A_410, %parallel_loop3A_415 : vector<16xf32>
      %parallel_loop3A_417 = tpu.vector_load_idx %arg16[%parallel_loop3A_336, %parallel_loop3A_414] : memref<512x16xf32, #tpu.memory_space<vmem>>[vector<16xi32>, vector<16xi32>], vector<16xf32>,
      %parallel_loop3A_418 = arith.addf %parallel_loop3A_412, %parallel_loop3A_417 : vector<16xf32>
      %parallel_loop3A_419 = arith.constant 13 : i32
      %parallel_loop3A_420 = vector.broadcast %parallel_loop3A_419 : i32 to vector<16xi32>
      %parallel_loop3A_421 = tpu.vector_load_idx %arg15[%parallel_loop3A_336, %parallel_loop3A_420] : memref<512x16xf32, #tpu.memory_space<vmem>>[vector<16xi32>, vector<16xi32>], vector<16xf32>,
      %parallel_loop3A_422 = arith.addf %parallel_loop3A_416, %parallel_loop3A_421 : vector<16xf32>
      %parallel_loop3A_423 = tpu.vector_load_idx %arg16[%parallel_loop3A_336, %parallel_loop3A_420] : memref<512x16xf32, #tpu.memory_space<vmem>>[vector<16xi32>, vector<16xi32>], vector<16xf32>,
      %parallel_loop3A_424 = arith.addf %parallel_loop3A_418, %parallel_loop3A_423 : vector<16xf32>
      %parallel_loop3A_425 = arith.constant 14 : i32
      %parallel_loop3A_426 = vector.broadcast %parallel_loop3A_425 : i32 to vector<16xi32>
      %parallel_loop3A_427 = tpu.vector_load_idx %arg15[%parallel_loop3A_336, %parallel_loop3A_426] : memref<512x16xf32, #tpu.memory_space<vmem>>[vector<16xi32>, vector<16xi32>], vector<16xf32>,
      %parallel_loop3A_428 = arith.addf %parallel_loop3A_422, %parallel_loop3A_427 : vector<16xf32>
      %parallel_loop3A_429 = tpu.vector_load_idx %arg16[%parallel_loop3A_336, %parallel_loop3A_426] : memref<512x16xf32, #tpu.memory_space<vmem>>[vector<16xi32>, vector<16xi32>], vector<16xf32>,
      %parallel_loop3A_430 = arith.addf %parallel_loop3A_424, %parallel_loop3A_429 : vector<16xf32>
      %parallel_loop3A_431 = arith.constant 15 : i32
      %parallel_loop3A_432 = vector.broadcast %parallel_loop3A_431 : i32 to vector<16xi32>
      %parallel_loop3A_433 = tpu.vector_load_idx %arg15[%parallel_loop3A_336, %parallel_loop3A_432] : memref<512x16xf32, #tpu.memory_space<vmem>>[vector<16xi32>, vector<16xi32>], vector<16xf32>,
      %parallel_loop3A_434 = arith.addf %parallel_loop3A_428, %parallel_loop3A_433 : vector<16xf32>
      %parallel_loop3A_435 = tpu.vector_load_idx %arg16[%parallel_loop3A_336, %parallel_loop3A_432] : memref<512x16xf32, #tpu.memory_space<vmem>>[vector<16xi32>, vector<16xi32>], vector<16xf32>,
      %parallel_loop3A_436 = arith.addf %parallel_loop3A_430, %parallel_loop3A_435 : vector<16xf32>
      %parallel_loop3A_437 = arith.index_cast %parallel_loop3A_334 : i32 to index
      %parallel_loop3A_438 = tpu.vector_load %arg17[%parallel_loop3A_437] {strides = array<i32>} : memref<512xf32, #tpu.memory_space<vmem>>, vector<16xf32>,
      tpu.vector_store %arg17[%parallel_loop3A_437], %parallel_loop3A_434 {strides = array<i32>} : memref<512xf32, #tpu.memory_space<vmem>>, vector<16xf32>,
      %parallel_loop3A_439 = arith.index_cast %parallel_loop3A_334 : i32 to index
      %parallel_loop3A_440 = tpu.vector_load %arg18[%parallel_loop3A_439] {strides = array<i32>} : memref<512xf32, #tpu.memory_space<vmem>>, vector<16xf32>,
      tpu.vector_store %arg18[%parallel_loop3A_439], %parallel_loop3A_436 {strides = array<i32>} : memref<512xf32, #tpu.memory_space<vmem>>, vector<16xf32>,
    } {sc.loop_unroll_factor = 2 : i64, sc.parallel_access}
    %add3A_226 = arith.constant 256 : i32
    %add3A_227 = arith.addi %mul3A_2, %add3A_226 : i32
    %dma_start3A_228 = arith.constant 256 : i32
    %dma_start3A_229 = tpu.memref_slice %arg17[%dma_start3A_228] : memref<512xf32, #tpu.memory_space<vmem>> -> memref<128xf32, #tpu.memory_space<vmem>>
    %dma_start3A_230 = tpu.memref_slice %arg7[%add3A_227] : memref<16384xf32, #tpu.memory_space<hbm>> -> memref<128xf32, #tpu.memory_space<hbm>>
    %dma_start3A_231 = tpu.memref_slice %arg7[%add3A_227] : memref<16384xf32, #tpu.memory_space<hbm>> -> memref<128xf32, #tpu.memory_space<hbm>>
    %dma_start3A_232 = arith.constant 256 : i32
    %dma_start3A_233 = tpu.memref_slice %arg17[%dma_start3A_232] : memref<512xf32, #tpu.memory_space<vmem>> -> memref<128xf32, #tpu.memory_space<vmem>>
    tpu.enqueue_dma source(%dma_start3A_233 : memref<128xf32, #tpu.memory_space<vmem>>) target(%dma_start3A_231 : memref<128xf32, #tpu.memory_space<hbm>>) target_semaphore(%arg24 : memref<!tpu.dma_semaphore, #tpu.memory_space<semaphore_mem>>)
    %dma_start3A_234 = arith.constant 256 : i32
    %dma_start3A_235 = tpu.memref_slice %arg18[%dma_start3A_234] : memref<512xf32, #tpu.memory_space<vmem>> -> memref<128xf32, #tpu.memory_space<vmem>>
    %dma_start3A_236 = tpu.memref_slice %arg8[%add3A_227] : memref<16384xf32, #tpu.memory_space<hbm>> -> memref<128xf32, #tpu.memory_space<hbm>>
    %dma_start3A_237 = tpu.memref_slice %arg8[%add3A_227] : memref<16384xf32, #tpu.memory_space<hbm>> -> memref<128xf32, #tpu.memory_space<hbm>>
    %dma_start3A_238 = arith.constant 256 : i32
    %dma_start3A_239 = tpu.memref_slice %arg18[%dma_start3A_238] : memref<512xf32, #tpu.memory_space<vmem>> -> memref<128xf32, #tpu.memory_space<vmem>>
    tpu.enqueue_dma source(%dma_start3A_239 : memref<128xf32, #tpu.memory_space<vmem>>) target(%dma_start3A_237 : memref<128xf32, #tpu.memory_space<hbm>>) target_semaphore(%arg24 : memref<!tpu.dma_semaphore, #tpu.memory_space<semaphore_mem>>)
    %dma_wait3A_240 = arith.constant 384 : i32
    %dma_wait3A_241 = arith.constant 0 : i32
    %dma_wait3A_242 = tpu.memref_slice %arg12[%dma_wait3A_240, %dma_wait3A_241] : memref<512x64xf32, #tpu.memory_space<vmem>> -> memref<128x64xf32, #tpu.memory_space<vmem>>
    %dma_wait3A_243 = arith.constant 384 : i32
    %dma_wait3A_244 = tpu.memref_slice %arg9[%dma_wait3A_243] : memref<512xi32, #tpu.memory_space<vmem>> -> memref<128xi32, #tpu.memory_space<vmem>>
    %dma_wait3A_245 = arith.constant 0 : i32
    %dma_wait3A_246 = arith.constant 0 : i32
    %dma_wait3A_247 = tpu.memref_slice %arg5[%dma_wait3A_245, %dma_wait3A_246] : memref<100000x64xf32, #tpu.memory_space<hbm>> -> memref<100000x64xf32, #tpu.memory_space<hbm>>
    tpu.wait_indirect_dma semaphore(%arg23 : memref<!tpu.dma_semaphore, #tpu.memory_space<semaphore_mem>>) src(%dma_wait3A_247 : memref<100000x64xf32, #tpu.memory_space<hbm>>) dst(%dma_wait3A_242 : memref<128x64xf32, #tpu.memory_space<vmem>>)
    %dma_wait3A_248 = arith.constant 384 : i32
    %dma_wait3A_249 = arith.constant 0 : i32
    %dma_wait3A_250 = tpu.memref_slice %arg13[%dma_wait3A_248, %dma_wait3A_249] : memref<512x64xf32, #tpu.memory_space<vmem>> -> memref<128x64xf32, #tpu.memory_space<vmem>>
    %dma_wait3A_251 = arith.constant 384 : i32
    %dma_wait3A_252 = tpu.memref_slice %arg10[%dma_wait3A_251] : memref<512xi32, #tpu.memory_space<vmem>> -> memref<128xi32, #tpu.memory_space<vmem>>
    %dma_wait3A_253 = arith.constant 0 : i32
    %dma_wait3A_254 = arith.constant 0 : i32
    %dma_wait3A_255 = tpu.memref_slice %arg6[%dma_wait3A_253, %dma_wait3A_254] : memref<100000x64xf32, #tpu.memory_space<hbm>> -> memref<100000x64xf32, #tpu.memory_space<hbm>>
    tpu.wait_indirect_dma semaphore(%arg23 : memref<!tpu.dma_semaphore, #tpu.memory_space<semaphore_mem>>) src(%dma_wait3A_255 : memref<100000x64xf32, #tpu.memory_space<hbm>>) dst(%dma_wait3A_250 : memref<128x64xf32, #tpu.memory_space<vmem>>)
    %dma_wait3A_256 = arith.constant 384 : i32
    %dma_wait3A_257 = arith.constant 0 : i32
    %dma_wait3A_258 = tpu.memref_slice %arg14[%dma_wait3A_256, %dma_wait3A_257] : memref<512x64xf32, #tpu.memory_space<vmem>> -> memref<128x64xf32, #tpu.memory_space<vmem>>
    %dma_wait3A_259 = arith.constant 384 : i32
    %dma_wait3A_260 = tpu.memref_slice %arg11[%dma_wait3A_259] : memref<512xi32, #tpu.memory_space<vmem>> -> memref<128xi32, #tpu.memory_space<vmem>>
    %dma_wait3A_261 = arith.constant 0 : i32
    %dma_wait3A_262 = arith.constant 0 : i32
    %dma_wait3A_263 = tpu.memref_slice %arg6[%dma_wait3A_261, %dma_wait3A_262] : memref<100000x64xf32, #tpu.memory_space<hbm>> -> memref<100000x64xf32, #tpu.memory_space<hbm>>
    tpu.wait_indirect_dma semaphore(%arg23 : memref<!tpu.dma_semaphore, #tpu.memory_space<semaphore_mem>>) src(%dma_wait3A_263 : memref<100000x64xf32, #tpu.memory_space<hbm>>) dst(%dma_wait3A_258 : memref<128x64xf32, #tpu.memory_space<vmem>>)
    %parallel_loop3A_264 = arith.constant 384 : i32
    %parallel_loop3A_265 = arith.constant 512 : i32
    %parallel_loop3A_266 = arith.constant 1 : i32
    scf.for %parallel_loop3A_332 = %parallel_loop3A_264 to %parallel_loop3A_265 step %parallel_loop3A_266  : i32 {
      %parallel_loop3A_333 = arith.index_cast %parallel_loop3A_332 : i32 to index
      %parallel_loop3A_334 = arith.constant 0 : index
      %parallel_loop3A_335 = tpu.vector_load %arg12[%parallel_loop3A_333, %parallel_loop3A_334] {strides = array<i32>} : memref<512x64xf32, #tpu.memory_space<vmem>>, vector<16xf32>,
      %parallel_loop3A_336 = arith.index_cast %parallel_loop3A_332 : i32 to index
      %parallel_loop3A_337 = arith.constant 16 : index
      %parallel_loop3A_338 = tpu.vector_load %arg12[%parallel_loop3A_336, %parallel_loop3A_337] {strides = array<i32>} : memref<512x64xf32, #tpu.memory_space<vmem>>, vector<16xf32>,
      %parallel_loop3A_339 = arith.index_cast %parallel_loop3A_332 : i32 to index
      %parallel_loop3A_340 = arith.constant 32 : index
      %parallel_loop3A_341 = tpu.vector_load %arg12[%parallel_loop3A_339, %parallel_loop3A_340] {strides = array<i32>} : memref<512x64xf32, #tpu.memory_space<vmem>>, vector<16xf32>,
      %parallel_loop3A_342 = arith.index_cast %parallel_loop3A_332 : i32 to index
      %parallel_loop3A_343 = arith.constant 48 : index
      %parallel_loop3A_344 = tpu.vector_load %arg12[%parallel_loop3A_342, %parallel_loop3A_343] {strides = array<i32>} : memref<512x64xf32, #tpu.memory_space<vmem>>, vector<16xf32>,
      %parallel_loop3A_345 = arith.index_cast %parallel_loop3A_332 : i32 to index
      %parallel_loop3A_346 = arith.constant 0 : index
      %parallel_loop3A_347 = tpu.vector_load %arg13[%parallel_loop3A_345, %parallel_loop3A_346] {strides = array<i32>} : memref<512x64xf32, #tpu.memory_space<vmem>>, vector<16xf32>,
      %parallel_loop3A_348 = arith.index_cast %parallel_loop3A_332 : i32 to index
      %parallel_loop3A_349 = arith.constant 16 : index
      %parallel_loop3A_350 = tpu.vector_load %arg13[%parallel_loop3A_348, %parallel_loop3A_349] {strides = array<i32>} : memref<512x64xf32, #tpu.memory_space<vmem>>, vector<16xf32>,
      %parallel_loop3A_351 = arith.index_cast %parallel_loop3A_332 : i32 to index
      %parallel_loop3A_352 = arith.constant 32 : index
      %parallel_loop3A_353 = tpu.vector_load %arg13[%parallel_loop3A_351, %parallel_loop3A_352] {strides = array<i32>} : memref<512x64xf32, #tpu.memory_space<vmem>>, vector<16xf32>,
      %parallel_loop3A_354 = arith.index_cast %parallel_loop3A_332 : i32 to index
      %parallel_loop3A_355 = arith.constant 48 : index
      %parallel_loop3A_356 = tpu.vector_load %arg13[%parallel_loop3A_354, %parallel_loop3A_355] {strides = array<i32>} : memref<512x64xf32, #tpu.memory_space<vmem>>, vector<16xf32>,
      %parallel_loop3A_357 = arith.index_cast %parallel_loop3A_332 : i32 to index
      %parallel_loop3A_358 = arith.constant 0 : index
      %parallel_loop3A_359 = tpu.vector_load %arg14[%parallel_loop3A_357, %parallel_loop3A_358] {strides = array<i32>} : memref<512x64xf32, #tpu.memory_space<vmem>>, vector<16xf32>,
      %parallel_loop3A_360 = arith.index_cast %parallel_loop3A_332 : i32 to index
      %parallel_loop3A_361 = arith.constant 16 : index
      %parallel_loop3A_362 = tpu.vector_load %arg14[%parallel_loop3A_360, %parallel_loop3A_361] {strides = array<i32>} : memref<512x64xf32, #tpu.memory_space<vmem>>, vector<16xf32>,
      %parallel_loop3A_363 = arith.index_cast %parallel_loop3A_332 : i32 to index
      %parallel_loop3A_364 = arith.constant 32 : index
      %parallel_loop3A_365 = tpu.vector_load %arg14[%parallel_loop3A_363, %parallel_loop3A_364] {strides = array<i32>} : memref<512x64xf32, #tpu.memory_space<vmem>>, vector<16xf32>,
      %parallel_loop3A_366 = arith.index_cast %parallel_loop3A_332 : i32 to index
      %parallel_loop3A_367 = arith.constant 48 : index
      %parallel_loop3A_368 = tpu.vector_load %arg14[%parallel_loop3A_366, %parallel_loop3A_367] {strides = array<i32>} : memref<512x64xf32, #tpu.memory_space<vmem>>, vector<16xf32>,
      %parallel_loop3A_369 = arith.mulf %parallel_loop3A_335, %parallel_loop3A_347 : vector<16xf32>
      %parallel_loop3A_370 = arith.mulf %parallel_loop3A_335, %parallel_loop3A_359 : vector<16xf32>
      %parallel_loop3A_371 = arith.mulf %parallel_loop3A_338, %parallel_loop3A_350 : vector<16xf32>
      %parallel_loop3A_372 = arith.addf %parallel_loop3A_369, %parallel_loop3A_371 : vector<16xf32>
      %parallel_loop3A_373 = arith.mulf %parallel_loop3A_338, %parallel_loop3A_362 : vector<16xf32>
      %parallel_loop3A_374 = arith.addf %parallel_loop3A_370, %parallel_loop3A_373 : vector<16xf32>
      %parallel_loop3A_375 = arith.mulf %parallel_loop3A_341, %parallel_loop3A_353 : vector<16xf32>
      %parallel_loop3A_376 = arith.addf %parallel_loop3A_372, %parallel_loop3A_375 : vector<16xf32>
      %parallel_loop3A_377 = arith.mulf %parallel_loop3A_341, %parallel_loop3A_365 : vector<16xf32>
      %parallel_loop3A_378 = arith.addf %parallel_loop3A_374, %parallel_loop3A_377 : vector<16xf32>
      %parallel_loop3A_379 = arith.mulf %parallel_loop3A_344, %parallel_loop3A_356 : vector<16xf32>
      %parallel_loop3A_380 = arith.addf %parallel_loop3A_376, %parallel_loop3A_379 : vector<16xf32>
      %parallel_loop3A_381 = arith.mulf %parallel_loop3A_344, %parallel_loop3A_368 : vector<16xf32>
      %parallel_loop3A_382 = arith.addf %parallel_loop3A_378, %parallel_loop3A_381 : vector<16xf32>
      %parallel_loop3A_383 = arith.index_cast %parallel_loop3A_332 : i32 to index
      %parallel_loop3A_384 = arith.constant 0 : index
      %parallel_loop3A_385 = tpu.vector_load %arg15[%parallel_loop3A_383, %parallel_loop3A_384] {strides = array<i32>} : memref<512x16xf32, #tpu.memory_space<vmem>>, vector<16xf32>,
      tpu.vector_store %arg15[%parallel_loop3A_383, %parallel_loop3A_384], %parallel_loop3A_380 {strides = array<i32>} : memref<512x16xf32, #tpu.memory_space<vmem>>, vector<16xf32>,
      %parallel_loop3A_386 = arith.index_cast %parallel_loop3A_332 : i32 to index
      %parallel_loop3A_387 = arith.constant 0 : index
      %parallel_loop3A_388 = tpu.vector_load %arg16[%parallel_loop3A_386, %parallel_loop3A_387] {strides = array<i32>} : memref<512x16xf32, #tpu.memory_space<vmem>>, vector<16xf32>,
      tpu.vector_store %arg16[%parallel_loop3A_386, %parallel_loop3A_387], %parallel_loop3A_382 {strides = array<i32>} : memref<512x16xf32, #tpu.memory_space<vmem>>, vector<16xf32>,
    } {sc.loop_unroll_factor = 4 : i64, sc.parallel_access}
    %parallel_loop3A_267 = arith.constant 24 : i32
    %parallel_loop3A_268 = arith.constant 32 : i32
    %parallel_loop3A_269 = arith.constant 1 : i32
    scf.for %parallel_loop3A_332 = %parallel_loop3A_267 to %parallel_loop3A_268 step %parallel_loop3A_269  : i32 {
      %parallel_loop3A_333 = arith.constant 16 : i32
      %parallel_loop3A_334 = arith.muli %parallel_loop3A_332, %parallel_loop3A_333 : i32
      %parallel_loop3A_335 = vector.broadcast %parallel_loop3A_334 : i32 to vector<16xi32>
      %parallel_loop3A_336 = arith.addi %iota3A, %parallel_loop3A_335 : vector<16xi32>
      %parallel_loop3A_337 = arith.constant 0.000000e+00 : f32
      %parallel_loop3A_338 = vector.broadcast %parallel_loop3A_337 : f32 to vector<16xf32>
      %parallel_loop3A_339 = arith.constant 0.000000e+00 : f32
      %parallel_loop3A_340 = vector.broadcast %parallel_loop3A_339 : f32 to vector<16xf32>
      %parallel_loop3A_341 = arith.constant 0 : i32
      %parallel_loop3A_342 = vector.broadcast %parallel_loop3A_341 : i32 to vector<16xi32>
      %parallel_loop3A_343 = tpu.vector_load_idx %arg15[%parallel_loop3A_336, %parallel_loop3A_342] : memref<512x16xf32, #tpu.memory_space<vmem>>[vector<16xi32>, vector<16xi32>], vector<16xf32>,
      %parallel_loop3A_344 = arith.addf %parallel_loop3A_338, %parallel_loop3A_343 : vector<16xf32>
      %parallel_loop3A_345 = tpu.vector_load_idx %arg16[%parallel_loop3A_336, %parallel_loop3A_342] : memref<512x16xf32, #tpu.memory_space<vmem>>[vector<16xi32>, vector<16xi32>], vector<16xf32>,
      %parallel_loop3A_346 = arith.addf %parallel_loop3A_340, %parallel_loop3A_345 : vector<16xf32>
      %parallel_loop3A_347 = arith.constant 1 : i32
      %parallel_loop3A_348 = vector.broadcast %parallel_loop3A_347 : i32 to vector<16xi32>
      %parallel_loop3A_349 = tpu.vector_load_idx %arg15[%parallel_loop3A_336, %parallel_loop3A_348] : memref<512x16xf32, #tpu.memory_space<vmem>>[vector<16xi32>, vector<16xi32>], vector<16xf32>,
      %parallel_loop3A_350 = arith.addf %parallel_loop3A_344, %parallel_loop3A_349 : vector<16xf32>
      %parallel_loop3A_351 = tpu.vector_load_idx %arg16[%parallel_loop3A_336, %parallel_loop3A_348] : memref<512x16xf32, #tpu.memory_space<vmem>>[vector<16xi32>, vector<16xi32>], vector<16xf32>,
      %parallel_loop3A_352 = arith.addf %parallel_loop3A_346, %parallel_loop3A_351 : vector<16xf32>
      %parallel_loop3A_353 = arith.constant 2 : i32
      %parallel_loop3A_354 = vector.broadcast %parallel_loop3A_353 : i32 to vector<16xi32>
      %parallel_loop3A_355 = tpu.vector_load_idx %arg15[%parallel_loop3A_336, %parallel_loop3A_354] : memref<512x16xf32, #tpu.memory_space<vmem>>[vector<16xi32>, vector<16xi32>], vector<16xf32>,
      %parallel_loop3A_356 = arith.addf %parallel_loop3A_350, %parallel_loop3A_355 : vector<16xf32>
      %parallel_loop3A_357 = tpu.vector_load_idx %arg16[%parallel_loop3A_336, %parallel_loop3A_354] : memref<512x16xf32, #tpu.memory_space<vmem>>[vector<16xi32>, vector<16xi32>], vector<16xf32>,
      %parallel_loop3A_358 = arith.addf %parallel_loop3A_352, %parallel_loop3A_357 : vector<16xf32>
      %parallel_loop3A_359 = arith.constant 3 : i32
      %parallel_loop3A_360 = vector.broadcast %parallel_loop3A_359 : i32 to vector<16xi32>
      %parallel_loop3A_361 = tpu.vector_load_idx %arg15[%parallel_loop3A_336, %parallel_loop3A_360] : memref<512x16xf32, #tpu.memory_space<vmem>>[vector<16xi32>, vector<16xi32>], vector<16xf32>,
      %parallel_loop3A_362 = arith.addf %parallel_loop3A_356, %parallel_loop3A_361 : vector<16xf32>
      %parallel_loop3A_363 = tpu.vector_load_idx %arg16[%parallel_loop3A_336, %parallel_loop3A_360] : memref<512x16xf32, #tpu.memory_space<vmem>>[vector<16xi32>, vector<16xi32>], vector<16xf32>,
      %parallel_loop3A_364 = arith.addf %parallel_loop3A_358, %parallel_loop3A_363 : vector<16xf32>
      %parallel_loop3A_365 = arith.constant 4 : i32
      %parallel_loop3A_366 = vector.broadcast %parallel_loop3A_365 : i32 to vector<16xi32>
      %parallel_loop3A_367 = tpu.vector_load_idx %arg15[%parallel_loop3A_336, %parallel_loop3A_366] : memref<512x16xf32, #tpu.memory_space<vmem>>[vector<16xi32>, vector<16xi32>], vector<16xf32>,
      %parallel_loop3A_368 = arith.addf %parallel_loop3A_362, %parallel_loop3A_367 : vector<16xf32>
      %parallel_loop3A_369 = tpu.vector_load_idx %arg16[%parallel_loop3A_336, %parallel_loop3A_366] : memref<512x16xf32, #tpu.memory_space<vmem>>[vector<16xi32>, vector<16xi32>], vector<16xf32>,
      %parallel_loop3A_370 = arith.addf %parallel_loop3A_364, %parallel_loop3A_369 : vector<16xf32>
      %parallel_loop3A_371 = arith.constant 5 : i32
      %parallel_loop3A_372 = vector.broadcast %parallel_loop3A_371 : i32 to vector<16xi32>
      %parallel_loop3A_373 = tpu.vector_load_idx %arg15[%parallel_loop3A_336, %parallel_loop3A_372] : memref<512x16xf32, #tpu.memory_space<vmem>>[vector<16xi32>, vector<16xi32>], vector<16xf32>,
      %parallel_loop3A_374 = arith.addf %parallel_loop3A_368, %parallel_loop3A_373 : vector<16xf32>
      %parallel_loop3A_375 = tpu.vector_load_idx %arg16[%parallel_loop3A_336, %parallel_loop3A_372] : memref<512x16xf32, #tpu.memory_space<vmem>>[vector<16xi32>, vector<16xi32>], vector<16xf32>,
      %parallel_loop3A_376 = arith.addf %parallel_loop3A_370, %parallel_loop3A_375 : vector<16xf32>
      %parallel_loop3A_377 = arith.constant 6 : i32
      %parallel_loop3A_378 = vector.broadcast %parallel_loop3A_377 : i32 to vector<16xi32>
      %parallel_loop3A_379 = tpu.vector_load_idx %arg15[%parallel_loop3A_336, %parallel_loop3A_378] : memref<512x16xf32, #tpu.memory_space<vmem>>[vector<16xi32>, vector<16xi32>], vector<16xf32>,
      %parallel_loop3A_380 = arith.addf %parallel_loop3A_374, %parallel_loop3A_379 : vector<16xf32>
      %parallel_loop3A_381 = tpu.vector_load_idx %arg16[%parallel_loop3A_336, %parallel_loop3A_378] : memref<512x16xf32, #tpu.memory_space<vmem>>[vector<16xi32>, vector<16xi32>], vector<16xf32>,
      %parallel_loop3A_382 = arith.addf %parallel_loop3A_376, %parallel_loop3A_381 : vector<16xf32>
      %parallel_loop3A_383 = arith.constant 7 : i32
      %parallel_loop3A_384 = vector.broadcast %parallel_loop3A_383 : i32 to vector<16xi32>
      %parallel_loop3A_385 = tpu.vector_load_idx %arg15[%parallel_loop3A_336, %parallel_loop3A_384] : memref<512x16xf32, #tpu.memory_space<vmem>>[vector<16xi32>, vector<16xi32>], vector<16xf32>,
      %parallel_loop3A_386 = arith.addf %parallel_loop3A_380, %parallel_loop3A_385 : vector<16xf32>
      %parallel_loop3A_387 = tpu.vector_load_idx %arg16[%parallel_loop3A_336, %parallel_loop3A_384] : memref<512x16xf32, #tpu.memory_space<vmem>>[vector<16xi32>, vector<16xi32>], vector<16xf32>,
      %parallel_loop3A_388 = arith.addf %parallel_loop3A_382, %parallel_loop3A_387 : vector<16xf32>
      %parallel_loop3A_389 = arith.constant 8 : i32
      %parallel_loop3A_390 = vector.broadcast %parallel_loop3A_389 : i32 to vector<16xi32>
      %parallel_loop3A_391 = tpu.vector_load_idx %arg15[%parallel_loop3A_336, %parallel_loop3A_390] : memref<512x16xf32, #tpu.memory_space<vmem>>[vector<16xi32>, vector<16xi32>], vector<16xf32>,
      %parallel_loop3A_392 = arith.addf %parallel_loop3A_386, %parallel_loop3A_391 : vector<16xf32>
      %parallel_loop3A_393 = tpu.vector_load_idx %arg16[%parallel_loop3A_336, %parallel_loop3A_390] : memref<512x16xf32, #tpu.memory_space<vmem>>[vector<16xi32>, vector<16xi32>], vector<16xf32>,
      %parallel_loop3A_394 = arith.addf %parallel_loop3A_388, %parallel_loop3A_393 : vector<16xf32>
      %parallel_loop3A_395 = arith.constant 9 : i32
      %parallel_loop3A_396 = vector.broadcast %parallel_loop3A_395 : i32 to vector<16xi32>
      %parallel_loop3A_397 = tpu.vector_load_idx %arg15[%parallel_loop3A_336, %parallel_loop3A_396] : memref<512x16xf32, #tpu.memory_space<vmem>>[vector<16xi32>, vector<16xi32>], vector<16xf32>,
      %parallel_loop3A_398 = arith.addf %parallel_loop3A_392, %parallel_loop3A_397 : vector<16xf32>
      %parallel_loop3A_399 = tpu.vector_load_idx %arg16[%parallel_loop3A_336, %parallel_loop3A_396] : memref<512x16xf32, #tpu.memory_space<vmem>>[vector<16xi32>, vector<16xi32>], vector<16xf32>,
      %parallel_loop3A_400 = arith.addf %parallel_loop3A_394, %parallel_loop3A_399 : vector<16xf32>
      %parallel_loop3A_401 = arith.constant 10 : i32
      %parallel_loop3A_402 = vector.broadcast %parallel_loop3A_401 : i32 to vector<16xi32>
      %parallel_loop3A_403 = tpu.vector_load_idx %arg15[%parallel_loop3A_336, %parallel_loop3A_402] : memref<512x16xf32, #tpu.memory_space<vmem>>[vector<16xi32>, vector<16xi32>], vector<16xf32>,
      %parallel_loop3A_404 = arith.addf %parallel_loop3A_398, %parallel_loop3A_403 : vector<16xf32>
      %parallel_loop3A_405 = tpu.vector_load_idx %arg16[%parallel_loop3A_336, %parallel_loop3A_402] : memref<512x16xf32, #tpu.memory_space<vmem>>[vector<16xi32>, vector<16xi32>], vector<16xf32>,
      %parallel_loop3A_406 = arith.addf %parallel_loop3A_400, %parallel_loop3A_405 : vector<16xf32>
      %parallel_loop3A_407 = arith.constant 11 : i32
      %parallel_loop3A_408 = vector.broadcast %parallel_loop3A_407 : i32 to vector<16xi32>
      %parallel_loop3A_409 = tpu.vector_load_idx %arg15[%parallel_loop3A_336, %parallel_loop3A_408] : memref<512x16xf32, #tpu.memory_space<vmem>>[vector<16xi32>, vector<16xi32>], vector<16xf32>,
      %parallel_loop3A_410 = arith.addf %parallel_loop3A_404, %parallel_loop3A_409 : vector<16xf32>
      %parallel_loop3A_411 = tpu.vector_load_idx %arg16[%parallel_loop3A_336, %parallel_loop3A_408] : memref<512x16xf32, #tpu.memory_space<vmem>>[vector<16xi32>, vector<16xi32>], vector<16xf32>,
      %parallel_loop3A_412 = arith.addf %parallel_loop3A_406, %parallel_loop3A_411 : vector<16xf32>
      %parallel_loop3A_413 = arith.constant 12 : i32
      %parallel_loop3A_414 = vector.broadcast %parallel_loop3A_413 : i32 to vector<16xi32>
      %parallel_loop3A_415 = tpu.vector_load_idx %arg15[%parallel_loop3A_336, %parallel_loop3A_414] : memref<512x16xf32, #tpu.memory_space<vmem>>[vector<16xi32>, vector<16xi32>], vector<16xf32>,
      %parallel_loop3A_416 = arith.addf %parallel_loop3A_410, %parallel_loop3A_415 : vector<16xf32>
      %parallel_loop3A_417 = tpu.vector_load_idx %arg16[%parallel_loop3A_336, %parallel_loop3A_414] : memref<512x16xf32, #tpu.memory_space<vmem>>[vector<16xi32>, vector<16xi32>], vector<16xf32>,
      %parallel_loop3A_418 = arith.addf %parallel_loop3A_412, %parallel_loop3A_417 : vector<16xf32>
      %parallel_loop3A_419 = arith.constant 13 : i32
      %parallel_loop3A_420 = vector.broadcast %parallel_loop3A_419 : i32 to vector<16xi32>
      %parallel_loop3A_421 = tpu.vector_load_idx %arg15[%parallel_loop3A_336, %parallel_loop3A_420] : memref<512x16xf32, #tpu.memory_space<vmem>>[vector<16xi32>, vector<16xi32>], vector<16xf32>,
      %parallel_loop3A_422 = arith.addf %parallel_loop3A_416, %parallel_loop3A_421 : vector<16xf32>
      %parallel_loop3A_423 = tpu.vector_load_idx %arg16[%parallel_loop3A_336, %parallel_loop3A_420] : memref<512x16xf32, #tpu.memory_space<vmem>>[vector<16xi32>, vector<16xi32>], vector<16xf32>,
      %parallel_loop3A_424 = arith.addf %parallel_loop3A_418, %parallel_loop3A_423 : vector<16xf32>
      %parallel_loop3A_425 = arith.constant 14 : i32
      %parallel_loop3A_426 = vector.broadcast %parallel_loop3A_425 : i32 to vector<16xi32>
      %parallel_loop3A_427 = tpu.vector_load_idx %arg15[%parallel_loop3A_336, %parallel_loop3A_426] : memref<512x16xf32, #tpu.memory_space<vmem>>[vector<16xi32>, vector<16xi32>], vector<16xf32>,
      %parallel_loop3A_428 = arith.addf %parallel_loop3A_422, %parallel_loop3A_427 : vector<16xf32>
      %parallel_loop3A_429 = tpu.vector_load_idx %arg16[%parallel_loop3A_336, %parallel_loop3A_426] : memref<512x16xf32, #tpu.memory_space<vmem>>[vector<16xi32>, vector<16xi32>], vector<16xf32>,
      %parallel_loop3A_430 = arith.addf %parallel_loop3A_424, %parallel_loop3A_429 : vector<16xf32>
      %parallel_loop3A_431 = arith.constant 15 : i32
      %parallel_loop3A_432 = vector.broadcast %parallel_loop3A_431 : i32 to vector<16xi32>
      %parallel_loop3A_433 = tpu.vector_load_idx %arg15[%parallel_loop3A_336, %parallel_loop3A_432] : memref<512x16xf32, #tpu.memory_space<vmem>>[vector<16xi32>, vector<16xi32>], vector<16xf32>,
      %parallel_loop3A_434 = arith.addf %parallel_loop3A_428, %parallel_loop3A_433 : vector<16xf32>
      %parallel_loop3A_435 = tpu.vector_load_idx %arg16[%parallel_loop3A_336, %parallel_loop3A_432] : memref<512x16xf32, #tpu.memory_space<vmem>>[vector<16xi32>, vector<16xi32>], vector<16xf32>,
      %parallel_loop3A_436 = arith.addf %parallel_loop3A_430, %parallel_loop3A_435 : vector<16xf32>
      %parallel_loop3A_437 = arith.index_cast %parallel_loop3A_334 : i32 to index
      %parallel_loop3A_438 = tpu.vector_load %arg17[%parallel_loop3A_437] {strides = array<i32>} : memref<512xf32, #tpu.memory_space<vmem>>, vector<16xf32>,
      tpu.vector_store %arg17[%parallel_loop3A_437], %parallel_loop3A_434 {strides = array<i32>} : memref<512xf32, #tpu.memory_space<vmem>>, vector<16xf32>,
      %parallel_loop3A_439 = arith.index_cast %parallel_loop3A_334 : i32 to index
      %parallel_loop3A_440 = tpu.vector_load %arg18[%parallel_loop3A_439] {strides = array<i32>} : memref<512xf32, #tpu.memory_space<vmem>>, vector<16xf32>,
      tpu.vector_store %arg18[%parallel_loop3A_439], %parallel_loop3A_436 {strides = array<i32>} : memref<512xf32, #tpu.memory_space<vmem>>, vector<16xf32>,
    } {sc.loop_unroll_factor = 2 : i64, sc.parallel_access}
    %add3A_270 = arith.constant 384 : i32
    %add3A_271 = arith.addi %mul3A_2, %add3A_270 : i32
    %dma_start3A_272 = arith.constant 384 : i32
    %dma_start3A_273 = tpu.memref_slice %arg17[%dma_start3A_272] : memref<512xf32, #tpu.memory_space<vmem>> -> memref<128xf32, #tpu.memory_space<vmem>>
    %dma_start3A_274 = tpu.memref_slice %arg7[%add3A_271] : memref<16384xf32, #tpu.memory_space<hbm>> -> memref<128xf32, #tpu.memory_space<hbm>>
    %dma_start3A_275 = tpu.memref_slice %arg7[%add3A_271] : memref<16384xf32, #tpu.memory_space<hbm>> -> memref<128xf32, #tpu.memory_space<hbm>>
    %dma_start3A_276 = arith.constant 384 : i32
    %dma_start3A_277 = tpu.memref_slice %arg17[%dma_start3A_276] : memref<512xf32, #tpu.memory_space<vmem>> -> memref<128xf32, #tpu.memory_space<vmem>>
    tpu.enqueue_dma source(%dma_start3A_277 : memref<128xf32, #tpu.memory_space<vmem>>) target(%dma_start3A_275 : memref<128xf32, #tpu.memory_space<hbm>>) target_semaphore(%arg24 : memref<!tpu.dma_semaphore, #tpu.memory_space<semaphore_mem>>)
    %dma_start3A_278 = arith.constant 384 : i32
    %dma_start3A_279 = tpu.memref_slice %arg18[%dma_start3A_278] : memref<512xf32, #tpu.memory_space<vmem>> -> memref<128xf32, #tpu.memory_space<vmem>>
    %dma_start3A_280 = tpu.memref_slice %arg8[%add3A_271] : memref<16384xf32, #tpu.memory_space<hbm>> -> memref<128xf32, #tpu.memory_space<hbm>>
    %dma_start3A_281 = tpu.memref_slice %arg8[%add3A_271] : memref<16384xf32, #tpu.memory_space<hbm>> -> memref<128xf32, #tpu.memory_space<hbm>>
    %dma_start3A_282 = arith.constant 384 : i32
    %dma_start3A_283 = tpu.memref_slice %arg18[%dma_start3A_282] : memref<512xf32, #tpu.memory_space<vmem>> -> memref<128xf32, #tpu.memory_space<vmem>>
    tpu.enqueue_dma source(%dma_start3A_283 : memref<128xf32, #tpu.memory_space<vmem>>) target(%dma_start3A_281 : memref<128xf32, #tpu.memory_space<hbm>>) target_semaphore(%arg24 : memref<!tpu.dma_semaphore, #tpu.memory_space<semaphore_mem>>)
    %dma_wait3A_284 = arith.constant 0 : i32
    %dma_wait3A_285 = tpu.memref_slice %arg17[%dma_wait3A_284] : memref<512xf32, #tpu.memory_space<vmem>> -> memref<128xf32, #tpu.memory_space<vmem>>
    %dma_wait3A_286 = tpu.memref_slice %arg7[%add3A_139] : memref<16384xf32, #tpu.memory_space<hbm>> -> memref<128xf32, #tpu.memory_space<hbm>>
    %dma_wait3A_287 = tpu.memref_slice %arg7[%add3A_139] : memref<16384xf32, #tpu.memory_space<hbm>> -> memref<128xf32, #tpu.memory_space<hbm>>
    %dma_wait3A_288 = arith.constant 0 : i32
    %dma_wait3A_289 = tpu.memref_slice %arg17[%dma_wait3A_288] : memref<512xf32, #tpu.memory_space<vmem>> -> memref<128xf32, #tpu.memory_space<vmem>>
    tpu.wait_dma2 semaphore(%arg24 : memref<!tpu.dma_semaphore, #tpu.memory_space<semaphore_mem>>) src(%dma_wait3A_289 : memref<128xf32, #tpu.memory_space<vmem>>) dst(%dma_wait3A_287 : memref<128xf32, #tpu.memory_space<hbm>>)
    %dma_wait3A_290 = arith.constant 0 : i32
    %dma_wait3A_291 = tpu.memref_slice %arg18[%dma_wait3A_290] : memref<512xf32, #tpu.memory_space<vmem>> -> memref<128xf32, #tpu.memory_space<vmem>>
    %dma_wait3A_292 = tpu.memref_slice %arg8[%add3A_139] : memref<16384xf32, #tpu.memory_space<hbm>> -> memref<128xf32, #tpu.memory_space<hbm>>
    %dma_wait3A_293 = tpu.memref_slice %arg8[%add3A_139] : memref<16384xf32, #tpu.memory_space<hbm>> -> memref<128xf32, #tpu.memory_space<hbm>>
    %dma_wait3A_294 = arith.constant 0 : i32
    %dma_wait3A_295 = tpu.memref_slice %arg18[%dma_wait3A_294] : memref<512xf32, #tpu.memory_space<vmem>> -> memref<128xf32, #tpu.memory_space<vmem>>
    tpu.wait_dma2 semaphore(%arg24 : memref<!tpu.dma_semaphore, #tpu.memory_space<semaphore_mem>>) src(%dma_wait3A_295 : memref<128xf32, #tpu.memory_space<vmem>>) dst(%dma_wait3A_293 : memref<128xf32, #tpu.memory_space<hbm>>)
    %dma_wait3A_296 = arith.constant 128 : i32
    %dma_wait3A_297 = tpu.memref_slice %arg17[%dma_wait3A_296] : memref<512xf32, #tpu.memory_space<vmem>> -> memref<128xf32, #tpu.memory_space<vmem>>
    %dma_wait3A_298 = tpu.memref_slice %arg7[%add3A_183] : memref<16384xf32, #tpu.memory_space<hbm>> -> memref<128xf32, #tpu.memory_space<hbm>>
    %dma_wait3A_299 = tpu.memref_slice %arg7[%add3A_183] : memref<16384xf32, #tpu.memory_space<hbm>> -> memref<128xf32, #tpu.memory_space<hbm>>
    %dma_wait3A_300 = arith.constant 128 : i32
    %dma_wait3A_301 = tpu.memref_slice %arg17[%dma_wait3A_300] : memref<512xf32, #tpu.memory_space<vmem>> -> memref<128xf32, #tpu.memory_space<vmem>>
    tpu.wait_dma2 semaphore(%arg24 : memref<!tpu.dma_semaphore, #tpu.memory_space<semaphore_mem>>) src(%dma_wait3A_301 : memref<128xf32, #tpu.memory_space<vmem>>) dst(%dma_wait3A_299 : memref<128xf32, #tpu.memory_space<hbm>>)
    %dma_wait3A_302 = arith.constant 128 : i32
    %dma_wait3A_303 = tpu.memref_slice %arg18[%dma_wait3A_302] : memref<512xf32, #tpu.memory_space<vmem>> -> memref<128xf32, #tpu.memory_space<vmem>>
    %dma_wait3A_304 = tpu.memref_slice %arg8[%add3A_183] : memref<16384xf32, #tpu.memory_space<hbm>> -> memref<128xf32, #tpu.memory_space<hbm>>
    %dma_wait3A_305 = tpu.memref_slice %arg8[%add3A_183] : memref<16384xf32, #tpu.memory_space<hbm>> -> memref<128xf32, #tpu.memory_space<hbm>>
    %dma_wait3A_306 = arith.constant 128 : i32
    %dma_wait3A_307 = tpu.memref_slice %arg18[%dma_wait3A_306] : memref<512xf32, #tpu.memory_space<vmem>> -> memref<128xf32, #tpu.memory_space<vmem>>
    tpu.wait_dma2 semaphore(%arg24 : memref<!tpu.dma_semaphore, #tpu.memory_space<semaphore_mem>>) src(%dma_wait3A_307 : memref<128xf32, #tpu.memory_space<vmem>>) dst(%dma_wait3A_305 : memref<128xf32, #tpu.memory_space<hbm>>)
    %dma_wait3A_308 = arith.constant 256 : i32
    %dma_wait3A_309 = tpu.memref_slice %arg17[%dma_wait3A_308] : memref<512xf32, #tpu.memory_space<vmem>> -> memref<128xf32, #tpu.memory_space<vmem>>
    %dma_wait3A_310 = tpu.memref_slice %arg7[%add3A_227] : memref<16384xf32, #tpu.memory_space<hbm>> -> memref<128xf32, #tpu.memory_space<hbm>>
    %dma_wait3A_311 = tpu.memref_slice %arg7[%add3A_227] : memref<16384xf32, #tpu.memory_space<hbm>> -> memref<128xf32, #tpu.memory_space<hbm>>
    %dma_wait3A_312 = arith.constant 256 : i32
    %dma_wait3A_313 = tpu.memref_slice %arg17[%dma_wait3A_312] : memref<512xf32, #tpu.memory_space<vmem>> -> memref<128xf32, #tpu.memory_space<vmem>>
    tpu.wait_dma2 semaphore(%arg24 : memref<!tpu.dma_semaphore, #tpu.memory_space<semaphore_mem>>) src(%dma_wait3A_313 : memref<128xf32, #tpu.memory_space<vmem>>) dst(%dma_wait3A_311 : memref<128xf32, #tpu.memory_space<hbm>>)
    %dma_wait3A_314 = arith.constant 256 : i32
    %dma_wait3A_315 = tpu.memref_slice %arg18[%dma_wait3A_314] : memref<512xf32, #tpu.memory_space<vmem>> -> memref<128xf32, #tpu.memory_space<vmem>>
    %dma_wait3A_316 = tpu.memref_slice %arg8[%add3A_227] : memref<16384xf32, #tpu.memory_space<hbm>> -> memref<128xf32, #tpu.memory_space<hbm>>
    %dma_wait3A_317 = tpu.memref_slice %arg8[%add3A_227] : memref<16384xf32, #tpu.memory_space<hbm>> -> memref<128xf32, #tpu.memory_space<hbm>>
    %dma_wait3A_318 = arith.constant 256 : i32
    %dma_wait3A_319 = tpu.memref_slice %arg18[%dma_wait3A_318] : memref<512xf32, #tpu.memory_space<vmem>> -> memref<128xf32, #tpu.memory_space<vmem>>
    tpu.wait_dma2 semaphore(%arg24 : memref<!tpu.dma_semaphore, #tpu.memory_space<semaphore_mem>>) src(%dma_wait3A_319 : memref<128xf32, #tpu.memory_space<vmem>>) dst(%dma_wait3A_317 : memref<128xf32, #tpu.memory_space<hbm>>)
    %dma_wait3A_320 = arith.constant 384 : i32
    %dma_wait3A_321 = tpu.memref_slice %arg17[%dma_wait3A_320] : memref<512xf32, #tpu.memory_space<vmem>> -> memref<128xf32, #tpu.memory_space<vmem>>
    %dma_wait3A_322 = tpu.memref_slice %arg7[%add3A_271] : memref<16384xf32, #tpu.memory_space<hbm>> -> memref<128xf32, #tpu.memory_space<hbm>>
    %dma_wait3A_323 = tpu.memref_slice %arg7[%add3A_271] : memref<16384xf32, #tpu.memory_space<hbm>> -> memref<128xf32, #tpu.memory_space<hbm>>
    %dma_wait3A_324 = arith.constant 384 : i32
    %dma_wait3A_325 = tpu.memref_slice %arg17[%dma_wait3A_324] : memref<512xf32, #tpu.memory_space<vmem>> -> memref<128xf32, #tpu.memory_space<vmem>>
    tpu.wait_dma2 semaphore(%arg24 : memref<!tpu.dma_semaphore, #tpu.memory_space<semaphore_mem>>) src(%dma_wait3A_325 : memref<128xf32, #tpu.memory_space<vmem>>) dst(%dma_wait3A_323 : memref<128xf32, #tpu.memory_space<hbm>>)
    %dma_wait3A_326 = arith.constant 384 : i32
    %dma_wait3A_327 = tpu.memref_slice %arg18[%dma_wait3A_326] : memref<512xf32, #tpu.memory_space<vmem>> -> memref<128xf32, #tpu.memory_space<vmem>>
    %dma_wait3A_328 = tpu.memref_slice %arg8[%add3A_271] : memref<16384xf32, #tpu.memory_space<hbm>> -> memref<128xf32, #tpu.memory_space<hbm>>
    %dma_wait3A_329 = tpu.memref_slice %arg8[%add3A_271] : memref<16384xf32, #tpu.memory_space<hbm>> -> memref<128xf32, #tpu.memory_space<hbm>>
    %dma_wait3A_330 = arith.constant 384 : i32
    %dma_wait3A_331 = tpu.memref_slice %arg18[%dma_wait3A_330] : memref<512xf32, #tpu.memory_space<vmem>> -> memref<128xf32, #tpu.memory_space<vmem>>
    tpu.wait_dma2 semaphore(%arg24 : memref<!tpu.dma_semaphore, #tpu.memory_space<semaphore_mem>>) src(%dma_wait3A_331 : memref<128xf32, #tpu.memory_space<vmem>>) dst(%dma_wait3A_329 : memref<128xf32, #tpu.memory_space<hbm>>)
    return
  }
}

</mosaic_0001>

<sc_bundles>
// kernel: kernel.3.cloned.1.call-start
scs
__scs_entry_jumppad:
0x0: {  	(pc) =	sbr.rel $0x88, $3  }
0x1: {  	(tag) =	ssettag $0x0;
	lr =	simm.s32 $0x1  }
0x2: {  	[smem:$0x3F9C] =	sst lr;
	_ =	strace $0xD0000000  }
0x3: {  	_ = 	snop  }
0x4: {  	_ = 	snop  }
0x5: {  	_ = 	snop  }
0x6: {  	_ = 	snop  }
0x7: {  	_ = 	snop  }
__scs_overlays_trampoline_lowered:
0x8: {  	[smem:$0x3FAB] =	sst s0  }
0x9: {  	[smem:$0x3FAC] =	sst s1  }
0xa: {  	[smem:$0x3FAD] =	sst s2  }
0xb: {  	[smem:$0x3FAE] =	sst s3  }
0xc: {  	[smem:$0x3FAF] =	sst s4  }
0xd: {  	[smem:$0x3FB0] =	sst s5  }
0xe: {  	[smem:$0x3FB1] =	sst s6  }
0xf: {  	[smem:$0x3FB2] =	sst s7  }
0x10: {  	[smem:$0x3FB3] =	sst s8  }
0x11: {  	[smem:$0x3FB4] =	sst s9;
	s0 =	simm.s32 @!p0 $0x0  }
0x12: {  	s1 =	sld [smem:$0x3F9A];
	s0 =	simm.s32 @p0 $0x1  }
0x13: {  	[smem:$0x3FB5] =	sst s0;
	s0 =	simm.s32 @!p1 $0x0  }
0x14: {  	s2 =	sld [smem:$0x3F99];
	s0 =	simm.s32 @p1 $0x1  }
0x15: {  	[smem:$0x3FB6] =	sst s0;
	s0 =	simm.s32 @!p2 $0x0  }
0x16: {  	s3 =	sld [smem:$0x3FDB];
	s0 =	simm.s32 @p2 $0x1  }
0x17: {  	s4 =	simm.s32 $0x1BF5;
	[smem:$0x3FB8] =	sst s0  }
0x18: {  	s0 =	sld [smem:$0x3F9B];
	_ =	swait.ge [sflag:s4], $0x0  }
0x19: {  	s7 =	sld [smem:$0x3F9C]  }
0x1a: {  	s8 =	sadd.s32 $0xFFFFE003, lr  }
0x1b: {  	s9 =	sadd.s32 $0xFFFFFEF7, lr;
	s5 =	simm.s32 $0xFFFFFFFF;
	p2 =	slt.u32 s8, $0xFFFFF086  }
0x1c: {  	p1 =	slt.u32 s9, $0xF7A;
	s5 =	simm.s32 @!p2 $0x0  }
0x1d: {  	s5 =	simm.s32 @p1 $0x1;
	p0 =	seq.s32 s7, s2  }
0x1e: {  	s7 =	smul.u32 @!p0 $0xF7A, s2;
	p2 =	seq.s32 @!p0 s5, $0x0  }
0x1f: {  	s9 =	smul.u32 $0xF7A, s1;
	s8 =	simm.s32 @!p0 $0x1BF5;
	p2 =	por !p2, p0  }
0x20: {  	[sflag:s8] =	ssyncset.s32 @!p0 $0xFFFFF086;
	s6 =	sadd.s32 @!p0 s3, s7;
	s7 =	simm.s32 @!p0 $0x108  }
0x21: {  	s3 =	sadd.s32 s3, s9;
	s6 =	sadd.s32 @!p0 $0x88, s6;
	s7 =	simm.s32 @p2 $0x1082  }
0x22: {  	[simem:s7], [sflag:s8] =	dma.local @!p0 [hbm:s6], $0xF7A  }
0x23: {  	s9 =	sor.u32 $0xD0000000, s2;
	s6 =	simm.s32 $0x108;
	_ =	swait.ge @!p0 [sflag:s8], $0x0  }
0x24: {  	s3 =	sadd.s32 $0x88, s3;
	s6 =	simm.s32 @!p1 $0x1082;
	[sflag:s4] =	ssyncset.s32 $0xFFFFF086  }
0x25: {  	[simem:s6], [sflag:s4] =	dma.local [hbm:s3], $0xF7A  }
0x26: {  	[smem:$0x3F9C] =	sst s1;
	(tag) =	ssettag s2;
	_ =	strace s9  }
0x27: {  	s1 =	sld [smem:$0x3FAC]  }
0x28: {  	s2 =	sld [smem:$0x3FAD]  }
0x29: {  	s4 =	sld [smem:$0x3FAF]  }
0x2a: {  	p0 =	seq.s32 s5, $0x0;
	s5 =	sld [smem:$0x3FB0]  }
0x2b: {  	s6 =	sld [smem:$0x3FB1]  }
0x2c: {  	s7 =	sld [smem:$0x3FB2]  }
0x2d: {  	s3 =	simm.s32 $0x108;
	s8 =	sld [smem:$0x3FB3]  }
0x2e: {  	s3 =	simm.s32 @!p0 $0x1082;
	s9 =	sld [smem:$0x3FB4]  }
0x2f: {  	lr =	sadd.s32 s0, s3;
	s0 =	sld [smem:$0x3FAB]  }
0x30: {  	s3 =	sld [smem:$0x3FAE]  }
0x31: {  	[smem:$0x3FB7] =	sst s10  }
0x32: {  	s10 =	sld [smem:$0x3FB5];
	_ =	sdelay $0x3  }
0x33: {  	p0 =	seq.s32 s10, $0x1;
	s10 =	sld [smem:$0x3FB7];
	_ =	sdelay $0x3  }
0x34: {  	[smem:$0x3FB7] =	sst s10  }
0x35: {  	s10 =	sld [smem:$0x3FB6];
	_ =	sdelay $0x3  }
0x36: {  	p1 =	seq.s32 s10, $0x1;
	s10 =	sld [smem:$0x3FB7];
	_ =	sdelay $0x3  }
0x37: {  	[smem:$0x3FB7] =	sst s10  }
0x38: {  	s10 =	sld [smem:$0x3FB8]  }
0x39: {  	_ = 	snop;
	(pc) =	sbr.ind lr, $3  }
0x3a: {  	_ = 	snop  }
0x3b: {  	_ = 	snop  }
0x3c: {  	p2 =	seq.s32 s10, $0x1;
	s10 =	sld [smem:$0x3FB7]  }
0x3d: {  	_ =	shalt  }
0x3e: {  	_ =	shalt  }
0x3f: {  	_ =	shalt  }
0x40: {  	_ =	shalt  }
0x41: {  	_ =	shalt  }
0x42: {  	_ =	shalt  }
0x43: {  	_ =	shalt  }
0x44: {  	_ =	shalt  }
0x45: {  	_ =	shalt  }
0x46: {  	_ =	shalt  }
0x47: {  	_ =	shalt  }
0x48: {  	_ =	shalt  }
0x49: {  	_ =	shalt  }
0x4a: {  	_ =	shalt  }
0x4b: {  	_ =	shalt  }
0x4c: {  	_ =	shalt  }
0x4d: {  	_ =	shalt  }
0x4e: {  	_ =	shalt  }
0x4f: {  	_ =	shalt  }
0x50: {  	_ =	shalt  }
0x51: {  	_ =	shalt  }
0x52: {  	_ =	shalt  }
0x53: {  	_ =	shalt  }
0x54: {  	_ =	shalt  }
0x55: {  	_ =	shalt  }
0x56: {  	_ =	shalt  }
0x57: {  	_ =	shalt  }
0x58: {  	_ =	shalt  }
0x59: {  	_ =	shalt  }
0x5a: {  	_ =	shalt  }
0x5b: {  	_ =	shalt  }
0x5c: {  	_ =	shalt  }
0x5d: {  	_ =	shalt  }
0x5e: {  	_ =	shalt  }
0x5f: {  	_ =	shalt  }
0x60: {  	_ =	shalt  }
0x61: {  	_ =	shalt  }
0x62: {  	_ =	shalt  }
0x63: {  	_ =	shalt  }
0x64: {  	_ =	shalt  }
0x65: {  	_ =	shalt  }
0x66: {  	_ =	shalt  }
0x67: {  	_ =	shalt  }
0x68: {  	_ =	shalt  }
0x69: {  	_ =	shalt  }
0x6a: {  	_ =	shalt  }
0x6b: {  	_ =	shalt  }
0x6c: {  	_ =	shalt  }
0x6d: {  	_ =	shalt  }
0x6e: {  	_ =	shalt  }
0x6f: {  	_ =	shalt  }
0x70: {  	_ =	shalt  }
0x71: {  	_ =	shalt  }
0x72: {  	_ =	shalt  }
0x73: {  	_ =	shalt  }
0x74: {  	_ =	shalt  }
0x75: {  	_ =	shalt  }
0x76: {  	_ =	shalt  }
0x77: {  	_ =	shalt  }
0x78: {  	_ =	shalt  }
0x79: {  	_ =	shalt  }
0x7a: {  	_ =	shalt  }
0x7b: {  	_ =	shalt  }
0x7c: {  	_ =	shalt  }
0x7d: {  	_ =	shalt  }
0x7e: {  	_ =	shalt  }
0x7f: {  	_ =	shalt  }
0x80: {  	_ =	shalt  }
0x81: {  	_ =	shalt  }
0x82: {  	_ =	shalt  }
0x83: {  	_ =	shalt  }
0x84: {  	_ =	shalt  }
0x85: {  	_ =	shalt  }
0x86: {  	_ =	shalt  }
0x87: {  	_ =	shalt  }
.Lfunc_end0:
.L_simem_size_0:
called_computation_lowered:
.L_overlay_start_0:
0x88: {  	s2 =	sld [smem:$0x3FD9]  }
0x89: {  	s3 =	sld [smem:$0x3FFE];
	_ =	sdelay $0x1  }
0x8a: {  	s1 =	srdreg.scid  }
0x8b: {  	s0 =	sand.u32 $0x1, s1  }
0x8c: {  	s14 =	sshll.u32 s0, $0xA;
	s2 =	sadd.s32 s3, s2  }
0x8d: {  	s2 =	sadd.s32 s2, s14  }
0x8e: {  	[smem:$0x3FC3] =	sst s2  }
0x8f: {  	_ = 	snop  }
0x90: {  	s2 =	sld [smem:$0x3FD0]  }
0x91: {  	s15 =	sld [smem:$0x3FC9]  }
0x92: {  	s4 =	sld [smem:$0x3FC8]  }
0x93: {  	s6 =	simm.s32 $0xA;
	s7 =	simm.s32 $0x10;
	s5 =	sld [smem:$0x3FC7]  }
0x94: {  	[smem:s7], [sflag:s6] =	dma.local [hbm:s2], $0x1  }
0x95: {  	_ =	swait.eq [sflag:s6], $0x1  }
0x96: {  	[sflag:s6] =	ssyncset.done $0x0  }
0x97: {  	s16 =	sld [smem:$0x10];
	[sflag:s6] =	ssyncadd.s32 $0xFFFFFFFF  }
0x98: {  	s17 =	sld [smem:$0x11];
	(tm) =	ssettm $0x1  }
0x99: {  	s18 =	sld [smem:$0x3FFB];
	_ =	sdelay $0x3  }
0x9a: {  	_ =	strace s18  }
0x9b: {  	s7 =	sld [smem:$0x3FFC];
	_ =	sdelay $0x3  }
0x9c: {  	_ =	strace s7  }
0x9d: {  	s7 =	sld [smem:$0x3FFD];
	_ =	sdelay $0x3  }
0x9e: {  	_ =	strace s7  }
0x9f: {  	_ =	strace $0x8FFFFFFF  }
0xa0: {  	s19 =	sld [smem:$0x3FDB];
	_ =	sdelay $0x1  }
0xa1: {  	s8 =	simm.s32 $_scs_section_size  }
0xa2: {  	s9 =	simm.s32 $_size__tile_overlayer_lowered;
	s10 =	simm.s32 $_tile_overlayer_lowered  }
0xa3: {  	s22 =	simm.s32 $0x1BFF;
	s21 =	sshll.u32 s10, $0x1;
	s7 =	sadd.s32 s8, s19  }
0xa4: {  	s11 =	simm.s32 $0x0;
	s20 =	sshll.u32 s9, $0x1;
	s9 =	sadd.s32 s21, s7  }
0xa5: {  	[timem:s11], [sflag:s22] =	dma.local [hbm:s9], s20  }
0xa6: {  	_ =	swait.ge [sflag:s22], s20  }
0xa7: {  	s8 =	ssub.s32 $0x0, s20;
	[sflag:s22] =	ssyncset.done $0x0  }
0xa8: {  	[sflag:s22] =	ssyncadd.s32 s8;
	_ =	sdelay $0x1  }
0xa9: {  	s23 =	simm.s32 $0x1B8B  }
0xaa: {  	_ =	swait.ge [sflag:s23], $0x1  }
0xab: {  	[sflag:s23] =	ssyncset.done $0x0  }
0xac: {  	s25 =	simm.s32 $0x1B8E;
	s24 =	sld [smem:$0x3FFE];
	[sflag:s23] =	ssyncadd.s32 $0xFFFFFFFF  }
0xad: {  	s26 =	simm.s32 $execute0_lowered;
	[smem:$0x3FD2] =	sst s25  }
0xae: {  	s9 =	sshll.u32 s26, $0x1;
	_ =	strace $0x80000046;
	[dreg:$0x1] =	wrdreg $0xFFFFFFFF  }
0xaf: {  	s28 =	simm.s32 $_size_execute0_lowered;
	s7 =	sadd.s32 s7, s9;
	[dreg:$0x0] =	wrdreg $0x0  }
0xb0: {  	s9 =	sshll.u32 s28, $0x1;
	[dreg:$0x2] =	wrdreg s7  }
0xb1: {  	[dreg:$0x3] =	wrdreg s9  }
0xb2: {  	[dreg:$0x4] =	wrdreg $0xC0  }
0xb3: {  	_ =	task [dreg:s11], $0x5FFFF  }
0xb4: {  	[dreg:$0x1] =	wrdreg $0xFFFFFFFF  }
0xb5: {  	[dreg:$0x0] =	wrdreg $0x60  }
0xb6: {  	[dreg:$0x2] =	wrdreg s15  }
0xb7: {  	[dreg:$0x3] =	wrdreg s4  }
0xb8: {  	[dreg:$0x4] =	wrdreg s5  }
0xb9: {  	[dreg:$0x5] =	wrdreg s24  }
0xba: {  	[dreg:$0x6] =	wrdreg s16  }
0xbb: {  	[dreg:$0x7] =	wrdreg s17  }
0xbc: {  	[dreg:$0x8] =	wrdreg $0x9  }
0xbd: {  	_ =	task.clear_ibuf [dreg:s11], $0x9FFFF;
	_ =	strace $0x90000046  }
0xbe: {  	s29 =	simm.s32 $0x9;
	_ =	strace $0x80000048  }
0xbf: {  	_ =	swait.ge [sflag:s29], $0x1  }
0xc0: {  	[sflag:s29] =	ssyncadd.s32 $0xFFFFFFFF  }
0xc1: {  	_ =	strace $0x90000048  }
0xc2: {  	_ =	sfence  }
0xc3: {  	s30 =	sld [smem:$0x0];
	_ =	sdelay $0x2  }
0xc4: {  	s31 =	sshll.u32 s1, $0xD;
	s1 =	sshrl.u32 s1, $0x2  }
0xc5: {  	s3 =	sand.u32 $0x4000, s31;
	s1 =	sadd.s32 s1, s30  }
0xc6: {  	s0 =	sor.u32 s3, s0;
	s1 =	sshll.u32 s1, $0x11  }
0xc7: {  	s0 =	sor.u32 s1, s0  }
0xc8: {  	s0 =	sadd.s32 $0x8F2B, s0  }
0xc9: {  	[sflag:s0] =	ssyncadd.remote.s32 $0x1  }
0xca: {  	_ =	sfence.sel $0xFFFF  }
0xcb: {  	[dreg:$0x0] =	wrdreg $0xFFFFFFFF;
	(pc) =	sbr.abs _section_cstart, $3  }
0xcc: {  	[dreg:$0x1] =	wrdreg $0xFFFFFFFF  }
0xcd: {  	_ =	task.clear_ibuf [dreg:s11], $0x2FFFF;
	_ =	strace $0x9FFFFFFF  }
0xce: {  	(tm) =	ssettm $0x7FFFFFFF  }
0xcf: {  	_ =	shalt  }
tec
execute0_lowered:
.L_overlay_start_1:
0x0: {  	(tag) =	ssettag $0x1  }
0x1: {  	s0 =	rddreg [dreg:$0x0]  }
0x2: {  	s1 =	rddreg [dreg:$0x1]  }
0x3: {  	s5 =	rddreg [dreg:$0x2]  }
0x4: {  	s4 =	rddreg [dreg:$0x3]  }
0x5: {  	s6 =	rddreg [dreg:$0x4]  }
0x6: {  	s7 =	rddreg [dreg:$0x5]  }
0x7: {  	s2 =	simm.s32 $0x0;
	s3 =	srdreg.scid;
	s9 =	stileid.u32  }
0x8: {  	s19 =	simm.s32 $0x1;
	s20 =	simm.s32 $0x80;
	s30 =	simm.s32 $0x2  }
0x9: {  	s31 =	simm.s32 $0x18600;
	s22 =	simm.s32 $0x3;
	s29 =	simm.s32 $0x5  }
0xa: {  	[smem:$0x7FF] =	sst s2;
	s3 =	sand.u32 $0x1, s3;
	s9 =	sshll.u32 s9, $0x7  }
0xb: {  	_ =	strace $0x80000047;
	s8 =	ssub.s32 $0x2, s3;
	s10 =	sshll.u32 s3, $0x6  }
0xc: {  	s3 =	sadd.s32 $0x188E00, s4;
	s11 =	sshrl.u32 s8, $0x1;
	s12 =	sor.u32 s10, s9  }
0xd: {  	s4 =	sadd.s32 $0x24C400, s4;
	s16 =	ssub.s32 s8, s11;
	s0 =	sadd.s32 s0, s12  }
0xe: {  	s23 =	sadd.s32 s1, s12;
	s24 =	sadd.s32 s5, s12;
	s25 =	sor.u32 $0x10, s12  }
0xf: {  	s8 =	sadd.s32 s6, s12;
	s9 =	sadd.s32 s7, s12;
	[dreg:$0x7] =	wrdreg s0  }
0x10: {  	s26 =	sor.u32 $0x20, s12;
	s28 =	sor.u32 $0x30, s12;
	[dreg:$0x8] =	wrdreg s23  }
0x11: {  	[dreg:$0x9] =	wrdreg s24;
	s10 =	sadd.s32 s6, s25;
	s11 =	sadd.s32 s7, s25  }
0x12: {  	s12 =	sadd.s32 s6, s26;
	s13 =	sadd.s32 s7, s26;
	s14 =	sadd.s32 s6, s28  }
0x13: {  	v0 =	vlaneseq.u32;
	s15 =	sadd.s32 s7, s28;
	s16 =	smax.u32 s16, $0x1;
	s0 =	simm.s32 $0x1A600  }
0x14: {  	v0 =	vmul.u32 $0x10, v0;
	s25 =	simm.s32 $0x4;
	s23 =	simm.s32 $0x6;
	s24 =	simm.s32 $0x0  }
.LBB2_1:
0x15: {  	s1 =	rddreg [dreg:$0x7]  }
0x16: {  	[tilespmem:s2], [sflag:$0x1] =	stream.linear.gather [hbm4b:s1+s2], $0x200, $0x38;
	[tilespmem:$0x1CA00] =	vst v63  }
0x17: {  	s17 =	rddreg [dreg:$0x8];
	s5 =	simm.s32 $0x200  }
0x18: {  	[tilespmem:s5], [sflag:$0x1] =	stream.linear.gather [hbm4b:s17+s2], $0x200, $0x38;
	[tilespmem:$0x1CA00] =	vst v63  }
0x19: {  	s18 =	rddreg [dreg:$0x9];
	s6 =	simm.s32 $0x400  }
0x1a: {  	[tilespmem:s6], [sflag:$0x1] =	stream.linear.gather [hbm4b:s18+s2], $0x200, $0x38;
	[tilespmem:$0x1CA00] =	vst v63  }
0x1b: {  	_ =	swait.ge [sflag:s19], $0x200  }
0x1c: {  	[sflag:s19] =	ssyncset.done $0x0  }
0x1d: {  	[sflag:s19] =	ssyncadd.s32 $0xFFFFFE00  }
0x1e: {  	_ =	swait.ge [sflag:s19], $0x200  }
0x1f: {  	[sflag:s19] =	ssyncset.done $0x0  }
0x20: {  	[sflag:s19] =	ssyncadd.s32 $0xFFFFFE00  }
0x21: {  	_ =	swait.ge [sflag:s19], $0x200  }
0x22: {  	[sflag:s19] =	ssyncset.done $0x0  }
0x23: {  	s21 =	simm.s32 $0x600;
	[sflag:s19] =	ssyncadd.s32 $0xFFFFFE00  }
0x24: {  	[tilespmem:s21], [sflag:$0x2] =	stream.indirect.gather [hbm4b:s3+s20], $0x40, s2, s20, $0xb8;
	[tilespmem:$0x1CA00] =	vst v63  }
0x25: {  	s26 =	simm.s32 $0x8600  }
0x26: {  	[tilespmem:s26], [sflag:$0x2] =	stream.indirect.gather [hbm4b:s4+s20], $0x40, s5, s20, $0xb8;
	[tilespmem:$0x1CA00] =	vst v63  }
0x27: {  	s5 =	simm.s32 $0x10600  }
0x28: {  	[tilespmem:s5], [sflag:$0x2] =	stream.indirect.gather [hbm4b:s4+s20], $0x40, s6, s20, $0xb8;
	[tilespmem:$0x1CA00] =	vst v63  }
0x29: {  	s7 =	simm.s32 $0x2600  }
0x2a: {  	[tilespmem:s7], [sflag:$0x3] =	stream.indirect.gather [hbm4b:s3+s20], $0x40, s20, s20, $0xb8;
	[tilespmem:$0x1CA00] =	vst v63  }
0x2b: {  	s17 =	simm.s32 $0x280;
	s18 =	simm.s32 $0xA600  }
0x2c: {  	[tilespmem:s18], [sflag:$0x3] =	stream.indirect.gather [hbm4b:s4+s20], $0x40, s17, s20, $0xb8;
	[tilespmem:$0x1CA00] =	vst v63  }
0x2d: {  	s21 =	simm.s32 $0x480;
	s26 =	simm.s32 $0x12600  }
0x2e: {  	[tilespmem:s26], [sflag:$0x3] =	stream.indirect.gather [hbm4b:s4+s20], $0x40, s21, s20, $0xb8;
	[tilespmem:$0x1CA00] =	vst v63  }
0x2f: {  	s6 =	simm.s32 $0x100;
	s7 =	simm.s32 $0x4600  }
0x30: {  	[tilespmem:s7], [sflag:$0x4] =	stream.indirect.gather [hbm4b:s3+s20], $0x40, s6, s20, $0xb8;
	[tilespmem:$0x1CA00] =	vst v63  }
0x31: {  	s17 =	simm.s32 $0x300;
	s18 =	simm.s32 $0xC600  }
0x32: {  	[tilespmem:s18], [sflag:$0x4] =	stream.indirect.gather [hbm4b:s4+s20], $0x40, s17, s20, $0xb8;
	[tilespmem:$0x1CA00] =	vst v63  }
0x33: {  	s21 =	simm.s32 $0x500;
	s26 =	simm.s32 $0x14600  }
0x34: {  	[tilespmem:s26], [sflag:$0x4] =	stream.indirect.gather [hbm4b:s4+s20], $0x40, s21, s20, $0xb8;
	[tilespmem:$0x1CA00] =	vst v63  }
0x35: {  	s5 =	simm.s32 $0x180;
	s6 =	simm.s32 $0x6600  }
0x36: {  	[tilespmem:s6], [sflag:$0x5] =	stream.indirect.gather [hbm4b:s3+s20], $0x40, s5, s20, $0xb8;
	[tilespmem:$0x1CA00] =	vst v63  }
0x37: {  	s7 =	simm.s32 $0x380;
	s17 =	simm.s32 $0xE600  }
0x38: {  	[tilespmem:s17], [sflag:$0x5] =	stream.indirect.gather [hbm4b:s4+s20], $0x40, s7, s20, $0xb8;
	[tilespmem:$0x1CA00] =	vst v63  }
0x39: {  	s18 =	simm.s32 $0x580;
	s21 =	simm.s32 $0x16600  }
0x3a: {  	[tilespmem:s21], [sflag:$0x5] =	stream.indirect.gather [hbm4b:s4+s20], $0x40, s18, s20, $0xb8;
	[tilespmem:$0x1CA00] =	vst v63  }
0x3b: {  	_ =	swait.ge [sflag:s30], $0x2000  }
0x3c: {  	[sflag:s30] =	ssyncset.done $0x0  }
0x3d: {  	[sflag:s30] =	ssyncadd.s32 $0xFFFFE000  }
0x3e: {  	_ =	swait.ge [sflag:s30], $0x2000  }
0x3f: {  	[sflag:s30] =	ssyncset.done $0x0  }
0x40: {  	[sflag:s30] =	ssyncadd.s32 $0xFFFFE000  }
0x41: {  	_ =	swait.ge [sflag:s30], $0x2000  }
0x42: {  	[sflag:s30] =	ssyncset.done $0x0  }
0x43: {  	s26 =	simm.s32 $0x680;
	[sflag:s30] =	ssyncadd.s32 $0xFFFFE000  }
0x44: {  	v1 =	vld [tilespmem:s26+$0x70]  }
0x45: {  	v2 =	vld [tilespmem:s26+$0x60]  }
0x46: {  	v3 =	vld [tilespmem:s26+$0x40]  }
0x47: {  	s1 =	simm.s32 $0x8680;
	v4 =	vld [tilespmem:s26+$0x50]  }
0x48: {  	v5 =	vld [tilespmem:s1+$0x40]  }
0x49: {  	s21 =	simm.s32 $0x10680;
	v6 =	vld [tilespmem:s1+$0x50]  }
0x4a: {  	v7 =	vld [tilespmem:s21+$0x40]  }
0x4b: {  	v8 =	vld [tilespmem:s21+$0x50]  }
0x4c: {  	v9 =	vld [tilespmem:s1+$0x60]  }
0x4d: {  	v10 =	vld [tilespmem:s21+$0x60]  }
0x4e: {  	v11 =	vld [tilespmem:s1+$0x70]  }
0x4f: {  	v12 =	vld [tilespmem:s21+$0x70]  }
0x50: {  	v13 =	vld [tilespmem:s26+$0xFFFFFF90]  }
0x51: {  	v14 =	vld [tilespmem:s1+$0xFFFFFF80]  }
0x52: {  	v15 =	vld [tilespmem:s1+$0xFFFFFF90]  }
0x53: {  	v16 =	vld [tilespmem:s21+$0xFFFFFF80]  }
0x54: {  	v17 =	vld [tilespmem:s21+$0xFFFFFF90]  }
0x55: {  	v18 =	vld [tilespmem:s26+$0xFFFFFFC0]  }
0x56: {  	v19 =	vld [tilespmem:s26+$0xFFFFFFD0]  }
0x57: {  	v20 =	vld [tilespmem:s1+$0xFFFFFFC0]  }
0x58: {  	v21 =	vld [tilespmem:s1+$0xFFFFFFD0]  }
0x59: {  	v22 =	vld [tilespmem:s21+$0xFFFFFFC0]  }
0x5a: {  	v23 =	vld [tilespmem:s21+$0xFFFFFFD0]  }
0x5b: {  	v24 =	vld [tilespmem:s26+$0x0]  }
0x5c: {  	v25 =	vld [tilespmem:s26+$0x10]  }
0x5d: {  	v26 =	vld [tilespmem:s1+$0x0]  }
0x5e: {  	v27 =	vld [tilespmem:s1+$0x10]  }
0x5f: {  	v28 =	vld [tilespmem:s21+$0x0]  }
0x60: {  	v29 =	vld [tilespmem:s21+$0x10]  }
0x61: {  	v30 =	vld [tilespmem:s26+$0xFFFFFF80]  }
0x62: {  	v31 =	vld [tilespmem:s26+$0xFFFFFFA0]  }
0x63: {  	v32 =	vld [tilespmem:s1+$0xFFFFFFA0];
	v5 =	vmul.f32 v5, v3;
	v6 =	vmul.f32 v6, v4  }
0x64: {  	v56 =	vld [tilespmem:s21+$0x20];
	v3 =	vmul.f32 v7, v3;
	v4 =	vmul.f32 v8, v4  }
0x65: {  	v59 =	vld [tilespmem:s1+$0xFFFFFFB0];
	v5 =	vadd.f32 v6, v5;
	v6 =	vmul.f32 v9, v2  }
0x66: {  	v7 =	vld [tilespmem:s21+$0xFFFFFFA0];
	v57 =	vmul.f32 v28, v24;
	v3 =	vadd.f32 v4, v3;
	v2 =	vmul.f32 v10, v2  }
0x67: {  	v8 =	vld [tilespmem:s1+$0xFFFFFFE0];
	v4 =	vmul.f32 v11, v1;
	v1 =	vmul.f32 v12, v1;
	v5 =	vadd.f32 v6, v5  }
0x68: {  	v9 =	vld [tilespmem:s26+$0xFFFFFFE0];
	v11 =	vmul.f32 v20, v18;
	v6 =	vmul.f32 v15, v13;
	v2 =	vadd.f32 v2, v3  }
0x69: {  	v10 =	vld [tilespmem:s21+$0xFFFFFFE0];
	v3 =	vmul.f32 v17, v13;
	v13 =	vadd.f32 v4, v5;
	v4 =	vmul.f32 v21, v19  }
0x6a: {  	v12 =	vld [tilespmem:s26+$0x20];
	v5 =	vmul.f32 v22, v18;
	v55 =	vadd.f32 v1, v2;
	v1 =	vmul.f32 v23, v19  }
0x6b: {  	v15 =	vld [tilespmem:s1+$0x20];
	v2 =	vmul.f32 v26, v24;
	v11 =	vadd.f32 v4, v11;
	v4 =	vmul.f32 v14, v30  }
0x6c: {  	v14 =	vld [tilespmem:s26+$0xFFFFFFB0];
	v58 =	vadd.f32 v1, v5;
	v1 =	vmul.f32 v27, v25;
	v5 =	vmul.f32 v16, v30  }
0x6d: {  	v62 =	vld [tilespmem:s21+$0xFFFFFFB0];
	v60 =	vmul.f32 v29, v25;
	v61 =	vmul.f32 v32, v31;
	v6 =	vadd.f32 v6, v4  }
0x6e: {  	v2 =	vadd.f32 v1, v2;
	v1 =	vadd.f32 v3, v5;
	v3 =	vmul.f32 v7, v31;
	v4 =	vld [tilespmem:s26+$0xFFFFFFF0]  }
0x6f: {  	v19 =	vadd.f32 v60, v57;
	v5 =	vmul.f32 v8, v9;
	v8 =	vld [tilespmem:s1+$0xFFFFFFF0];
	v63 =	vadd.f32 v61, v6  }
0x70: {  	v1 =	vadd.f32 v3, v1;
	v3 =	vmul.f32 v10, v9;
	v10 =	vmul.f32 v15, v12;
	v9 =	vld [tilespmem:s21+$0xFFFFFFF0]  }
0x71: {  	s17 =	simm.s32 $0x18620;
	v6 =	vadd.f32 v5, v11;
	v11 =	vmul.f32 v56, v12;
	v5 =	vld [tilespmem:s26+$0x30];
	v12 =	vmul.f32 v59, v14  }
0x72: {  	s28 =	simm.s32 $0x1C810;
	s6 =	simm.s32 $0x0;
	s18 =	simm.s32 $0x1A620;
	[tilespmem:s17+$0x10] =	vst v13;
	v13 =	vmul.f32 v62, v14;
	v7 =	vadd.f32 v3, v58;
	v2 =	vadd.f32 v10, v2;
	v10 =	vld [tilespmem:s1+$0x30]  }
0x73: {  	s5 =	simm.s32 $0x10;
	s7 =	simm.s32 $0x780;
	[tilespmem:s18+$0x10] =	vst v55;
	s26 =	simm.s32 $0x1C610;
	v3 =	vadd.f32 v11, v19;
	v11 =	vld [tilespmem:s21+$0x30];
	v12 =	vadd.f32 v12, v63  }
.LBB2_2:
0x74: {  	v14 =	vld [tilespmem:s7+$0x70];
	v1 =	vadd.f32 v13, v1;
	v8 =	vmul.f32 v8, v4  }
0x75: {  	v13 =	vld [tilespmem:s7+$0x60];
	[tilespmem:s17+$0xFFFFFFE0] =	vst v12;
	v4 =	vmul.f32 v9, v4  }
0x76: {  	v9 =	vld [tilespmem:s7+$0x40];
	[tilespmem:s18+$0xFFFFFFE0] =	vst v1;
	v1 =	vadd.f32 v8, v6  }
0x77: {  	s1 =	sadd.s32 $0x100, s1;
	v6 =	vld [tilespmem:s7+$0x50];
	v4 =	vadd.f32 v4, v7;
	v7 =	vmul.f32 v10, v5  }
0x78: {  	v8 =	vld [tilespmem:s1+$0x40];
	[tilespmem:s17+$0xFFFFFFF0] =	vst v1;
	v1 =	vmul.f32 v11, v5  }
0x79: {  	s21 =	sadd.s32 $0x100, s21;
	v5 =	vld [tilespmem:s1+$0x50];
	[tilespmem:s18+$0xFFFFFFF0] =	vst v4;
	v2 =	vadd.f32 v7, v2  }
0x7a: {  	v4 =	vld [tilespmem:s21+$0x40];
	v1 =	vadd.f32 v1, v3  }
0x7b: {  	s6 =	sadd.s32 $0x4, s6;
	v3 =	vld [tilespmem:s21+$0x50];
	[tilespmem:s17+$0x0] =	vst v2  }
0x7c: {  	p0 =	slt.u32 s6, $0x7C;
	v2 =	vld [tilespmem:s1+$0x60];
	[tilespmem:s18+$0x0] =	vst v1  }
0x7d: {  	v1 =	vld [tilespmem:s21+$0x60]  }
0x7e: {  	v7 =	vld [tilespmem:s1+$0x70]  }
0x7f: {  	v8 =	vmul.f32 v8, v9;
	v5 =	vmul.f32 v5, v6;
	v10 =	vld [tilespmem:s21+$0x70]  }
0x80: {  	v4 =	vmul.f32 v4, v9;
	v11 =	vld [tilespmem:s7+$0xFFFFFF90];
	v3 =	vmul.f32 v3, v6  }
0x81: {  	v5 =	vadd.f32 v5, v8;
	v6 =	vld [tilespmem:s1+$0xFFFFFF80];
	v2 =	vmul.f32 v2, v13  }
0x82: {  	v8 =	vld [tilespmem:s1+$0xFFFFFF90];
	v3 =	vadd.f32 v3, v4;
	v1 =	vmul.f32 v1, v13  }
0x83: {  	v4 =	vld [tilespmem:s21+$0xFFFFFF80];
	v2 =	vadd.f32 v2, v5;
	v5 =	vmul.f32 v7, v14  }
0x84: {  	v7 =	vld [tilespmem:s21+$0xFFFFFF90];
	v1 =	vadd.f32 v1, v3;
	v3 =	vmul.f32 v10, v14  }
0x85: {  	v9 =	vld [tilespmem:s7+$0xFFFFFFC0];
	v2 =	vadd.f32 v5, v2  }
0x86: {  	s17 =	sadd.s32 $0x40, s17;
	v5 =	vld [tilespmem:s7+$0xFFFFFFD0];
	v1 =	vadd.f32 v3, v1  }
0x87: {  	s18 =	sadd.s32 $0x40, s18;
	v3 =	vmul.f32 v8, v11;
	v8 =	vld [tilespmem:s1+$0xFFFFFFC0];
	[tilespmem:s17+$0x10] =	vst v2  }
0x88: {  	v2 =	vld [tilespmem:s1+$0xFFFFFFD0];
	[tilespmem:s18+$0x10] =	vst v1  }
0x89: {  	v1 =	vmul.f32 v7, v11;
	v7 =	vld [tilespmem:s21+$0xFFFFFFC0]  }
0x8a: {  	v10 =	vld [tilespmem:s21+$0xFFFFFFD0]  }
0x8b: {  	v11 =	vld [tilespmem:s7+$0x0]  }
0x8c: {  	v8 =	vmul.f32 v8, v9;
	v12 =	vld [tilespmem:s7+$0x10]  }
0x8d: {  	v2 =	vmul.f32 v2, v5;
	v13 =	vld [tilespmem:s1+$0x0]  }
0x8e: {  	v7 =	vmul.f32 v7, v9;
	v9 =	vld [tilespmem:s1+$0x10]  }
0x8f: {  	v2 =	vadd.f32 v2, v8;
	v5 =	vmul.f32 v10, v5;
	v8 =	vld [tilespmem:s21+$0x0]  }
0x90: {  	v10 =	vld [tilespmem:s21+$0x10]  }
0x91: {  	v14 =	vld [tilespmem:s7+$0xFFFFFF80];
	v5 =	vadd.f32 v5, v7  }
0x92: {  	v7 =	vld [tilespmem:s7+$0xFFFFFFA0];
	v13 =	vmul.f32 v13, v11  }
0x93: {  	v15 =	vld [tilespmem:s1+$0xFFFFFFA0];
	v9 =	vmul.f32 v9, v12  }
0x94: {  	v16 =	vld [tilespmem:s21+$0xFFFFFFA0];
	v8 =	vmul.f32 v8, v11  }
0x95: {  	v11 =	vld [tilespmem:s7+$0xFFFFFFE0];
	v13 =	vadd.f32 v9, v13;
	v9 =	vmul.f32 v10, v12  }
0x96: {  	v6 =	vmul.f32 v6, v14;
	v4 =	vmul.f32 v4, v14;
	v10 =	vld [tilespmem:s1+$0xFFFFFFE0]  }
0x97: {  	v12 =	vld [tilespmem:s21+$0xFFFFFFE0];
	v14 =	vadd.f32 v9, v8  }
0x98: {  	v3 =	vadd.f32 v3, v6;
	v1 =	vadd.f32 v1, v4;
	v4 =	vmul.f32 v15, v7;
	v9 =	vld [tilespmem:s7+$0x20]  }
0x99: {  	v6 =	vmul.f32 v16, v7;
	v8 =	vld [tilespmem:s1+$0x20]  }
0x9a: {  	v15 =	vadd.f32 v4, v3;
	v3 =	vld [tilespmem:s21+$0x20]  }
0x9b: {  	v16 =	vld [tilespmem:s7+$0xFFFFFFB0];
	v1 =	vadd.f32 v6, v1;
	v4 =	vmul.f32 v10, v11  }
0x9c: {  	v10 =	vld [tilespmem:s1+$0xFFFFFFB0];
	v7 =	vmul.f32 v12, v11  }
0x9d: {  	v11 =	vld [tilespmem:s21+$0xFFFFFFB0];
	v6 =	vadd.f32 v4, v2  }
0x9e: {  	v4 =	vld [tilespmem:s7+$0xFFFFFFF0];
	v7 =	vadd.f32 v7, v5;
	v2 =	vmul.f32 v8, v9  }
.Ltmp0:
0x9f: {  	v8 =	vld [tilespmem:s1+$0xFFFFFFF0];
	v3 =	vmul.f32 v3, v9;
	(pc) =	sbr.rel @p0 .LBB2_2-.Ltmp0, $4  }
0xa0: {  	v9 =	vld [tilespmem:s21+$0xFFFFFFF0];
	v2 =	vadd.f32 v2, v13  }
0xa1: {  	v12 =	vmul.f32 v10, v16;
	v5 =	vld [tilespmem:s7+$0x30];
	v3 =	vadd.f32 v3, v14  }
0xa2: {  	v13 =	vmul.f32 v11, v16;
	v10 =	vld [tilespmem:s1+$0x30]  }
0xa3: {  	s7 =	sadd.s32 $0x100, s7;
	v12 =	vadd.f32 v12, v15;
	v11 =	vld [tilespmem:s21+$0x30]  }
0xa4: {  	v8 =	vmul.f32 v8, v4  }
0xa5: {  	s1 =	simm.s32 $0x0;
	v4 =	vmul.f32 v9, v4  }
0xa6: {  	v1 =	vadd.f32 v13, v1;
	v9 =	vmov s1;
	v6 =	vadd.f32 v8, v6  }
0xa7: {  	[tilespmem:s17+$0xFFFFFFE0] =	vst v12;
	v9 =	vshll.u32 v9, $0x4;
	v4 =	vadd.f32 v4, v7;
	v8 =	vmul.f32 v10, v5  }
0xa8: {  	v7 =	vmov s5;
	v5 =	vmul.f32 v11, v5;
	[tilespmem:s17+$0xFFFFFFF0] =	vst v6;
	v6 =	vor.u32 v0, v9  }
0xa9: {  	[tilespmem:s18+$0xFFFFFFE0] =	vst v1;
	v7 =	vshll.u32 v7, $0x4;
	v2 =	vadd.f32 v8, v2  }
0xaa: {  	v1 =	vor.u32 v0, v7;
	[tilespmem:s18+$0xFFFFFFF0] =	vst v4;
	v3 =	vadd.f32 v5, v3  }
0xab: {  	v8 =	vor.u32 $0x3, v6;
	[tilespmem:s17+$0x0] =	vst v2  }
0xac: {  	[tilespmem:s18+$0x0] =	vst v3  }
0xad: {  	v10 =	vor.u32 $0x4, v6;
	v5 =	vld.idx.msk [tilespmem:v6+s31+$0x0], $0xffff  }
0xae: {  	v7 =	vld.idx.msk [tilespmem:v6+s0+$0x0], $0xffff  }
0xaf: {  	v48 =	vor.u32 $0x5, v6;
	v4 =	vld.idx.msk [tilespmem:v1+s31+$0x0], $0xffff  }
0xb0: {  	v49 =	vld.idx.msk [tilespmem:v8+s31+$0x0], $0xffff  }
0xb1: {  	v14 =	vor.u32 $0x6, v6;
	v8 =	vld.idx.msk [tilespmem:v8+s0+$0x0], $0xffff  }
0xb2: {  	v15 =	vld.idx.msk [tilespmem:v10+s31+$0x0], $0xffff  }
0xb3: {  	v16 =	vor.u32 $0x7, v6;
	v10 =	vld.idx.msk [tilespmem:v10+s0+$0x0], $0xffff  }
0xb4: {  	v17 =	vld.idx.msk [tilespmem:v48+s31+$0x0], $0xffff  }
0xb5: {  	v18 =	vor.u32 $0x8, v6;
	v12 =	vld.idx.msk [tilespmem:v48+s0+$0x0], $0xffff  }
0xb6: {  	v19 =	vld.idx.msk [tilespmem:v14+s31+$0x0], $0xffff  }
0xb7: {  	v20 =	vor.u32 $0x9, v6;
	v14 =	vld.idx.msk [tilespmem:v14+s0+$0x0], $0xffff  }
0xb8: {  	v21 =	vld.idx.msk [tilespmem:v16+s31+$0x0], $0xffff  }
0xb9: {  	v22 =	vor.u32 $0xA, v6;
	v16 =	vld.idx.msk [tilespmem:v16+s0+$0x0], $0xffff  }
0xba: {  	v23 =	vld.idx.msk [tilespmem:v18+s31+$0x0], $0xffff  }
0xbb: {  	v2 =	vor.u32 $0x1, v6;
	v18 =	vld.idx.msk [tilespmem:v18+s0+$0x0], $0xffff  }
0xbc: {  	v25 =	vld.idx.msk [tilespmem:v20+s31+$0x0], $0xffff  }
0xbd: {  	v3 =	vor.u32 $0x2, v6;
	v20 =	vld.idx.msk [tilespmem:v20+s0+$0x0], $0xffff  }
0xbe: {  	v24 =	vor.u32 $0xB, v6;
	v27 =	vld.idx.msk [tilespmem:v22+s31+$0x0], $0xffff  }
0xbf: {  	v22 =	vld.idx.msk [tilespmem:v22+s0+$0x0], $0xffff  }
0xc0: {  	v9 =	vld.idx.msk [tilespmem:v2+s31+$0x0], $0xffff  }
0xc1: {  	v30 =	vor.u32 $0xE, v6;
	v2 =	vld.idx.msk [tilespmem:v2+s0+$0x0], $0xffff  }
0xc2: {  	v11 =	vld.idx.msk [tilespmem:v3+s31+$0x0], $0xffff  }
0xc3: {  	v50 =	vor.u32 $0x1, v1;
	v29 =	vld.idx.msk [tilespmem:v24+s31+$0x0], $0xffff;
	v5 =	vadd.f32 $0.0e+00, v5  }
0xc4: {  	v52 =	vor.u32 $0x2, v1;
	v3 =	vld.idx.msk [tilespmem:v3+s0+$0x0], $0xffff  }
0xc5: {  	v56 =	vor.u32 $0x5, v1;
	v24 =	vld.idx.msk [tilespmem:v24+s0+$0x0], $0xffff;
	v7 =	vadd.f32 $0.0e+00, v7;
	v5 =	vadd.f32 v9, v5  }
0xc6: {  	v26 =	vor.u32 $0xC, v6;
	v51 =	vld.idx.msk [tilespmem:v30+s0+$0x0], $0xffff  }
0xc7: {  	v53 =	vld.idx.msk [tilespmem:v1+s0+$0x0], $0xffff;
	v2 =	vadd.f32 v2, v7;
	v5 =	vadd.f32 v11, v5  }
0xc8: {  	v28 =	vor.u32 $0xD, v6;
	v54 =	vld.idx.msk [tilespmem:v50+s0+$0x0], $0xffff  }
0xc9: {  	v55 =	vld.idx.msk [tilespmem:v52+s31+$0x0], $0xffff;
	v2 =	vadd.f32 v3, v2;
	v5 =	vadd.f32 v49, v5  }
0xca: {  	v59 =	vld.idx.msk [tilespmem:v56+s31+$0x0], $0xffff  }
0xcb: {  	v7 =	vld.idx.msk [tilespmem:v26+s31+$0x0], $0xffff;
	v2 =	vadd.f32 v8, v2;
	v5 =	vadd.f32 v15, v5  }
0xcc: {  	v6 =	vor.u32 $0xF, v6;
	v9 =	vld.idx.msk [tilespmem:v26+s0+$0x0], $0xffff  }
0xcd: {  	v3 =	vld.idx.msk [tilespmem:v28+s31+$0x0], $0xffff;
	v2 =	vadd.f32 v10, v2;
	v15 =	vor.u32 $0x3, v1;
	v5 =	vadd.f32 v17, v5  }
0xce: {  	v11 =	vld.idx.msk [tilespmem:v28+s0+$0x0], $0xffff  }
0xcf: {  	v2 =	vadd.f32 v12, v2;
	v17 =	vld.idx.msk [tilespmem:v50+s31+$0x0], $0xffff;
	v5 =	vadd.f32 v19, v5  }
0xd0: {  	v8 =	vld.idx.msk [tilespmem:v30+s31+$0x0], $0xffff;
	v19 =	vor.u32 $0x4, v1  }
0xd1: {  	v10 =	vld.idx.msk [tilespmem:v6+s31+$0x0], $0xffff;
	v2 =	vadd.f32 v14, v2;
	v5 =	vadd.f32 v21, v5  }
0xd2: {  	v4 =	vadd.f32 $0.0e+00, v4;
	v57 =	vld.idx.msk [tilespmem:v15+s31+$0x0], $0xffff  }
0xd3: {  	v2 =	vadd.f32 v16, v2;
	v16 =	vld.idx.msk [tilespmem:v52+s0+$0x0], $0xffff;
	v5 =	vadd.f32 v23, v5  }
0xd4: {  	v58 =	vor.u32 $0x6, v1;
	v12 =	vadd.f32 $0.0e+00, v53;
	v15 =	vld.idx.msk [tilespmem:v15+s0+$0x0], $0xffff;
	v4 =	vadd.f32 v17, v4  }
0xd5: {  	v2 =	vadd.f32 v18, v2;
	v17 =	vld.idx.msk [tilespmem:v19+s31+$0x0], $0xffff;
	v5 =	vadd.f32 v25, v5  }
0xd6: {  	v6 =	vld.idx.msk [tilespmem:v6+s0+$0x0], $0xffff;
	v12 =	vadd.f32 v54, v12;
	v18 =	vor.u32 $0x7, v1;
	v4 =	vadd.f32 v55, v4  }
0xd7: {  	v19 =	vld.idx.msk [tilespmem:v19+s0+$0x0], $0xffff;
	v2 =	vadd.f32 v20, v2;
	v20 =	vor.u32 $0x8, v1;
	v5 =	vadd.f32 v27, v5  }
0xd8: {  	v21 =	vld.idx.msk [tilespmem:v56+s0+$0x0], $0xffff;
	v12 =	vadd.f32 v16, v12;
	v4 =	vadd.f32 v57, v4  }
0xd9: {  	v62 =	vor.u32 $0xB, v1;
	v16 =	vld.idx.msk [tilespmem:v58+s31+$0x0], $0xffff;
	v2 =	vadd.f32 v22, v2;
	v5 =	vadd.f32 v29, v5  }
0xda: {  	v23 =	vld.idx.msk [tilespmem:v58+s0+$0x0], $0xffff;
	v12 =	vadd.f32 v15, v12;
	v4 =	vadd.f32 v17, v4  }
0xdb: {  	v60 =	vor.u32 $0x9, v1;
	v15 =	vld.idx.msk [tilespmem:v18+s31+$0x0], $0xffff;
	v2 =	vadd.f32 v24, v2;
	v5 =	vadd.f32 v7, v5  }
0xdc: {  	v61 =	vld.idx.msk [tilespmem:v20+s31+$0x0], $0xffff;
	v7 =	vadd.f32 v19, v12;
	v4 =	vadd.f32 v59, v4  }
0xdd: {  	v17 =	vor.u32 $0xA, v1;
	v2 =	vadd.f32 v9, v2;
	v9 =	vld.idx.msk [tilespmem:v18+s0+$0x0], $0xffff;
	v5 =	vadd.f32 v3, v5  }
0xde: {  	v19 =	vld.idx.msk [tilespmem:v62+s0+$0x0], $0xffff;
	v7 =	vadd.f32 v21, v7;
	v4 =	vadd.f32 v16, v4  }
0xdf: {  	v2 =	vadd.f32 v11, v2;
	v11 =	vld.idx.msk [tilespmem:v20+s0+$0x0], $0xffff;
	v5 =	vadd.f32 v8, v5  }
0xe0: {  	v16 =	vld.idx.msk [tilespmem:v60+s31+$0x0], $0xffff;
	v3 =	vor.u32 $0xC, v1;
	v63 =	vadd.f32 v23, v7;
	v4 =	vadd.f32 v15, v4  }
0xe1: {  	v2 =	vadd.f32 v51, v2;
	v8 =	vld.idx.msk [tilespmem:v60+s0+$0x0], $0xffff;
	v5 =	vadd.f32 v10, v5  }
0xe2: {  	v7 =	vld.idx.msk [tilespmem:v17+s31+$0x0], $0xffff;
	v9 =	vadd.f32 v9, v63;
	v12 =	vadd.f32 v61, v4;
	v4 =	vor.u32 $0xD, v1  }
0xe3: {  	v10 =	vadd.f32 v6, v2;
	v6 =	vld.idx.msk [tilespmem:v17+s0+$0x0], $0xffff  }
0xe4: {  	v17 =	vld.idx.msk [tilespmem:v62+s31+$0x0], $0xffff;
	v2 =	vor.u32 $0xE, v1;
	[tilespmem:s26+$0xFFFFFFF0] =	vst v5;
	v9 =	vadd.f32 v11, v9  }
0xe5: {  	s21 =	simm.s32 $0x30;
	s1 =	simm.s32 $0x0;
	v1 =	vor.u32 $0xF, v1;
	v18 =	vld.idx.msk [tilespmem:v3+s31+$0x0], $0xffff;
	v5 =	vadd.f32 v16, v12;
	[tilespmem:s28+$0xFFFFFFF0] =	vst v10  }
.LBB2_4:
0xe6: {  	s5 =	sadd.s32 $0xFFFFFFF0, s21;
	v10 =	vmov s21;
	v8 =	vadd.f32 v8, v9;
	v20 =	vld.idx.msk [tilespmem:v3+s0+$0x0], $0xffff  }
0xe7: {  	s1 =	sadd.s32 $0x2, s1;
	v3 =	vmov s5;
	v9 =	vshll.u32 v10, $0x4;
	v21 =	vadd.f32 v7, v5;
	v22 =	vld.idx.msk [tilespmem:v4+s31+$0x0], $0xffff  }
0xe8: {  	p0 =	slt.u32 s1, $0x6;
	v3 =	vshll.u32 v3, $0x4;
	v15 =	vor.u32 v0, v9;
	v23 =	vadd.f32 v6, v8;
	v24 =	vld.idx.msk [tilespmem:v4+s0+$0x0], $0xffff  }
0xe9: {  	v25 =	vor.u32 v0, v3;
	v16 =	vor.u32 $0x1, v15;
	v14 =	vor.u32 $0x2, v15;
	v26 =	vld.idx.msk [tilespmem:v2+s31+$0x0], $0xffff  }
0xea: {  	v13 =	vor.u32 $0x3, v15;
	v12 =	vor.u32 $0x4, v15;
	v11 =	vor.u32 $0x5, v15;
	v27 =	vld.idx.msk [tilespmem:v2+s0+$0x0], $0xffff  }
0xeb: {  	v10 =	vor.u32 $0x6, v15;
	v9 =	vor.u32 $0x7, v15;
	v28 =	vor.u32 $0x1, v25;
	v29 =	vld.idx.msk [tilespmem:v1+s31+$0x0], $0xffff  }
0xec: {  	v8 =	vor.u32 $0x8, v15;
	v7 =	vor.u32 $0x9, v15;
	v6 =	vor.u32 $0xA, v15;
	v30 =	vld.idx.msk [tilespmem:v1+s0+$0x0], $0xffff  }
0xed: {  	v5 =	vor.u32 $0xB, v15;
	v3 =	vor.u32 $0xC, v15;
	v31 =	vor.u32 $0x2, v25;
	v32 =	vld.idx.msk [tilespmem:v15+s31+$0x0], $0xffff  }
0xee: {  	v4 =	vor.u32 $0xD, v15;
	v17 =	vadd.f32 v17, v21;
	v19 =	vadd.f32 v19, v23;
	v33 =	vld.idx.msk [tilespmem:v25+s31+$0x0], $0xffff  }
0xef: {  	v23 =	vor.u32 $0x3, v25;
	v2 =	vor.u32 $0xE, v15;
	v1 =	vor.u32 $0xF, v15;
	v21 =	vld.idx.msk [tilespmem:v25+s0+$0x0], $0xffff  }
0xf0: {  	v17 =	vadd.f32 v18, v17;
	v18 =	vadd.f32 v20, v19;
	v34 =	vld.idx.msk [tilespmem:v28+s31+$0x0], $0xffff  }
0xf1: {  	v20 =	vor.u32 $0x4, v25;
	v19 =	vld.idx.msk [tilespmem:v28+s0+$0x0], $0xffff  }
0xf2: {  	v17 =	vadd.f32 v22, v17;
	v18 =	vadd.f32 v24, v18;
	v28 =	vld.idx.msk [tilespmem:v31+s31+$0x0], $0xffff  }
0xf3: {  	v24 =	vor.u32 $0x5, v25;
	v22 =	vld.idx.msk [tilespmem:v31+s0+$0x0], $0xffff;
	v31 =	vadd.f32 $0.0e+00, v32  }
0xf4: {  	v17 =	vadd.f32 v26, v17;
	v32 =	vadd.f32 $0.0e+00, v33;
	v33 =	vld.idx.msk [tilespmem:v23+s31+$0x0], $0xffff  }
0xf5: {  	v26 =	vor.u32 $0x6, v25;
	v18 =	vadd.f32 v27, v18;
	v21 =	vadd.f32 $0.0e+00, v21;
	v23 =	vld.idx.msk [tilespmem:v23+s0+$0x0], $0xffff  }
0xf6: {  	v17 =	vadd.f32 v29, v17;
	v27 =	vadd.f32 v34, v32;
	v32 =	vld.idx.msk [tilespmem:v20+s31+$0x0], $0xffff  }
0xf7: {  	v18 =	vadd.f32 v30, v18;
	v19 =	vadd.f32 v19, v21;
	v21 =	vor.u32 $0x7, v25;
	v20 =	vld.idx.msk [tilespmem:v20+s0+$0x0], $0xffff  }
0xf8: {  	v27 =	vadd.f32 v28, v27;
	v28 =	vld.idx.msk [tilespmem:v24+s31+$0x0], $0xffff;
	[tilespmem:s26+$0x0] =	vst v17  }
0xf9: {  	v17 =	vadd.f32 v22, v19;
	v22 =	vor.u32 $0x8, v25;
	v19 =	vld.idx.msk [tilespmem:v24+s0+$0x0], $0xffff;
	[tilespmem:s28+$0x0] =	vst v18  }
0xfa: {  	v18 =	vadd.f32 v33, v27;
	v24 =	vld.idx.msk [tilespmem:v26+s31+$0x0], $0xffff  }
0xfb: {  	v17 =	vadd.f32 v23, v17;
	v23 =	vld.idx.msk [tilespmem:v26+s0+$0x0], $0xffff;
	v26 =	vor.u32 $0x9, v25  }
0xfc: {  	v18 =	vadd.f32 v32, v18;
	v27 =	vld.idx.msk [tilespmem:v21+s31+$0x0], $0xffff  }
0xfd: {  	v17 =	vadd.f32 v20, v17;
	v20 =	vld.idx.msk [tilespmem:v21+s0+$0x0], $0xffff;
	v21 =	vor.u32 $0xA, v25  }
0xfe: {  	v18 =	vadd.f32 v28, v18;
	v28 =	vld.idx.msk [tilespmem:v22+s31+$0x0], $0xffff  }
0xff: {  	v17 =	vadd.f32 v19, v17;
	v19 =	vld.idx.msk [tilespmem:v22+s0+$0x0], $0xffff;
	v22 =	vor.u32 $0xB, v25  }
0x100: {  	v18 =	vadd.f32 v24, v18;
	v24 =	vld.idx.msk [tilespmem:v26+s31+$0x0], $0xffff  }
0x101: {  	v17 =	vadd.f32 v23, v17;
	v23 =	vld.idx.msk [tilespmem:v26+s0+$0x0], $0xffff;
	v26 =	vor.u32 $0xC, v25  }
0x102: {  	v18 =	vadd.f32 v27, v18;
	v27 =	vld.idx.msk [tilespmem:v21+s31+$0x0], $0xffff  }
0x103: {  	v17 =	vadd.f32 v20, v17;
	v20 =	vld.idx.msk [tilespmem:v21+s0+$0x0], $0xffff;
	v21 =	vor.u32 $0xD, v25  }
0x104: {  	v18 =	vadd.f32 v28, v18;
	v28 =	vld.idx.msk [tilespmem:v22+s31+$0x0], $0xffff  }
0x105: {  	v17 =	vadd.f32 v19, v17;
	v19 =	vld.idx.msk [tilespmem:v22+s0+$0x0], $0xffff;
	v22 =	vor.u32 $0xE, v25  }
0x106: {  	v18 =	vadd.f32 v24, v18;
	v24 =	vld.idx.msk [tilespmem:v26+s31+$0x0], $0xffff  }
0x107: {  	v25 =	vor.u32 $0xF, v25;
	v17 =	vadd.f32 v23, v17;
	v23 =	vld.idx.msk [tilespmem:v26+s0+$0x0], $0xffff  }
0x108: {  	v18 =	vadd.f32 v27, v18;
	v26 =	vld.idx.msk [tilespmem:v21+s31+$0x0], $0xffff  }
0x109: {  	v17 =	vadd.f32 v20, v17;
	v20 =	vld.idx.msk [tilespmem:v21+s0+$0x0], $0xffff  }
0x10a: {  	v18 =	vadd.f32 v28, v18;
	v21 =	vld.idx.msk [tilespmem:v22+s31+$0x0], $0xffff  }
0x10b: {  	v17 =	vadd.f32 v19, v17;
	v19 =	vld.idx.msk [tilespmem:v22+s0+$0x0], $0xffff  }
0x10c: {  	v18 =	vadd.f32 v24, v18;
	v22 =	vld.idx.msk [tilespmem:v25+s31+$0x0], $0xffff  }
0x10d: {  	v17 =	vadd.f32 v23, v17;
	v23 =	vld.idx.msk [tilespmem:v25+s0+$0x0], $0xffff  }
0x10e: {  	v18 =	vadd.f32 v26, v18;
	v15 =	vld.idx.msk [tilespmem:v15+s0+$0x0], $0xffff  }
0x10f: {  	v17 =	vadd.f32 v20, v17;
	v20 =	vld.idx.msk [tilespmem:v16+s31+$0x0], $0xffff  }
0x110: {  	v18 =	vadd.f32 v21, v18;
	v16 =	vld.idx.msk [tilespmem:v16+s0+$0x0], $0xffff  }
0x111: {  	v17 =	vadd.f32 v19, v17;
	v19 =	vld.idx.msk [tilespmem:v14+s31+$0x0], $0xffff  }
0x112: {  	v18 =	vadd.f32 v22, v18;
	v14 =	vld.idx.msk [tilespmem:v14+s0+$0x0], $0xffff  }
0x113: {  	s26 =	sadd.s32 $0x20, s26;
	v17 =	vadd.f32 v23, v17;
	v21 =	vld.idx.msk [tilespmem:v13+s31+$0x0], $0xffff  }
0x114: {  	s28 =	sadd.s32 $0x20, s28;
	v15 =	vadd.f32 $0.0e+00, v15;
	[tilespmem:s26+$0xFFFFFFF0] =	vst v18;
	v13 =	vld.idx.msk [tilespmem:v13+s0+$0x0], $0xffff  }
0x115: {  	[tilespmem:s28+$0xFFFFFFF0] =	vst v17;
	v17 =	vadd.f32 v20, v31;
	v18 =	vld.idx.msk [tilespmem:v12+s31+$0x0], $0xffff  }
0x116: {  	v15 =	vadd.f32 v16, v15;
	v12 =	vld.idx.msk [tilespmem:v12+s0+$0x0], $0xffff  }
0x117: {  	v16 =	vadd.f32 v19, v17;
	v17 =	vld.idx.msk [tilespmem:v11+s31+$0x0], $0xffff  }
0x118: {  	v14 =	vadd.f32 v14, v15;
	v11 =	vld.idx.msk [tilespmem:v11+s0+$0x0], $0xffff  }
0x119: {  	v15 =	vadd.f32 v21, v16;
	v16 =	vld.idx.msk [tilespmem:v10+s31+$0x0], $0xffff  }
0x11a: {  	v13 =	vadd.f32 v13, v14;
	v10 =	vld.idx.msk [tilespmem:v10+s0+$0x0], $0xffff  }
0x11b: {  	v14 =	vadd.f32 v18, v15;
	v15 =	vld.idx.msk [tilespmem:v9+s31+$0x0], $0xffff  }
0x11c: {  	v12 =	vadd.f32 v12, v13;
	v9 =	vld.idx.msk [tilespmem:v9+s0+$0x0], $0xffff  }
0x11d: {  	v13 =	vadd.f32 v17, v14;
	v14 =	vld.idx.msk [tilespmem:v8+s31+$0x0], $0xffff  }
0x11e: {  	v11 =	vadd.f32 v11, v12;
	v12 =	vld.idx.msk [tilespmem:v8+s0+$0x0], $0xffff  }
0x11f: {  	v13 =	vadd.f32 v16, v13;
	v16 =	vld.idx.msk [tilespmem:v7+s31+$0x0], $0xffff  }
0x120: {  	v10 =	vadd.f32 v10, v11;
	v8 =	vld.idx.msk [tilespmem:v7+s0+$0x0], $0xffff  }
.Ltmp1:
0x121: {  	v11 =	vadd.f32 v15, v13;
	v7 =	vld.idx.msk [tilespmem:v6+s31+$0x0], $0xffff;
	(pc) =	sbr.rel @p0 .LBB2_4-.Ltmp1, $4  }
0x122: {  	v9 =	vadd.f32 v9, v10;
	v6 =	vld.idx.msk [tilespmem:v6+s0+$0x0], $0xffff  }
0x123: {  	v10 =	vadd.f32 v14, v11;
	v17 =	vld.idx.msk [tilespmem:v5+s31+$0x0], $0xffff  }
0x124: {  	v9 =	vadd.f32 v12, v9;
	v19 =	vld.idx.msk [tilespmem:v5+s0+$0x0], $0xffff  }
0x125: {  	s21 =	sadd.s32 $0x20, s21;
	v5 =	vadd.f32 v16, v10;
	v18 =	vld.idx.msk [tilespmem:v3+s31+$0x0], $0xffff  }
0x126: {  	_ =	sdelay $0x2  }
0x127: {  	v8 =	vadd.f32 v8, v9  }
0x128: {  	v3 =	vld.idx.msk [tilespmem:v3+s0+$0x0], $0xffff;
	v5 =	vadd.f32 v7, v5  }
0x129: {  	v7 =	vld.idx.msk [tilespmem:v4+s31+$0x0], $0xffff;
	v6 =	vadd.f32 v6, v8  }
0x12a: {  	v4 =	vld.idx.msk [tilespmem:v4+s0+$0x0], $0xffff;
	v5 =	vadd.f32 v17, v5  }
0x12b: {  	v8 =	vld.idx.msk [tilespmem:v2+s31+$0x0], $0xffff;
	v6 =	vadd.f32 v19, v6  }
0x12c: {  	v2 =	vld.idx.msk [tilespmem:v2+s0+$0x0], $0xffff;
	v5 =	vadd.f32 v18, v5  }
0x12d: {  	v9 =	vld.idx.msk [tilespmem:v1+s31+$0x0], $0xffff;
	v3 =	vadd.f32 v3, v6  }
0x12e: {  	v1 =	vld.idx.msk [tilespmem:v1+s0+$0x0], $0xffff;
	v5 =	vadd.f32 v7, v5  }
0x12f: {  	v3 =	vadd.f32 v4, v3  }
0x130: {  	v4 =	vadd.f32 v8, v5  }
0x131: {  	v2 =	vadd.f32 v2, v3  }
0x132: {  	v3 =	vadd.f32 v9, v4  }
0x133: {  	v1 =	vadd.f32 v1, v2  }
0x134: {  	[tilespmem:s26+$0x0] =	vst v3  }
0x135: {  	s1 =	simm.s32 $0x1C600;
	[tilespmem:s28+$0x0] =	vst v1  }
0x136: {  	[hbm4b:s8+s2] =	stream.linear.scatter [tilespmem:s1], [sflag:$0x6], $0x80, $0x38;
	[tilespmem:$0x1CA00] =	vst v63  }
0x137: {  	s26 =	simm.s32 $0x1C800  }
0x138: {  	[hbm4b:s9+s2] =	stream.linear.scatter [tilespmem:s26], [sflag:$0x6], $0x80, $0x38;
	[tilespmem:$0x1CA00] =	vst v63  }
0x139: {  	_ =	swait.ge [sflag:s22], $0x2000  }
0x13a: {  	[sflag:s22] =	ssyncset.done $0x0  }
0x13b: {  	[sflag:s22] =	ssyncadd.s32 $0xFFFFE000  }
0x13c: {  	_ =	swait.ge [sflag:s22], $0x2000  }
0x13d: {  	[sflag:s22] =	ssyncset.done $0x0  }
0x13e: {  	[sflag:s22] =	ssyncadd.s32 $0xFFFFE000  }
0x13f: {  	_ =	swait.ge [sflag:s22], $0x2000  }
0x140: {  	[sflag:s22] =	ssyncset.done $0x0  }
0x141: {  	s5 =	simm.s32 $0x26F0;
	[sflag:s22] =	ssyncadd.s32 $0xFFFFE000  }
0x142: {  	v1 =	vld [tilespmem:s5+$0x0]  }
0x143: {  	v2 =	vld [tilespmem:s5+$0xFFFFFFF0]  }
0x144: {  	v3 =	vld [tilespmem:s5+$0xFFFFFFD0]  }
0x145: {  	s1 =	simm.s32 $0xA6F0;
	v4 =	vld [tilespmem:s5+$0xFFFFFFE0]  }
0x146: {  	v5 =	vld [tilespmem:s1+$0xFFFFFFD0]  }
0x147: {  	s21 =	simm.s32 $0x126F0;
	v6 =	vld [tilespmem:s1+$0xFFFFFFE0]  }
0x148: {  	v7 =	vld [tilespmem:s21+$0xFFFFFFD0]  }
0x149: {  	v8 =	vld [tilespmem:s21+$0xFFFFFFE0]  }
0x14a: {  	v9 =	vld [tilespmem:s1+$0xFFFFFFF0]  }
0x14b: {  	v10 =	vld [tilespmem:s21+$0xFFFFFFF0]  }
0x14c: {  	v11 =	vld [tilespmem:s1+$0x0]  }
0x14d: {  	v12 =	vld [tilespmem:s21+$0x0]  }
0x14e: {  	v13 =	vld [tilespmem:s5+$0xFFFFFF20]  }
0x14f: {  	v14 =	vld [tilespmem:s1+$0xFFFFFF10]  }
0x150: {  	v15 =	vld [tilespmem:s1+$0xFFFFFF20]  }
0x151: {  	v16 =	vld [tilespmem:s21+$0xFFFFFF10]  }
0x152: {  	v52 =	vld [tilespmem:s21+$0xFFFFFF20]  }
0x153: {  	v53 =	vld [tilespmem:s5+$0xFFFFFF50]  }
0x154: {  	v54 =	vld [tilespmem:s5+$0xFFFFFF60]  }
0x155: {  	v20 =	vld [tilespmem:s1+$0xFFFFFF50]  }
0x156: {  	v21 =	vld [tilespmem:s1+$0xFFFFFF60]  }
0x157: {  	v22 =	vld [tilespmem:s21+$0xFFFFFF50]  }
0x158: {  	v23 =	vld [tilespmem:s21+$0xFFFFFF60]  }
0x159: {  	v24 =	vld [tilespmem:s5+$0xFFFFFF90]  }
0x15a: {  	v25 =	vld [tilespmem:s5+$0xFFFFFFA0]  }
0x15b: {  	v26 =	vld [tilespmem:s1+$0xFFFFFF90]  }
0x15c: {  	v27 =	vld [tilespmem:s1+$0xFFFFFFA0]  }
0x15d: {  	v28 =	vld [tilespmem:s21+$0xFFFFFF90]  }
0x15e: {  	v29 =	vld [tilespmem:s21+$0xFFFFFFA0]  }
0x15f: {  	v30 =	vld [tilespmem:s5+$0xFFFFFF10]  }
0x160: {  	v31 =	vld [tilespmem:s5+$0xFFFFFF30]  }
0x161: {  	v32 =	vld [tilespmem:s1+$0xFFFFFF30];
	v5 =	vmul.f32 v5, v3;
	v6 =	vmul.f32 v6, v4  }
0x162: {  	v56 =	vld [tilespmem:s21+$0xFFFFFFB0];
	v3 =	vmul.f32 v7, v3;
	v4 =	vmul.f32 v8, v4  }
0x163: {  	v59 =	vld [tilespmem:s1+$0xFFFFFF40];
	v5 =	vadd.f32 v6, v5;
	v6 =	vmul.f32 v9, v2  }
0x164: {  	v7 =	vld [tilespmem:s21+$0xFFFFFF30];
	v57 =	vmul.f32 v28, v24;
	v3 =	vadd.f32 v4, v3;
	v2 =	vmul.f32 v10, v2  }
0x165: {  	v8 =	vld [tilespmem:s1+$0xFFFFFF70];
	v4 =	vmul.f32 v11, v1;
	v1 =	vmul.f32 v12, v1;
	v5 =	vadd.f32 v6, v5  }
0x166: {  	v9 =	vld [tilespmem:s5+$0xFFFFFF70];
	v11 =	vmul.f32 v20, v53;
	v6 =	vmul.f32 v15, v13;
	v2 =	vadd.f32 v2, v3  }
0x167: {  	v10 =	vld [tilespmem:s21+$0xFFFFFF70];
	v3 =	vmul.f32 v52, v13;
	v13 =	vadd.f32 v4, v5;
	v4 =	vmul.f32 v21, v54  }
0x168: {  	v12 =	vld [tilespmem:s5+$0xFFFFFFB0];
	v5 =	vmul.f32 v22, v53;
	v55 =	vadd.f32 v1, v2;
	v1 =	vmul.f32 v23, v54  }
0x169: {  	v15 =	vld [tilespmem:s1+$0xFFFFFFB0];
	v2 =	vmul.f32 v26, v24;
	v11 =	vadd.f32 v4, v11;
	v4 =	vmul.f32 v14, v30  }
0x16a: {  	v14 =	vld [tilespmem:s5+$0xFFFFFF40];
	v58 =	vadd.f32 v1, v5;
	v1 =	vmul.f32 v27, v25;
	v5 =	vmul.f32 v16, v30  }
0x16b: {  	v62 =	vld [tilespmem:s21+$0xFFFFFF40];
	v60 =	vmul.f32 v29, v25;
	v61 =	vmul.f32 v32, v31;
	v6 =	vadd.f32 v6, v4  }
0x16c: {  	v2 =	vadd.f32 v1, v2;
	v1 =	vadd.f32 v3, v5;
	v3 =	vmul.f32 v7, v31;
	v4 =	vld [tilespmem:s5+$0xFFFFFF80]  }
0x16d: {  	v19 =	vadd.f32 v60, v57;
	v5 =	vmul.f32 v8, v9;
	v8 =	vld [tilespmem:s1+$0xFFFFFF80];
	v63 =	vadd.f32 v61, v6  }
0x16e: {  	v1 =	vadd.f32 v3, v1;
	v3 =	vmul.f32 v10, v9;
	v10 =	vmul.f32 v15, v12;
	v9 =	vld [tilespmem:s21+$0xFFFFFF80]  }
0x16f: {  	s17 =	simm.s32 $0x18E30;
	v6 =	vadd.f32 v5, v11;
	v11 =	vmul.f32 v56, v12;
	v5 =	vld [tilespmem:s5+$0xFFFFFFC0];
	v12 =	vmul.f32 v59, v14  }
0x170: {  	s18 =	simm.s32 $0x1AE30;
	s6 =	simm.s32 $0x80;
	s7 =	simm.s32 $0x27F0;
	[tilespmem:s17+$0x0] =	vst v13;
	v13 =	vmul.f32 v62, v14;
	v7 =	vadd.f32 v3, v58;
	v2 =	vadd.f32 v10, v2;
	v10 =	vld [tilespmem:s1+$0xFFFFFFC0]  }
0x171: {  	s28 =	simm.s32 $0x1C890;
	s26 =	simm.s32 $0x1C690;
	[tilespmem:s18+$0x0] =	vst v55;
	s5 =	simm.s32 $0x90;
	v3 =	vadd.f32 v11, v19;
	v11 =	vld [tilespmem:s21+$0xFFFFFFC0];
	v12 =	vadd.f32 v12, v63  }
.LBB2_6:
0x172: {  	v14 =	vld [tilespmem:s7+$0x0];
	v1 =	vadd.f32 v13, v1;
	v8 =	vmul.f32 v8, v4  }
0x173: {  	v13 =	vld [tilespmem:s7+$0xFFFFFFF0];
	[tilespmem:s17+$0xFFFFFFD0] =	vst v12;
	v4 =	vmul.f32 v9, v4  }
0x174: {  	v9 =	vld [tilespmem:s7+$0xFFFFFFD0];
	[tilespmem:s18+$0xFFFFFFD0] =	vst v1;
	v1 =	vadd.f32 v8, v6  }
0x175: {  	s1 =	sadd.s32 $0x100, s1;
	v6 =	vld [tilespmem:s7+$0xFFFFFFE0];
	v4 =	vadd.f32 v4, v7;
	v7 =	vmul.f32 v10, v5  }
0x176: {  	v8 =	vld [tilespmem:s1+$0xFFFFFFD0];
	[tilespmem:s17+$0xFFFFFFE0] =	vst v1;
	v1 =	vmul.f32 v11, v5  }
0x177: {  	s21 =	sadd.s32 $0x100, s21;
	v5 =	vld [tilespmem:s1+$0xFFFFFFE0];
	[tilespmem:s18+$0xFFFFFFE0] =	vst v4;
	v2 =	vadd.f32 v7, v2  }
0x178: {  	v4 =	vld [tilespmem:s21+$0xFFFFFFD0];
	v1 =	vadd.f32 v1, v3  }
0x179: {  	s6 =	sadd.s32 $0x4, s6;
	v3 =	vld [tilespmem:s21+$0xFFFFFFE0];
	[tilespmem:s17+$0xFFFFFFF0] =	vst v2  }
0x17a: {  	p0 =	slt.u32 s6, $0xFC;
	v2 =	vld [tilespmem:s1+$0xFFFFFFF0];
	[tilespmem:s18+$0xFFFFFFF0] =	vst v1  }
0x17b: {  	v1 =	vld [tilespmem:s21+$0xFFFFFFF0]  }
0x17c: {  	v7 =	vld [tilespmem:s1+$0x0]  }
0x17d: {  	v8 =	vmul.f32 v8, v9;
	v5 =	vmul.f32 v5, v6;
	v10 =	vld [tilespmem:s21+$0x0]  }
0x17e: {  	v4 =	vmul.f32 v4, v9;
	v11 =	vld [tilespmem:s7+$0xFFFFFF20];
	v3 =	vmul.f32 v3, v6  }
0x17f: {  	v5 =	vadd.f32 v5, v8;
	v6 =	vld [tilespmem:s1+$0xFFFFFF10];
	v2 =	vmul.f32 v2, v13  }
0x180: {  	v8 =	vld [tilespmem:s1+$0xFFFFFF20];
	v3 =	vadd.f32 v3, v4;
	v1 =	vmul.f32 v1, v13  }
0x181: {  	v4 =	vld [tilespmem:s21+$0xFFFFFF10];
	v2 =	vadd.f32 v2, v5;
	v5 =	vmul.f32 v7, v14  }
0x182: {  	v7 =	vld [tilespmem:s21+$0xFFFFFF20];
	v1 =	vadd.f32 v1, v3;
	v3 =	vmul.f32 v10, v14  }
0x183: {  	v9 =	vld [tilespmem:s7+$0xFFFFFF50];
	v2 =	vadd.f32 v5, v2  }
0x184: {  	s17 =	sadd.s32 $0x40, s17;
	v5 =	vld [tilespmem:s7+$0xFFFFFF60];
	v1 =	vadd.f32 v3, v1  }
0x185: {  	s18 =	sadd.s32 $0x40, s18;
	v3 =	vmul.f32 v8, v11;
	v8 =	vld [tilespmem:s1+$0xFFFFFF50];
	[tilespmem:s17+$0x0] =	vst v2  }
0x186: {  	v2 =	vld [tilespmem:s1+$0xFFFFFF60];
	[tilespmem:s18+$0x0] =	vst v1  }
0x187: {  	v1 =	vmul.f32 v7, v11;
	v7 =	vld [tilespmem:s21+$0xFFFFFF50]  }
0x188: {  	v10 =	vld [tilespmem:s21+$0xFFFFFF60]  }
0x189: {  	v11 =	vld [tilespmem:s7+$0xFFFFFF90]  }
0x18a: {  	v8 =	vmul.f32 v8, v9;
	v12 =	vld [tilespmem:s7+$0xFFFFFFA0]  }
0x18b: {  	v2 =	vmul.f32 v2, v5;
	v13 =	vld [tilespmem:s1+$0xFFFFFF90]  }
0x18c: {  	v7 =	vmul.f32 v7, v9;
	v9 =	vld [tilespmem:s1+$0xFFFFFFA0]  }
0x18d: {  	v2 =	vadd.f32 v2, v8;
	v5 =	vmul.f32 v10, v5;
	v8 =	vld [tilespmem:s21+$0xFFFFFF90]  }
0x18e: {  	v10 =	vld [tilespmem:s21+$0xFFFFFFA0]  }
0x18f: {  	v14 =	vld [tilespmem:s7+$0xFFFFFF10];
	v5 =	vadd.f32 v5, v7  }
0x190: {  	v7 =	vld [tilespmem:s7+$0xFFFFFF30];
	v13 =	vmul.f32 v13, v11  }
0x191: {  	v15 =	vld [tilespmem:s1+$0xFFFFFF30];
	v9 =	vmul.f32 v9, v12  }
0x192: {  	v16 =	vld [tilespmem:s21+$0xFFFFFF30];
	v8 =	vmul.f32 v8, v11  }
0x193: {  	v11 =	vld [tilespmem:s7+$0xFFFFFF70];
	v13 =	vadd.f32 v9, v13;
	v9 =	vmul.f32 v10, v12  }
0x194: {  	v6 =	vmul.f32 v6, v14;
	v4 =	vmul.f32 v4, v14;
	v10 =	vld [tilespmem:s1+$0xFFFFFF70]  }
0x195: {  	v12 =	vld [tilespmem:s21+$0xFFFFFF70];
	v14 =	vadd.f32 v9, v8  }
0x196: {  	v3 =	vadd.f32 v3, v6;
	v1 =	vadd.f32 v1, v4;
	v4 =	vmul.f32 v15, v7;
	v9 =	vld [tilespmem:s7+$0xFFFFFFB0]  }
0x197: {  	v6 =	vmul.f32 v16, v7;
	v8 =	vld [tilespmem:s1+$0xFFFFFFB0]  }
0x198: {  	v15 =	vadd.f32 v4, v3;
	v3 =	vld [tilespmem:s21+$0xFFFFFFB0]  }
0x199: {  	v16 =	vld [tilespmem:s7+$0xFFFFFF40];
	v1 =	vadd.f32 v6, v1;
	v4 =	vmul.f32 v10, v11  }
0x19a: {  	v10 =	vld [tilespmem:s1+$0xFFFFFF40];
	v7 =	vmul.f32 v12, v11  }
0x19b: {  	v11 =	vld [tilespmem:s21+$0xFFFFFF40];
	v6 =	vadd.f32 v4, v2  }
0x19c: {  	v4 =	vld [tilespmem:s7+$0xFFFFFF80];
	v7 =	vadd.f32 v7, v5;
	v2 =	vmul.f32 v8, v9  }
.Ltmp2:
0x19d: {  	v8 =	vld [tilespmem:s1+$0xFFFFFF80];
	v3 =	vmul.f32 v3, v9;
	(pc) =	sbr.rel @p0 .LBB2_6-.Ltmp2, $4  }
0x19e: {  	v9 =	vld [tilespmem:s21+$0xFFFFFF80];
	v2 =	vadd.f32 v2, v13  }
0x19f: {  	v12 =	vmul.f32 v10, v16;
	v5 =	vld [tilespmem:s7+$0xFFFFFFC0];
	v3 =	vadd.f32 v3, v14  }
0x1a0: {  	v13 =	vmul.f32 v11, v16;
	v10 =	vld [tilespmem:s1+$0xFFFFFFC0]  }
0x1a1: {  	s7 =	sadd.s32 $0x100, s7;
	v12 =	vadd.f32 v12, v15;
	v11 =	vld [tilespmem:s21+$0xFFFFFFC0]  }
0x1a2: {  	v8 =	vmul.f32 v8, v4  }
0x1a3: {  	s1 =	simm.s32 $0x80;
	v4 =	vmul.f32 v9, v4  }
0x1a4: {  	v1 =	vadd.f32 v13, v1;
	v9 =	vmov s1;
	v6 =	vadd.f32 v8, v6  }
0x1a5: {  	[tilespmem:s17+$0xFFFFFFD0] =	vst v12;
	v9 =	vshll.u32 v9, $0x4;
	v4 =	vadd.f32 v4, v7;
	v8 =	vmul.f32 v10, v5  }
0x1a6: {  	v7 =	vmov s5;
	v5 =	vmul.f32 v11, v5;
	[tilespmem:s17+$0xFFFFFFE0] =	vst v6;
	v6 =	vor.u32 v0, v9  }
0x1a7: {  	[tilespmem:s18+$0xFFFFFFD0] =	vst v1;
	v7 =	vshll.u32 v7, $0x4;
	v2 =	vadd.f32 v8, v2  }
0x1a8: {  	v1 =	vor.u32 v0, v7;
	[tilespmem:s18+$0xFFFFFFE0] =	vst v4;
	v3 =	vadd.f32 v5, v3  }
0x1a9: {  	v8 =	vor.u32 $0x3, v6;
	[tilespmem:s17+$0xFFFFFFF0] =	vst v2  }
0x1aa: {  	[tilespmem:s18+$0xFFFFFFF0] =	vst v3  }
0x1ab: {  	v10 =	vor.u32 $0x4, v6;
	v5 =	vld.idx.msk [tilespmem:v6+s31+$0x0], $0xffff  }
0x1ac: {  	v7 =	vld.idx.msk [tilespmem:v6+s0+$0x0], $0xffff  }
0x1ad: {  	v48 =	vor.u32 $0x5, v6;
	v4 =	vld.idx.msk [tilespmem:v1+s31+$0x0], $0xffff  }
0x1ae: {  	v49 =	vld.idx.msk [tilespmem:v8+s31+$0x0], $0xffff  }
0x1af: {  	v14 =	vor.u32 $0x6, v6;
	v8 =	vld.idx.msk [tilespmem:v8+s0+$0x0], $0xffff  }
0x1b0: {  	v15 =	vld.idx.msk [tilespmem:v10+s31+$0x0], $0xffff  }
0x1b1: {  	v16 =	vor.u32 $0x7, v6;
	v10 =	vld.idx.msk [tilespmem:v10+s0+$0x0], $0xffff  }
0x1b2: {  	v17 =	vld.idx.msk [tilespmem:v48+s31+$0x0], $0xffff  }
0x1b3: {  	v18 =	vor.u32 $0x8, v6;
	v12 =	vld.idx.msk [tilespmem:v48+s0+$0x0], $0xffff  }
0x1b4: {  	v19 =	vld.idx.msk [tilespmem:v14+s31+$0x0], $0xffff  }
0x1b5: {  	v20 =	vor.u32 $0x9, v6;
	v14 =	vld.idx.msk [tilespmem:v14+s0+$0x0], $0xffff  }
0x1b6: {  	v21 =	vld.idx.msk [tilespmem:v16+s31+$0x0], $0xffff  }
0x1b7: {  	v22 =	vor.u32 $0xA, v6;
	v16 =	vld.idx.msk [tilespmem:v16+s0+$0x0], $0xffff  }
0x1b8: {  	v23 =	vld.idx.msk [tilespmem:v18+s31+$0x0], $0xffff  }
0x1b9: {  	v2 =	vor.u32 $0x1, v6;
	v18 =	vld.idx.msk [tilespmem:v18+s0+$0x0], $0xffff  }
0x1ba: {  	v25 =	vld.idx.msk [tilespmem:v20+s31+$0x0], $0xffff  }
0x1bb: {  	v3 =	vor.u32 $0x2, v6;
	v20 =	vld.idx.msk [tilespmem:v20+s0+$0x0], $0xffff  }
0x1bc: {  	v24 =	vor.u32 $0xB, v6;
	v27 =	vld.idx.msk [tilespmem:v22+s31+$0x0], $0xffff  }
0x1bd: {  	v22 =	vld.idx.msk [tilespmem:v22+s0+$0x0], $0xffff  }
0x1be: {  	v9 =	vld.idx.msk [tilespmem:v2+s31+$0x0], $0xffff  }
0x1bf: {  	v30 =	vor.u32 $0xE, v6;
	v2 =	vld.idx.msk [tilespmem:v2+s0+$0x0], $0xffff  }
0x1c0: {  	v11 =	vld.idx.msk [tilespmem:v3+s31+$0x0], $0xffff  }
0x1c1: {  	v50 =	vor.u32 $0x1, v1;
	v29 =	vld.idx.msk [tilespmem:v24+s31+$0x0], $0xffff;
	v5 =	vadd.f32 $0.0e+00, v5  }
0x1c2: {  	v52 =	vor.u32 $0x2, v1;
	v3 =	vld.idx.msk [tilespmem:v3+s0+$0x0], $0xffff  }
0x1c3: {  	v56 =	vor.u32 $0x5, v1;
	v24 =	vld.idx.msk [tilespmem:v24+s0+$0x0], $0xffff;
	v7 =	vadd.f32 $0.0e+00, v7;
	v5 =	vadd.f32 v9, v5  }
0x1c4: {  	v26 =	vor.u32 $0xC, v6;
	v51 =	vld.idx.msk [tilespmem:v30+s0+$0x0], $0xffff  }
0x1c5: {  	v53 =	vld.idx.msk [tilespmem:v1+s0+$0x0], $0xffff;
	v2 =	vadd.f32 v2, v7;
	v5 =	vadd.f32 v11, v5  }
0x1c6: {  	v28 =	vor.u32 $0xD, v6;
	v54 =	vld.idx.msk [tilespmem:v50+s0+$0x0], $0xffff  }
0x1c7: {  	v55 =	vld.idx.msk [tilespmem:v52+s31+$0x0], $0xffff;
	v2 =	vadd.f32 v3, v2;
	v5 =	vadd.f32 v49, v5  }
0x1c8: {  	v59 =	vld.idx.msk [tilespmem:v56+s31+$0x0], $0xffff  }
0x1c9: {  	v7 =	vld.idx.msk [tilespmem:v26+s31+$0x0], $0xffff;
	v2 =	vadd.f32 v8, v2;
	v5 =	vadd.f32 v15, v5  }
0x1ca: {  	v6 =	vor.u32 $0xF, v6;
	v9 =	vld.idx.msk [tilespmem:v26+s0+$0x0], $0xffff  }
0x1cb: {  	v3 =	vld.idx.msk [tilespmem:v28+s31+$0x0], $0xffff;
	v2 =	vadd.f32 v10, v2;
	v15 =	vor.u32 $0x3, v1;
	v5 =	vadd.f32 v17, v5  }
0x1cc: {  	v11 =	vld.idx.msk [tilespmem:v28+s0+$0x0], $0xffff  }
0x1cd: {  	v2 =	vadd.f32 v12, v2;
	v17 =	vld.idx.msk [tilespmem:v50+s31+$0x0], $0xffff;
	v5 =	vadd.f32 v19, v5  }
0x1ce: {  	v8 =	vld.idx.msk [tilespmem:v30+s31+$0x0], $0xffff;
	v19 =	vor.u32 $0x4, v1  }
0x1cf: {  	v10 =	vld.idx.msk [tilespmem:v6+s31+$0x0], $0xffff;
	v2 =	vadd.f32 v14, v2;
	v5 =	vadd.f32 v21, v5  }
0x1d0: {  	v4 =	vadd.f32 $0.0e+00, v4;
	v57 =	vld.idx.msk [tilespmem:v15+s31+$0x0], $0xffff  }
0x1d1: {  	v2 =	vadd.f32 v16, v2;
	v16 =	vld.idx.msk [tilespmem:v52+s0+$0x0], $0xffff;
	v5 =	vadd.f32 v23, v5  }
0x1d2: {  	v58 =	vor.u32 $0x6, v1;
	v12 =	vadd.f32 $0.0e+00, v53;
	v15 =	vld.idx.msk [tilespmem:v15+s0+$0x0], $0xffff;
	v4 =	vadd.f32 v17, v4  }
0x1d3: {  	v2 =	vadd.f32 v18, v2;
	v17 =	vld.idx.msk [tilespmem:v19+s31+$0x0], $0xffff;
	v5 =	vadd.f32 v25, v5  }
0x1d4: {  	v6 =	vld.idx.msk [tilespmem:v6+s0+$0x0], $0xffff;
	v12 =	vadd.f32 v54, v12;
	v18 =	vor.u32 $0x7, v1;
	v4 =	vadd.f32 v55, v4  }
0x1d5: {  	v19 =	vld.idx.msk [tilespmem:v19+s0+$0x0], $0xffff;
	v2 =	vadd.f32 v20, v2;
	v20 =	vor.u32 $0x8, v1;
	v5 =	vadd.f32 v27, v5  }
0x1d6: {  	v21 =	vld.idx.msk [tilespmem:v56+s0+$0x0], $0xffff;
	v12 =	vadd.f32 v16, v12;
	v4 =	vadd.f32 v57, v4  }
0x1d7: {  	v62 =	vor.u32 $0xB, v1;
	v16 =	vld.idx.msk [tilespmem:v58+s31+$0x0], $0xffff;
	v2 =	vadd.f32 v22, v2;
	v5 =	vadd.f32 v29, v5  }
0x1d8: {  	v23 =	vld.idx.msk [tilespmem:v58+s0+$0x0], $0xffff;
	v12 =	vadd.f32 v15, v12;
	v4 =	vadd.f32 v17, v4  }
0x1d9: {  	v60 =	vor.u32 $0x9, v1;
	v15 =	vld.idx.msk [tilespmem:v18+s31+$0x0], $0xffff;
	v2 =	vadd.f32 v24, v2;
	v5 =	vadd.f32 v7, v5  }
0x1da: {  	v61 =	vld.idx.msk [tilespmem:v20+s31+$0x0], $0xffff;
	v7 =	vadd.f32 v19, v12;
	v4 =	vadd.f32 v59, v4  }
0x1db: {  	v17 =	vor.u32 $0xA, v1;
	v2 =	vadd.f32 v9, v2;
	v9 =	vld.idx.msk [tilespmem:v18+s0+$0x0], $0xffff;
	v5 =	vadd.f32 v3, v5  }
0x1dc: {  	v19 =	vld.idx.msk [tilespmem:v62+s0+$0x0], $0xffff;
	v7 =	vadd.f32 v21, v7;
	v4 =	vadd.f32 v16, v4  }
0x1dd: {  	v2 =	vadd.f32 v11, v2;
	v11 =	vld.idx.msk [tilespmem:v20+s0+$0x0], $0xffff;
	v5 =	vadd.f32 v8, v5  }
0x1de: {  	v16 =	vld.idx.msk [tilespmem:v60+s31+$0x0], $0xffff;
	v3 =	vor.u32 $0xC, v1;
	v63 =	vadd.f32 v23, v7;
	v4 =	vadd.f32 v15, v4  }
0x1df: {  	v2 =	vadd.f32 v51, v2;
	v8 =	vld.idx.msk [tilespmem:v60+s0+$0x0], $0xffff;
	v5 =	vadd.f32 v10, v5  }
0x1e0: {  	v7 =	vld.idx.msk [tilespmem:v17+s31+$0x0], $0xffff;
	v9 =	vadd.f32 v9, v63;
	v12 =	vadd.f32 v61, v4;
	v4 =	vor.u32 $0xD, v1  }
0x1e1: {  	v10 =	vadd.f32 v6, v2;
	v6 =	vld.idx.msk [tilespmem:v17+s0+$0x0], $0xffff  }
0x1e2: {  	v17 =	vld.idx.msk [tilespmem:v62+s31+$0x0], $0xffff;
	v2 =	vor.u32 $0xE, v1;
	[tilespmem:s26+$0xFFFFFFF0] =	vst v5;
	v9 =	vadd.f32 v11, v9  }
0x1e3: {  	s21 =	simm.s32 $0xB0;
	s1 =	simm.s32 $0x8;
	v1 =	vor.u32 $0xF, v1;
	v18 =	vld.idx.msk [tilespmem:v3+s31+$0x0], $0xffff;
	v5 =	vadd.f32 v16, v12;
	[tilespmem:s28+$0xFFFFFFF0] =	vst v10  }
.LBB2_8:
0x1e4: {  	s5 =	sadd.s32 $0xFFFFFFF0, s21;
	v10 =	vmov s21;
	v8 =	vadd.f32 v8, v9;
	v20 =	vld.idx.msk [tilespmem:v3+s0+$0x0], $0xffff  }
0x1e5: {  	s1 =	sadd.s32 $0x2, s1;
	v3 =	vmov s5;
	v9 =	vshll.u32 v10, $0x4;
	v21 =	vadd.f32 v7, v5;
	v22 =	vld.idx.msk [tilespmem:v4+s31+$0x0], $0xffff  }
0x1e6: {  	p0 =	slt.u32 s1, $0xE;
	v3 =	vshll.u32 v3, $0x4;
	v15 =	vor.u32 v0, v9;
	v23 =	vadd.f32 v6, v8;
	v24 =	vld.idx.msk [tilespmem:v4+s0+$0x0], $0xffff  }
0x1e7: {  	v25 =	vor.u32 v0, v3;
	v16 =	vor.u32 $0x1, v15;
	v14 =	vor.u32 $0x2, v15;
	v26 =	vld.idx.msk [tilespmem:v2+s31+$0x0], $0xffff  }
0x1e8: {  	v13 =	vor.u32 $0x3, v15;
	v12 =	vor.u32 $0x4, v15;
	v11 =	vor.u32 $0x5, v15;
	v27 =	vld.idx.msk [tilespmem:v2+s0+$0x0], $0xffff  }
0x1e9: {  	v10 =	vor.u32 $0x6, v15;
	v9 =	vor.u32 $0x7, v15;
	v28 =	vor.u32 $0x1, v25;
	v29 =	vld.idx.msk [tilespmem:v1+s31+$0x0], $0xffff  }
0x1ea: {  	v8 =	vor.u32 $0x8, v15;
	v7 =	vor.u32 $0x9, v15;
	v6 =	vor.u32 $0xA, v15;
	v30 =	vld.idx.msk [tilespmem:v1+s0+$0x0], $0xffff  }
0x1eb: {  	v5 =	vor.u32 $0xB, v15;
	v3 =	vor.u32 $0xC, v15;
	v31 =	vor.u32 $0x2, v25;
	v32 =	vld.idx.msk [tilespmem:v15+s31+$0x0], $0xffff  }
0x1ec: {  	v4 =	vor.u32 $0xD, v15;
	v17 =	vadd.f32 v17, v21;
	v19 =	vadd.f32 v19, v23;
	v33 =	vld.idx.msk [tilespmem:v25+s31+$0x0], $0xffff  }
0x1ed: {  	v23 =	vor.u32 $0x3, v25;
	v2 =	vor.u32 $0xE, v15;
	v1 =	vor.u32 $0xF, v15;
	v21 =	vld.idx.msk [tilespmem:v25+s0+$0x0], $0xffff  }
0x1ee: {  	v17 =	vadd.f32 v18, v17;
	v18 =	vadd.f32 v20, v19;
	v34 =	vld.idx.msk [tilespmem:v28+s31+$0x0], $0xffff  }
0x1ef: {  	v20 =	vor.u32 $0x4, v25;
	v19 =	vld.idx.msk [tilespmem:v28+s0+$0x0], $0xffff  }
0x1f0: {  	v17 =	vadd.f32 v22, v17;
	v18 =	vadd.f32 v24, v18;
	v28 =	vld.idx.msk [tilespmem:v31+s31+$0x0], $0xffff  }
0x1f1: {  	v24 =	vor.u32 $0x5, v25;
	v22 =	vld.idx.msk [tilespmem:v31+s0+$0x0], $0xffff;
	v31 =	vadd.f32 $0.0e+00, v32  }
0x1f2: {  	v17 =	vadd.f32 v26, v17;
	v32 =	vadd.f32 $0.0e+00, v33;
	v33 =	vld.idx.msk [tilespmem:v23+s31+$0x0], $0xffff  }
0x1f3: {  	v26 =	vor.u32 $0x6, v25;
	v18 =	vadd.f32 v27, v18;
	v21 =	vadd.f32 $0.0e+00, v21;
	v23 =	vld.idx.msk [tilespmem:v23+s0+$0x0], $0xffff  }
0x1f4: {  	v17 =	vadd.f32 v29, v17;
	v27 =	vadd.f32 v34, v32;
	v32 =	vld.idx.msk [tilespmem:v20+s31+$0x0], $0xffff  }
0x1f5: {  	v18 =	vadd.f32 v30, v18;
	v19 =	vadd.f32 v19, v21;
	v21 =	vor.u32 $0x7, v25;
	v20 =	vld.idx.msk [tilespmem:v20+s0+$0x0], $0xffff  }
0x1f6: {  	v27 =	vadd.f32 v28, v27;
	v28 =	vld.idx.msk [tilespmem:v24+s31+$0x0], $0xffff;
	[tilespmem:s26+$0x0] =	vst v17  }
0x1f7: {  	v17 =	vadd.f32 v22, v19;
	v22 =	vor.u32 $0x8, v25;
	v19 =	vld.idx.msk [tilespmem:v24+s0+$0x0], $0xffff;
	[tilespmem:s28+$0x0] =	vst v18  }
0x1f8: {  	v18 =	vadd.f32 v33, v27;
	v24 =	vld.idx.msk [tilespmem:v26+s31+$0x0], $0xffff  }
0x1f9: {  	v17 =	vadd.f32 v23, v17;
	v23 =	vld.idx.msk [tilespmem:v26+s0+$0x0], $0xffff;
	v26 =	vor.u32 $0x9, v25  }
0x1fa: {  	v18 =	vadd.f32 v32, v18;
	v27 =	vld.idx.msk [tilespmem:v21+s31+$0x0], $0xffff  }
0x1fb: {  	v17 =	vadd.f32 v20, v17;
	v20 =	vld.idx.msk [tilespmem:v21+s0+$0x0], $0xffff;
	v21 =	vor.u32 $0xA, v25  }
0x1fc: {  	v18 =	vadd.f32 v28, v18;
	v28 =	vld.idx.msk [tilespmem:v22+s31+$0x0], $0xffff  }
0x1fd: {  	v17 =	vadd.f32 v19, v17;
	v19 =	vld.idx.msk [tilespmem:v22+s0+$0x0], $0xffff;
	v22 =	vor.u32 $0xB, v25  }
0x1fe: {  	v18 =	vadd.f32 v24, v18;
	v24 =	vld.idx.msk [tilespmem:v26+s31+$0x0], $0xffff  }
0x1ff: {  	v17 =	vadd.f32 v23, v17;
	v23 =	vld.idx.msk [tilespmem:v26+s0+$0x0], $0xffff;
	v26 =	vor.u32 $0xC, v25  }
0x200: {  	v18 =	vadd.f32 v27, v18;
	v27 =	vld.idx.msk [tilespmem:v21+s31+$0x0], $0xffff  }
0x201: {  	v17 =	vadd.f32 v20, v17;
	v20 =	vld.idx.msk [tilespmem:v21+s0+$0x0], $0xffff;
	v21 =	vor.u32 $0xD, v25  }
0x202: {  	v18 =	vadd.f32 v28, v18;
	v28 =	vld.idx.msk [tilespmem:v22+s31+$0x0], $0xffff  }
0x203: {  	v17 =	vadd.f32 v19, v17;
	v19 =	vld.idx.msk [tilespmem:v22+s0+$0x0], $0xffff;
	v22 =	vor.u32 $0xE, v25  }
0x204: {  	v18 =	vadd.f32 v24, v18;
	v24 =	vld.idx.msk [tilespmem:v26+s31+$0x0], $0xffff  }
0x205: {  	v25 =	vor.u32 $0xF, v25;
	v17 =	vadd.f32 v23, v17;
	v23 =	vld.idx.msk [tilespmem:v26+s0+$0x0], $0xffff  }
0x206: {  	v18 =	vadd.f32 v27, v18;
	v26 =	vld.idx.msk [tilespmem:v21+s31+$0x0], $0xffff  }
0x207: {  	v17 =	vadd.f32 v20, v17;
	v20 =	vld.idx.msk [tilespmem:v21+s0+$0x0], $0xffff  }
0x208: {  	v18 =	vadd.f32 v28, v18;
	v21 =	vld.idx.msk [tilespmem:v22+s31+$0x0], $0xffff  }
0x209: {  	v17 =	vadd.f32 v19, v17;
	v19 =	vld.idx.msk [tilespmem:v22+s0+$0x0], $0xffff  }
0x20a: {  	v18 =	vadd.f32 v24, v18;
	v22 =	vld.idx.msk [tilespmem:v25+s31+$0x0], $0xffff  }
0x20b: {  	v17 =	vadd.f32 v23, v17;
	v23 =	vld.idx.msk [tilespmem:v25+s0+$0x0], $0xffff  }
0x20c: {  	v18 =	vadd.f32 v26, v18;
	v15 =	vld.idx.msk [tilespmem:v15+s0+$0x0], $0xffff  }
0x20d: {  	v17 =	vadd.f32 v20, v17;
	v20 =	vld.idx.msk [tilespmem:v16+s31+$0x0], $0xffff  }
0x20e: {  	v18 =	vadd.f32 v21, v18;
	v16 =	vld.idx.msk [tilespmem:v16+s0+$0x0], $0xffff  }
0x20f: {  	v17 =	vadd.f32 v19, v17;
	v19 =	vld.idx.msk [tilespmem:v14+s31+$0x0], $0xffff  }
0x210: {  	v18 =	vadd.f32 v22, v18;
	v14 =	vld.idx.msk [tilespmem:v14+s0+$0x0], $0xffff  }
0x211: {  	s26 =	sadd.s32 $0x20, s26;
	v17 =	vadd.f32 v23, v17;
	v21 =	vld.idx.msk [tilespmem:v13+s31+$0x0], $0xffff  }
0x212: {  	s28 =	sadd.s32 $0x20, s28;
	v15 =	vadd.f32 $0.0e+00, v15;
	[tilespmem:s26+$0xFFFFFFF0] =	vst v18;
	v13 =	vld.idx.msk [tilespmem:v13+s0+$0x0], $0xffff  }
0x213: {  	[tilespmem:s28+$0xFFFFFFF0] =	vst v17;
	v17 =	vadd.f32 v20, v31;
	v18 =	vld.idx.msk [tilespmem:v12+s31+$0x0], $0xffff  }
0x214: {  	v15 =	vadd.f32 v16, v15;
	v12 =	vld.idx.msk [tilespmem:v12+s0+$0x0], $0xffff  }
0x215: {  	v16 =	vadd.f32 v19, v17;
	v17 =	vld.idx.msk [tilespmem:v11+s31+$0x0], $0xffff  }
0x216: {  	v14 =	vadd.f32 v14, v15;
	v11 =	vld.idx.msk [tilespmem:v11+s0+$0x0], $0xffff  }
0x217: {  	v15 =	vadd.f32 v21, v16;
	v16 =	vld.idx.msk [tilespmem:v10+s31+$0x0], $0xffff  }
0x218: {  	v13 =	vadd.f32 v13, v14;
	v10 =	vld.idx.msk [tilespmem:v10+s0+$0x0], $0xffff  }
0x219: {  	v14 =	vadd.f32 v18, v15;
	v15 =	vld.idx.msk [tilespmem:v9+s31+$0x0], $0xffff  }
0x21a: {  	v12 =	vadd.f32 v12, v13;
	v9 =	vld.idx.msk [tilespmem:v9+s0+$0x0], $0xffff  }
0x21b: {  	v13 =	vadd.f32 v17, v14;
	v14 =	vld.idx.msk [tilespmem:v8+s31+$0x0], $0xffff  }
0x21c: {  	v11 =	vadd.f32 v11, v12;
	v12 =	vld.idx.msk [tilespmem:v8+s0+$0x0], $0xffff  }
0x21d: {  	v13 =	vadd.f32 v16, v13;
	v16 =	vld.idx.msk [tilespmem:v7+s31+$0x0], $0xffff  }
0x21e: {  	v10 =	vadd.f32 v10, v11;
	v8 =	vld.idx.msk [tilespmem:v7+s0+$0x0], $0xffff  }
.Ltmp3:
0x21f: {  	v11 =	vadd.f32 v15, v13;
	v7 =	vld.idx.msk [tilespmem:v6+s31+$0x0], $0xffff;
	(pc) =	sbr.rel @p0 .LBB2_8-.Ltmp3, $4  }
0x220: {  	v9 =	vadd.f32 v9, v10;
	v6 =	vld.idx.msk [tilespmem:v6+s0+$0x0], $0xffff  }
0x221: {  	v10 =	vadd.f32 v14, v11;
	v17 =	vld.idx.msk [tilespmem:v5+s31+$0x0], $0xffff  }
0x222: {  	v9 =	vadd.f32 v12, v9;
	v19 =	vld.idx.msk [tilespmem:v5+s0+$0x0], $0xffff  }
0x223: {  	s21 =	sadd.s32 $0x20, s21;
	v5 =	vadd.f32 v16, v10;
	v18 =	vld.idx.msk [tilespmem:v3+s31+$0x0], $0xffff  }
0x224: {  	_ =	sdelay $0x2  }
0x225: {  	v8 =	vadd.f32 v8, v9  }
0x226: {  	v3 =	vld.idx.msk [tilespmem:v3+s0+$0x0], $0xffff;
	v5 =	vadd.f32 v7, v5  }
0x227: {  	v7 =	vld.idx.msk [tilespmem:v4+s31+$0x0], $0xffff;
	v6 =	vadd.f32 v6, v8  }
0x228: {  	v4 =	vld.idx.msk [tilespmem:v4+s0+$0x0], $0xffff;
	v5 =	vadd.f32 v17, v5  }
0x229: {  	v8 =	vld.idx.msk [tilespmem:v2+s31+$0x0], $0xffff;
	v6 =	vadd.f32 v19, v6  }
0x22a: {  	v2 =	vld.idx.msk [tilespmem:v2+s0+$0x0], $0xffff;
	v5 =	vadd.f32 v18, v5  }
0x22b: {  	v9 =	vld.idx.msk [tilespmem:v1+s31+$0x0], $0xffff;
	v3 =	vadd.f32 v3, v6  }
0x22c: {  	v1 =	vld.idx.msk [tilespmem:v1+s0+$0x0], $0xffff;
	v5 =	vadd.f32 v7, v5  }
0x22d: {  	v3 =	vadd.f32 v4, v3  }
0x22e: {  	v4 =	vadd.f32 v8, v5  }
0x22f: {  	v2 =	vadd.f32 v2, v3  }
0x230: {  	v3 =	vadd.f32 v9, v4  }
0x231: {  	v1 =	vadd.f32 v1, v2  }
0x232: {  	[tilespmem:s26+$0x0] =	vst v3  }
0x233: {  	s1 =	simm.s32 $0x0;
	s5 =	simm.s32 $0x1C680;
	[tilespmem:s28+$0x0] =	vst v1  }
0x234: {  	[hbm4b:s10+s1] =	stream.linear.scatter [tilespmem:s5], [sflag:$0x6], $0x80, $0x38;
	[tilespmem:$0x1CA00] =	vst v63  }
0x235: {  	s26 =	simm.s32 $0x1C880  }
0x236: {  	[hbm4b:s11+s1] =	stream.linear.scatter [tilespmem:s26], [sflag:$0x6], $0x80, $0x38;
	[tilespmem:$0x1CA00] =	vst v63  }
0x237: {  	_ =	swait.ge [sflag:s25], $0x2000  }
0x238: {  	[sflag:s25] =	ssyncset.done $0x0  }
0x239: {  	[sflag:s25] =	ssyncadd.s32 $0xFFFFE000  }
0x23a: {  	_ =	swait.ge [sflag:s25], $0x2000  }
0x23b: {  	[sflag:s25] =	ssyncset.done $0x0  }
0x23c: {  	[sflag:s25] =	ssyncadd.s32 $0xFFFFE000  }
0x23d: {  	_ =	swait.ge [sflag:s25], $0x2000  }
0x23e: {  	[sflag:s25] =	ssyncset.done $0x0  }
0x23f: {  	s1 =	simm.s32 $0x0;
	[sflag:s25] =	ssyncadd.s32 $0xFFFFE000  }
0x240: {  	v1 =	vld [tilespmem:s1+$0x46F0]  }
0x241: {  	v2 =	vld [tilespmem:s1+$0x46E0]  }
0x242: {  	v3 =	vld [tilespmem:s1+$0x46C0]  }
0x243: {  	v4 =	vld [tilespmem:s1+$0x46D0]  }
0x244: {  	v5 =	vld [tilespmem:s1+$0xC6C0]  }
0x245: {  	v6 =	vld [tilespmem:s1+$0xC6D0]  }
0x246: {  	v7 =	vld [tilespmem:s1+$0x146C0]  }
0x247: {  	v8 =	vld [tilespmem:s1+$0x146D0]  }
0x248: {  	v9 =	vld [tilespmem:s1+$0xC6E0]  }
0x249: {  	v10 =	vld [tilespmem:s1+$0x146E0]  }
0x24a: {  	v11 =	vld [tilespmem:s1+$0xC6F0]  }
0x24b: {  	v12 =	vld [tilespmem:s1+$0x146F0]  }
0x24c: {  	v13 =	vld [tilespmem:s1+$0x4600]  }
0x24d: {  	v14 =	vld [tilespmem:s1+$0x4610]  }
0x24e: {  	v15 =	vld [tilespmem:s1+$0xC600]  }
0x24f: {  	v16 =	vld [tilespmem:s1+$0xC610]  }
0x250: {  	v52 =	vld [tilespmem:s1+$0x14600]  }
0x251: {  	v53 =	vld [tilespmem:s1+$0x14610]  }
0x252: {  	v54 =	vld [tilespmem:s1+$0x4640]  }
0x253: {  	v20 =	vld [tilespmem:s1+$0x4650]  }
0x254: {  	v21 =	vld [tilespmem:s1+$0xC640]  }
0x255: {  	v22 =	vld [tilespmem:s1+$0xC650]  }
0x256: {  	v23 =	vld [tilespmem:s1+$0x14640]  }
0x257: {  	v24 =	vld [tilespmem:s1+$0x14650]  }
0x258: {  	v25 =	vld [tilespmem:s1+$0x4680]  }
0x259: {  	v26 =	vld [tilespmem:s1+$0x4690]  }
0x25a: {  	v27 =	vld [tilespmem:s1+$0xC680]  }
0x25b: {  	v28 =	vld [tilespmem:s1+$0xC690]  }
0x25c: {  	v29 =	vld [tilespmem:s1+$0x14680]  }
0x25d: {  	v30 =	vld [tilespmem:s1+$0x14690]  }
0x25e: {  	v31 =	vld [tilespmem:s1+$0x4620];
	v5 =	vmul.f32 v5, v3;
	v6 =	vmul.f32 v6, v4  }
0x25f: {  	v56 =	vld [tilespmem:s1+$0x146A0];
	v3 =	vmul.f32 v7, v3;
	v4 =	vmul.f32 v8, v4  }
0x260: {  	v58 =	vld [tilespmem:s1+$0x4630];
	v5 =	vadd.f32 v6, v5;
	v6 =	vmul.f32 v9, v2  }
0x261: {  	v7 =	vld [tilespmem:s1+$0xC620];
	v3 =	vadd.f32 v4, v3;
	v2 =	vmul.f32 v10, v2  }
0x262: {  	v8 =	vld [tilespmem:s1+$0x14620];
	v55 =	vmul.f32 v24, v20;
	v5 =	vadd.f32 v6, v5;
	v6 =	vmul.f32 v11, v1  }
0x263: {  	v57 =	vmul.f32 v28, v26;
	v4 =	vld [tilespmem:s1+$0x4660];
	v1 =	vmul.f32 v12, v1;
	v2 =	vadd.f32 v2, v3  }
0x264: {  	v9 =	vld [tilespmem:s1+$0xC660];
	v3 =	vmul.f32 v15, v13;
	v12 =	vadd.f32 v6, v5;
	v5 =	vmul.f32 v16, v14  }
0x265: {  	v10 =	vmul.f32 v52, v13;
	v11 =	vld [tilespmem:s1+$0x14660];
	v6 =	vmul.f32 v53, v14;
	v14 =	vadd.f32 v1, v2  }
0x266: {  	v13 =	vld [tilespmem:s1+$0x46A0];
	v1 =	vmul.f32 v21, v54;
	v3 =	vadd.f32 v5, v3;
	v5 =	vmul.f32 v22, v20  }
0x267: {  	v15 =	vld [tilespmem:s1+$0xC6A0];
	v2 =	vmul.f32 v23, v54;
	v10 =	vadd.f32 v6, v10;
	v6 =	vmul.f32 v27, v25  }
0x268: {  	v60 =	vld [tilespmem:s1+$0xC630];
	v59 =	vadd.f32 v5, v1;
	v1 =	vmul.f32 v29, v25;
	v5 =	vmul.f32 v30, v26  }
0x269: {  	v62 =	vld [tilespmem:s1+$0x14630];
	v7 =	vmul.f32 v7, v31;
	v2 =	vadd.f32 v55, v2  }
0x26a: {  	v61 =	vadd.f32 v57, v6;
	v6 =	vld [tilespmem:s1+$0x4670];
	v63 =	vadd.f32 v5, v1;
	v5 =	vmul.f32 v8, v31  }
0x26b: {  	v8 =	vmul.f32 v9, v4;
	v1 =	vadd.f32 v7, v3;
	v3 =	vmul.f32 v11, v4;
	v9 =	vld [tilespmem:s1+$0xC670]  }
0x26c: {  	s17 =	simm.s32 $0x19630;
	v11 =	vmul.f32 v15, v13;
	v13 =	vmul.f32 v56, v13;
	v5 =	vadd.f32 v5, v10;
	v10 =	vld [tilespmem:s1+$0x14670]  }
0x26d: {  	s21 =	simm.s32 $0x1B630;
	s18 =	simm.s32 $0x110;
	s6 =	simm.s32 $0x400;
	[tilespmem:s17+$0x0] =	vst v12;
	v12 =	vmul.f32 v60, v58;
	v4 =	vadd.f32 v8, v59;
	v7 =	vadd.f32 v3, v2;
	v8 =	vld [tilespmem:s1+$0x46B0]  }
0x26e: {  	s28 =	simm.s32 $0x1C910;
	s5 =	simm.s32 $0x100;
	s26 =	simm.s32 $0x1C710;
	[tilespmem:s21+$0x0] =	vst v14;
	v2 =	vadd.f32 v11, v61;
	v3 =	vadd.f32 v13, v63;
	v13 =	vmul.f32 v62, v58;
	v11 =	vld [tilespmem:s1+$0xC6B0]  }
.LBB2_10:
0x26f: {  	v1 =	vadd.f32 v12, v1;
	v12 =	vld [tilespmem:s1+$0x146B0];
	s1 =	sshra.s32 s6, $0x2  }
0x270: {  	v14 =	vld [tilespmem:s1+$0x46F0];
	v5 =	vadd.f32 v13, v5;
	v9 =	vmul.f32 v9, v6  }
0x271: {  	v13 =	vld [tilespmem:s1+$0x46E0];
	[tilespmem:s17+$0xFFFFFFD0] =	vst v1;
	v1 =	vmul.f32 v10, v6  }
0x272: {  	v6 =	vld [tilespmem:s1+$0x46C0];
	[tilespmem:s21+$0xFFFFFFD0] =	vst v5;
	v4 =	vadd.f32 v9, v4  }
0x273: {  	v5 =	vld [tilespmem:s1+$0x46D0];
	v1 =	vadd.f32 v1, v7;
	v7 =	vmul.f32 v11, v8  }
0x274: {  	v9 =	vld [tilespmem:s1+$0xC6C0];
	[tilespmem:s17+$0xFFFFFFE0] =	vst v4;
	v4 =	vmul.f32 v12, v8  }
0x275: {  	v8 =	vld [tilespmem:s1+$0xC6D0];
	[tilespmem:s21+$0xFFFFFFE0] =	vst v1;
	v1 =	vadd.f32 v7, v2  }
0x276: {  	s5 =	sadd.s32 $0x4, s5;
	v2 =	vld [tilespmem:s1+$0x146C0];
	v3 =	vadd.f32 v4, v3  }
0x277: {  	p0 =	slt.u32 s5, $0x17C;
	v4 =	vld [tilespmem:s1+$0x146D0];
	[tilespmem:s17+$0xFFFFFFF0] =	vst v1  }
0x278: {  	v1 =	vld [tilespmem:s1+$0xC6E0];
	[tilespmem:s21+$0xFFFFFFF0] =	vst v3  }
0x279: {  	v3 =	vld [tilespmem:s1+$0x146E0]  }
0x27a: {  	v7 =	vld [tilespmem:s1+$0xC6F0]  }
0x27b: {  	v9 =	vmul.f32 v9, v6;
	v8 =	vmul.f32 v8, v5;
	v10 =	vld [tilespmem:s1+$0x146F0]  }
0x27c: {  	v2 =	vmul.f32 v2, v6;
	v11 =	vld [tilespmem:s1+$0x4600];
	v4 =	vmul.f32 v4, v5  }
0x27d: {  	v6 =	vadd.f32 v8, v9;
	v5 =	vld [tilespmem:s1+$0x4610];
	v1 =	vmul.f32 v1, v13  }
0x27e: {  	v8 =	vld [tilespmem:s1+$0xC600];
	v2 =	vadd.f32 v4, v2;
	v3 =	vmul.f32 v3, v13  }
0x27f: {  	v4 =	vld [tilespmem:s1+$0xC610];
	v1 =	vadd.f32 v1, v6;
	v6 =	vmul.f32 v7, v14  }
0x280: {  	v7 =	vld [tilespmem:s1+$0x14600];
	v2 =	vadd.f32 v3, v2;
	v3 =	vmul.f32 v10, v14  }
0x281: {  	v9 =	vld [tilespmem:s1+$0x14610];
	v1 =	vadd.f32 v6, v1  }
0x282: {  	s17 =	sadd.s32 $0x40, s17;
	v6 =	vld [tilespmem:s1+$0x4640];
	v2 =	vadd.f32 v3, v2  }
0x283: {  	s21 =	sadd.s32 $0x40, s21;
	v3 =	vmul.f32 v8, v11;
	v8 =	vld [tilespmem:s1+$0x4650];
	[tilespmem:s17+$0x0] =	vst v1  }
0x284: {  	v1 =	vmul.f32 v4, v5;
	v4 =	vld [tilespmem:s1+$0xC640];
	[tilespmem:s21+$0x0] =	vst v2  }
0x285: {  	v2 =	vmul.f32 v7, v11;
	v7 =	vld [tilespmem:s1+$0xC650]  }
0x286: {  	v1 =	vadd.f32 v1, v3;
	v3 =	vmul.f32 v9, v5;
	v5 =	vld [tilespmem:s1+$0x14640]  }
0x287: {  	v9 =	vld [tilespmem:s1+$0x14650]  }
0x288: {  	v2 =	vadd.f32 v3, v2;
	v3 =	vld [tilespmem:s1+$0x4680]  }
0x289: {  	v4 =	vmul.f32 v4, v6;
	v10 =	vld [tilespmem:s1+$0x4690]  }
0x28a: {  	v7 =	vmul.f32 v7, v8;
	v11 =	vld [tilespmem:s1+$0xC680]  }
0x28b: {  	v5 =	vmul.f32 v5, v6;
	v6 =	vld [tilespmem:s1+$0xC690]  }
0x28c: {  	v4 =	vadd.f32 v7, v4;
	v7 =	vmul.f32 v9, v8;
	v8 =	vld [tilespmem:s1+$0x14680]  }
0x28d: {  	v9 =	vld [tilespmem:s1+$0x14690]  }
0x28e: {  	v12 =	vld [tilespmem:s1+$0x4620];
	v7 =	vadd.f32 v7, v5  }
0x28f: {  	v5 =	vld [tilespmem:s1+$0xC620];
	v11 =	vmul.f32 v11, v3  }
0x290: {  	v13 =	vld [tilespmem:s1+$0x14620];
	v6 =	vmul.f32 v6, v10  }
0x291: {  	v14 =	vld [tilespmem:s1+$0x4660];
	v3 =	vmul.f32 v8, v3  }
0x292: {  	v8 =	vld [tilespmem:s1+$0xC660];
	v11 =	vadd.f32 v6, v11;
	v6 =	vmul.f32 v9, v10  }
0x293: {  	v9 =	vld [tilespmem:s1+$0x14660]  }
0x294: {  	v5 =	vmul.f32 v5, v12;
	v10 =	vld [tilespmem:s1+$0x46A0];
	v3 =	vadd.f32 v6, v3  }
0x295: {  	v6 =	vmul.f32 v13, v12;
	v12 =	vld [tilespmem:s1+$0xC6A0]  }
0x296: {  	v1 =	vadd.f32 v5, v1;
	v13 =	vld [tilespmem:s1+$0x146A0]  }
0x297: {  	v15 =	vld [tilespmem:s1+$0x4630];
	v5 =	vadd.f32 v6, v2;
	v2 =	vmul.f32 v8, v14  }
0x298: {  	v8 =	vld [tilespmem:s1+$0xC630];
	v9 =	vmul.f32 v9, v14  }
0x299: {  	v14 =	vld [tilespmem:s1+$0x14630];
	v4 =	vadd.f32 v2, v4  }
.Ltmp4:
0x29a: {  	v6 =	vld [tilespmem:s1+$0x4670];
	v7 =	vadd.f32 v9, v7;
	v2 =	vmul.f32 v12, v10;
	(pc) =	sbr.rel @p0 .LBB2_10-.Ltmp4, $4  }
0x29b: {  	v9 =	vld [tilespmem:s1+$0xC670];
	v13 =	vmul.f32 v13, v10  }
0x29c: {  	v10 =	vld [tilespmem:s1+$0x14670];
	v2 =	vadd.f32 v2, v11  }
0x29d: {  	v12 =	vmul.f32 v8, v15;
	v8 =	vld [tilespmem:s1+$0x46B0];
	v3 =	vadd.f32 v13, v3  }
0x29e: {  	s6 =	sadd.s32 $0x400, s6;
	v13 =	vmul.f32 v14, v15;
	v11 =	vld [tilespmem:s1+$0xC6B0]  }
0x29f: {  	_ = 	snop  }
0x2a0: {  	v14 =	vld [tilespmem:s1+$0x146B0]  }
0x2a1: {  	v1 =	vadd.f32 v12, v1;
	v9 =	vmul.f32 v9, v6;
	v6 =	vmul.f32 v10, v6  }
0x2a2: {  	s7 =	simm.s32 $0x100;
	v5 =	vadd.f32 v13, v5  }
0x2a3: {  	[tilespmem:s17+$0xFFFFFFD0] =	vst v1;
	v1 =	vmov s7;
	v6 =	vadd.f32 v6, v7;
	v7 =	vmov s18  }
0x2a4: {  	v4 =	vadd.f32 v9, v4;
	v9 =	vmul.f32 v11, v8;
	v7 =	vshll.u32 v7, $0x4  }
0x2a5: {  	[tilespmem:s21+$0xFFFFFFD0] =	vst v5;
	v5 =	vmul.f32 v14, v8;
	v8 =	vshll.u32 v1, $0x4;
	v1 =	vor.u32 v0, v7  }
0x2a6: {  	[tilespmem:s17+$0xFFFFFFE0] =	vst v4;
	v2 =	vadd.f32 v9, v2;
	v4 =	vor.u32 v0, v8  }
0x2a7: {  	[tilespmem:s21+$0xFFFFFFE0] =	vst v6;
	v3 =	vadd.f32 v5, v3  }
0x2a8: {  	[tilespmem:s17+$0xFFFFFFF0] =	vst v2  }
0x2a9: {  	v8 =	vor.u32 $0x3, v4;
	[tilespmem:s21+$0xFFFFFFF0] =	vst v3  }
0x2aa: {  	v5 =	vld.idx.msk [tilespmem:v1+s31+$0x0], $0xffff  }
0x2ab: {  	v10 =	vor.u32 $0x4, v4;
	v6 =	vld.idx.msk [tilespmem:v4+s31+$0x0], $0xffff  }
0x2ac: {  	v7 =	vld.idx.msk [tilespmem:v4+s0+$0x0], $0xffff  }
0x2ad: {  	v47 =	vor.u32 $0x5, v4;
	v53 =	vld.idx.msk [tilespmem:v1+s0+$0x0], $0xffff  }
0x2ae: {  	v48 =	vld.idx.msk [tilespmem:v8+s31+$0x0], $0xffff  }
0x2af: {  	v49 =	vor.u32 $0x6, v4;
	v8 =	vld.idx.msk [tilespmem:v8+s0+$0x0], $0xffff  }
0x2b0: {  	v15 =	vld.idx.msk [tilespmem:v10+s31+$0x0], $0xffff  }
0x2b1: {  	v16 =	vor.u32 $0x7, v4;
	v10 =	vld.idx.msk [tilespmem:v10+s0+$0x0], $0xffff  }
0x2b2: {  	v17 =	vld.idx.msk [tilespmem:v47+s31+$0x0], $0xffff  }
0x2b3: {  	v18 =	vor.u32 $0x8, v4;
	v12 =	vld.idx.msk [tilespmem:v47+s0+$0x0], $0xffff  }
0x2b4: {  	v19 =	vld.idx.msk [tilespmem:v49+s31+$0x0], $0xffff  }
0x2b5: {  	v20 =	vor.u32 $0x9, v4;
	v14 =	vld.idx.msk [tilespmem:v49+s0+$0x0], $0xffff  }
0x2b6: {  	v21 =	vld.idx.msk [tilespmem:v16+s31+$0x0], $0xffff  }
0x2b7: {  	v22 =	vor.u32 $0xA, v4;
	v16 =	vld.idx.msk [tilespmem:v16+s0+$0x0], $0xffff  }
0x2b8: {  	v2 =	vor.u32 $0x1, v4;
	v23 =	vld.idx.msk [tilespmem:v18+s31+$0x0], $0xffff  }
0x2b9: {  	v18 =	vld.idx.msk [tilespmem:v18+s0+$0x0], $0xffff  }
0x2ba: {  	v3 =	vor.u32 $0x2, v4;
	v25 =	vld.idx.msk [tilespmem:v20+s31+$0x0], $0xffff  }
0x2bb: {  	v20 =	vld.idx.msk [tilespmem:v20+s0+$0x0], $0xffff  }
0x2bc: {  	v27 =	vld.idx.msk [tilespmem:v22+s31+$0x0], $0xffff  }
0x2bd: {  	v24 =	vor.u32 $0xB, v4;
	v9 =	vld.idx.msk [tilespmem:v2+s31+$0x0], $0xffff  }
0x2be: {  	v2 =	vld.idx.msk [tilespmem:v2+s0+$0x0], $0xffff  }
0x2bf: {  	v30 =	vor.u32 $0xE, v4;
	v11 =	vld.idx.msk [tilespmem:v3+s31+$0x0], $0xffff  }
0x2c0: {  	v50 =	vor.u32 $0x1, v1;
	v3 =	vld.idx.msk [tilespmem:v3+s0+$0x0], $0xffff;
	v6 =	vadd.f32 $0.0e+00, v6  }
0x2c1: {  	v52 =	vor.u32 $0x2, v1;
	v22 =	vld.idx.msk [tilespmem:v22+s0+$0x0], $0xffff;
	v7 =	vadd.f32 $0.0e+00, v7  }
0x2c2: {  	v56 =	vor.u32 $0x5, v1;
	v29 =	vld.idx.msk [tilespmem:v24+s31+$0x0], $0xffff;
	v6 =	vadd.f32 v9, v6  }
0x2c3: {  	v26 =	vor.u32 $0xC, v4;
	v24 =	vld.idx.msk [tilespmem:v24+s0+$0x0], $0xffff;
	v2 =	vadd.f32 v2, v7  }
0x2c4: {  	v51 =	vld.idx.msk [tilespmem:v30+s0+$0x0], $0xffff;
	v6 =	vadd.f32 v11, v6  }
0x2c5: {  	v28 =	vor.u32 $0xD, v4;
	v54 =	vld.idx.msk [tilespmem:v50+s0+$0x0], $0xffff;
	v2 =	vadd.f32 v3, v2  }
0x2c6: {  	v55 =	vld.idx.msk [tilespmem:v52+s31+$0x0], $0xffff;
	v6 =	vadd.f32 v48, v6  }
0x2c7: {  	v59 =	vld.idx.msk [tilespmem:v56+s31+$0x0], $0xffff;
	v2 =	vadd.f32 v8, v2  }
0x2c8: {  	v7 =	vld.idx.msk [tilespmem:v26+s31+$0x0], $0xffff;
	v6 =	vadd.f32 v15, v6  }
0x2c9: {  	v4 =	vor.u32 $0xF, v4;
	v9 =	vld.idx.msk [tilespmem:v26+s0+$0x0], $0xffff;
	v2 =	vadd.f32 v10, v2  }
0x2ca: {  	v3 =	vld.idx.msk [tilespmem:v28+s31+$0x0], $0xffff;
	v6 =	vadd.f32 v17, v6  }
0x2cb: {  	v11 =	vld.idx.msk [tilespmem:v28+s0+$0x0], $0xffff;
	v2 =	vadd.f32 v12, v2  }
0x2cc: {  	v8 =	vld.idx.msk [tilespmem:v30+s31+$0x0], $0xffff;
	v15 =	vor.u32 $0x3, v1;
	v6 =	vadd.f32 v19, v6  }
0x2cd: {  	v17 =	vld.idx.msk [tilespmem:v50+s31+$0x0], $0xffff;
	v2 =	vadd.f32 v14, v2  }
0x2ce: {  	v10 =	vld.idx.msk [tilespmem:v4+s31+$0x0], $0xffff;
	v19 =	vor.u32 $0x4, v1;
	v6 =	vadd.f32 v21, v6  }
0x2cf: {  	v4 =	vld.idx.msk [tilespmem:v4+s0+$0x0], $0xffff;
	v2 =	vadd.f32 v16, v2  }
0x2d0: {  	v5 =	vadd.f32 $0.0e+00, v5;
	v16 =	vld.idx.msk [tilespmem:v52+s0+$0x0], $0xffff;
	v6 =	vadd.f32 v23, v6  }
0x2d1: {  	v58 =	vor.u32 $0x6, v1;
	v12 =	vadd.f32 $0.0e+00, v53;
	v57 =	vld.idx.msk [tilespmem:v15+s31+$0x0], $0xffff;
	v2 =	vadd.f32 v18, v2  }
0x2d2: {  	v15 =	vld.idx.msk [tilespmem:v15+s0+$0x0], $0xffff;
	v5 =	vadd.f32 v17, v5;
	v6 =	vadd.f32 v25, v6  }
0x2d3: {  	v12 =	vadd.f32 v54, v12;
	v18 =	vor.u32 $0x7, v1;
	v17 =	vld.idx.msk [tilespmem:v19+s31+$0x0], $0xffff;
	v2 =	vadd.f32 v20, v2  }
0x2d4: {  	v19 =	vld.idx.msk [tilespmem:v19+s0+$0x0], $0xffff;
	v5 =	vadd.f32 v55, v5;
	v20 =	vor.u32 $0x8, v1;
	v6 =	vadd.f32 v27, v6  }
0x2d5: {  	v21 =	vld.idx.msk [tilespmem:v56+s0+$0x0], $0xffff;
	v12 =	vadd.f32 v16, v12;
	v2 =	vadd.f32 v22, v2  }
0x2d6: {  	v62 =	vor.u32 $0xB, v1;
	v23 =	vld.idx.msk [tilespmem:v58+s0+$0x0], $0xffff;
	v5 =	vadd.f32 v57, v5;
	v6 =	vadd.f32 v29, v6  }
0x2d7: {  	v16 =	vld.idx.msk [tilespmem:v58+s31+$0x0], $0xffff;
	v12 =	vadd.f32 v15, v12;
	v2 =	vadd.f32 v24, v2  }
0x2d8: {  	v60 =	vor.u32 $0x9, v1;
	v15 =	vld.idx.msk [tilespmem:v18+s31+$0x0], $0xffff;
	v5 =	vadd.f32 v17, v5;
	v6 =	vadd.f32 v7, v6  }
0x2d9: {  	v61 =	vld.idx.msk [tilespmem:v20+s31+$0x0], $0xffff;
	v2 =	vadd.f32 v9, v2;
	v7 =	vadd.f32 v19, v12  }
0x2da: {  	v17 =	vor.u32 $0xA, v1;
	v9 =	vld.idx.msk [tilespmem:v18+s0+$0x0], $0xffff;
	v5 =	vadd.f32 v59, v5;
	v6 =	vadd.f32 v3, v6  }
0x2db: {  	v19 =	vld.idx.msk [tilespmem:v62+s0+$0x0], $0xffff;
	v2 =	vadd.f32 v11, v2;
	v7 =	vadd.f32 v21, v7  }
0x2dc: {  	v11 =	vld.idx.msk [tilespmem:v20+s0+$0x0], $0xffff;
	v5 =	vadd.f32 v16, v5;
	v6 =	vadd.f32 v8, v6  }
0x2dd: {  	v16 =	vld.idx.msk [tilespmem:v60+s31+$0x0], $0xffff;
	v3 =	vor.u32 $0xC, v1;
	v2 =	vadd.f32 v51, v2;
	v63 =	vadd.f32 v23, v7  }
0x2de: {  	v8 =	vld.idx.msk [tilespmem:v60+s0+$0x0], $0xffff;
	v5 =	vadd.f32 v15, v5;
	v10 =	vadd.f32 v10, v6  }
0x2df: {  	v7 =	vld.idx.msk [tilespmem:v17+s31+$0x0], $0xffff;
	v15 =	vadd.f32 v4, v2;
	v9 =	vadd.f32 v9, v63;
	v4 =	vor.u32 $0xD, v1  }
0x2e0: {  	v6 =	vld.idx.msk [tilespmem:v17+s0+$0x0], $0xffff;
	v5 =	vadd.f32 v61, v5  }
0x2e1: {  	v17 =	vld.idx.msk [tilespmem:v62+s31+$0x0], $0xffff;
	v2 =	vor.u32 $0xE, v1;
	[tilespmem:s26+$0xFFFFFFF0] =	vst v10;
	v9 =	vadd.f32 v11, v9  }
0x2e2: {  	s1 =	simm.s32 $0x10;
	s21 =	simm.s32 $0x130;
	v1 =	vor.u32 $0xF, v1;
	v18 =	vld.idx.msk [tilespmem:v3+s31+$0x0], $0xffff;
	v5 =	vadd.f32 v16, v5;
	[tilespmem:s28+$0xFFFFFFF0] =	vst v15  }
.LBB2_12:
0x2e3: {  	s5 =	sadd.s32 $0xFFFFFFF0, s21;
	v10 =	vmov s21;
	v8 =	vadd.f32 v8, v9;
	v20 =	vld.idx.msk [tilespmem:v3+s0+$0x0], $0xffff  }
0x2e4: {  	s1 =	sadd.s32 $0x2, s1;
	v3 =	vmov s5;
	v9 =	vshll.u32 v10, $0x4;
	v21 =	vadd.f32 v7, v5;
	v22 =	vld.idx.msk [tilespmem:v4+s31+$0x0], $0xffff  }
0x2e5: {  	p0 =	slt.u32 s1, $0x16;
	v3 =	vshll.u32 v3, $0x4;
	v15 =	vor.u32 v0, v9;
	v23 =	vadd.f32 v6, v8;
	v24 =	vld.idx.msk [tilespmem:v4+s0+$0x0], $0xffff  }
0x2e6: {  	v25 =	vor.u32 v0, v3;
	v16 =	vor.u32 $0x1, v15;
	v14 =	vor.u32 $0x2, v15;
	v26 =	vld.idx.msk [tilespmem:v2+s31+$0x0], $0xffff  }
0x2e7: {  	v13 =	vor.u32 $0x3, v15;
	v12 =	vor.u32 $0x4, v15;
	v11 =	vor.u32 $0x5, v15;
	v27 =	vld.idx.msk [tilespmem:v2+s0+$0x0], $0xffff  }
0x2e8: {  	v10 =	vor.u32 $0x6, v15;
	v9 =	vor.u32 $0x7, v15;
	v28 =	vor.u32 $0x1, v25;
	v29 =	vld.idx.msk [tilespmem:v1+s31+$0x0], $0xffff  }
0x2e9: {  	v8 =	vor.u32 $0x8, v15;
	v7 =	vor.u32 $0x9, v15;
	v6 =	vor.u32 $0xA, v15;
	v30 =	vld.idx.msk [tilespmem:v1+s0+$0x0], $0xffff  }
0x2ea: {  	v5 =	vor.u32 $0xB, v15;
	v3 =	vor.u32 $0xC, v15;
	v31 =	vor.u32 $0x2, v25;
	v32 =	vld.idx.msk [tilespmem:v15+s31+$0x0], $0xffff  }
0x2eb: {  	v4 =	vor.u32 $0xD, v15;
	v17 =	vadd.f32 v17, v21;
	v19 =	vadd.f32 v19, v23;
	v33 =	vld.idx.msk [tilespmem:v25+s31+$0x0], $0xffff  }
0x2ec: {  	v23 =	vor.u32 $0x3, v25;
	v2 =	vor.u32 $0xE, v15;
	v1 =	vor.u32 $0xF, v15;
	v21 =	vld.idx.msk [tilespmem:v25+s0+$0x0], $0xffff  }
0x2ed: {  	v17 =	vadd.f32 v18, v17;
	v18 =	vadd.f32 v20, v19;
	v34 =	vld.idx.msk [tilespmem:v28+s31+$0x0], $0xffff  }
0x2ee: {  	v20 =	vor.u32 $0x4, v25;
	v19 =	vld.idx.msk [tilespmem:v28+s0+$0x0], $0xffff  }
0x2ef: {  	v17 =	vadd.f32 v22, v17;
	v18 =	vadd.f32 v24, v18;
	v28 =	vld.idx.msk [tilespmem:v31+s31+$0x0], $0xffff  }
0x2f0: {  	v24 =	vor.u32 $0x5, v25;
	v22 =	vld.idx.msk [tilespmem:v31+s0+$0x0], $0xffff;
	v31 =	vadd.f32 $0.0e+00, v32  }
0x2f1: {  	v17 =	vadd.f32 v26, v17;
	v32 =	vadd.f32 $0.0e+00, v33;
	v33 =	vld.idx.msk [tilespmem:v23+s31+$0x0], $0xffff  }
0x2f2: {  	v26 =	vor.u32 $0x6, v25;
	v18 =	vadd.f32 v27, v18;
	v21 =	vadd.f32 $0.0e+00, v21;
	v23 =	vld.idx.msk [tilespmem:v23+s0+$0x0], $0xffff  }
0x2f3: {  	v17 =	vadd.f32 v29, v17;
	v27 =	vadd.f32 v34, v32;
	v32 =	vld.idx.msk [tilespmem:v20+s31+$0x0], $0xffff  }
0x2f4: {  	v18 =	vadd.f32 v30, v18;
	v19 =	vadd.f32 v19, v21;
	v21 =	vor.u32 $0x7, v25;
	v20 =	vld.idx.msk [tilespmem:v20+s0+$0x0], $0xffff  }
0x2f5: {  	v27 =	vadd.f32 v28, v27;
	v28 =	vld.idx.msk [tilespmem:v24+s31+$0x0], $0xffff;
	[tilespmem:s26+$0x0] =	vst v17  }
0x2f6: {  	v17 =	vadd.f32 v22, v19;
	v22 =	vor.u32 $0x8, v25;
	v19 =	vld.idx.msk [tilespmem:v24+s0+$0x0], $0xffff;
	[tilespmem:s28+$0x0] =	vst v18  }
0x2f7: {  	v18 =	vadd.f32 v33, v27;
	v24 =	vld.idx.msk [tilespmem:v26+s31+$0x0], $0xffff  }
0x2f8: {  	v17 =	vadd.f32 v23, v17;
	v23 =	vld.idx.msk [tilespmem:v26+s0+$0x0], $0xffff;
	v26 =	vor.u32 $0x9, v25  }
0x2f9: {  	v18 =	vadd.f32 v32, v18;
	v27 =	vld.idx.msk [tilespmem:v21+s31+$0x0], $0xffff  }
0x2fa: {  	v17 =	vadd.f32 v20, v17;
	v20 =	vld.idx.msk [tilespmem:v21+s0+$0x0], $0xffff;
	v21 =	vor.u32 $0xA, v25  }
0x2fb: {  	v18 =	vadd.f32 v28, v18;
	v28 =	vld.idx.msk [tilespmem:v22+s31+$0x0], $0xffff  }
0x2fc: {  	v17 =	vadd.f32 v19, v17;
	v19 =	vld.idx.msk [tilespmem:v22+s0+$0x0], $0xffff;
	v22 =	vor.u32 $0xB, v25  }
0x2fd: {  	v18 =	vadd.f32 v24, v18;
	v24 =	vld.idx.msk [tilespmem:v26+s31+$0x0], $0xffff  }
0x2fe: {  	v17 =	vadd.f32 v23, v17;
	v23 =	vld.idx.msk [tilespmem:v26+s0+$0x0], $0xffff;
	v26 =	vor.u32 $0xC, v25  }
0x2ff: {  	v18 =	vadd.f32 v27, v18;
	v27 =	vld.idx.msk [tilespmem:v21+s31+$0x0], $0xffff  }
0x300: {  	v17 =	vadd.f32 v20, v17;
	v20 =	vld.idx.msk [tilespmem:v21+s0+$0x0], $0xffff;
	v21 =	vor.u32 $0xD, v25  }
0x301: {  	v18 =	vadd.f32 v28, v18;
	v28 =	vld.idx.msk [tilespmem:v22+s31+$0x0], $0xffff  }
0x302: {  	v17 =	vadd.f32 v19, v17;
	v19 =	vld.idx.msk [tilespmem:v22+s0+$0x0], $0xffff;
	v22 =	vor.u32 $0xE, v25  }
0x303: {  	v18 =	vadd.f32 v24, v18;
	v24 =	vld.idx.msk [tilespmem:v26+s31+$0x0], $0xffff  }
0x304: {  	v25 =	vor.u32 $0xF, v25;
	v17 =	vadd.f32 v23, v17;
	v23 =	vld.idx.msk [tilespmem:v26+s0+$0x0], $0xffff  }
0x305: {  	v18 =	vadd.f32 v27, v18;
	v26 =	vld.idx.msk [tilespmem:v21+s31+$0x0], $0xffff  }
0x306: {  	v17 =	vadd.f32 v20, v17;
	v20 =	vld.idx.msk [tilespmem:v21+s0+$0x0], $0xffff  }
0x307: {  	v18 =	vadd.f32 v28, v18;
	v21 =	vld.idx.msk [tilespmem:v22+s31+$0x0], $0xffff  }
0x308: {  	v17 =	vadd.f32 v19, v17;
	v19 =	vld.idx.msk [tilespmem:v22+s0+$0x0], $0xffff  }
0x309: {  	v18 =	vadd.f32 v24, v18;
	v22 =	vld.idx.msk [tilespmem:v25+s31+$0x0], $0xffff  }
0x30a: {  	v17 =	vadd.f32 v23, v17;
	v23 =	vld.idx.msk [tilespmem:v25+s0+$0x0], $0xffff  }
0x30b: {  	v18 =	vadd.f32 v26, v18;
	v15 =	vld.idx.msk [tilespmem:v15+s0+$0x0], $0xffff  }
0x30c: {  	v17 =	vadd.f32 v20, v17;
	v20 =	vld.idx.msk [tilespmem:v16+s31+$0x0], $0xffff  }
0x30d: {  	v18 =	vadd.f32 v21, v18;
	v16 =	vld.idx.msk [tilespmem:v16+s0+$0x0], $0xffff  }
0x30e: {  	v17 =	vadd.f32 v19, v17;
	v19 =	vld.idx.msk [tilespmem:v14+s31+$0x0], $0xffff  }
0x30f: {  	v18 =	vadd.f32 v22, v18;
	v14 =	vld.idx.msk [tilespmem:v14+s0+$0x0], $0xffff  }
0x310: {  	s26 =	sadd.s32 $0x20, s26;
	v17 =	vadd.f32 v23, v17;
	v21 =	vld.idx.msk [tilespmem:v13+s31+$0x0], $0xffff  }
0x311: {  	s28 =	sadd.s32 $0x20, s28;
	v15 =	vadd.f32 $0.0e+00, v15;
	[tilespmem:s26+$0xFFFFFFF0] =	vst v18;
	v13 =	vld.idx.msk [tilespmem:v13+s0+$0x0], $0xffff  }
0x312: {  	[tilespmem:s28+$0xFFFFFFF0] =	vst v17;
	v17 =	vadd.f32 v20, v31;
	v18 =	vld.idx.msk [tilespmem:v12+s31+$0x0], $0xffff  }
0x313: {  	v15 =	vadd.f32 v16, v15;
	v12 =	vld.idx.msk [tilespmem:v12+s0+$0x0], $0xffff  }
0x314: {  	v16 =	vadd.f32 v19, v17;
	v17 =	vld.idx.msk [tilespmem:v11+s31+$0x0], $0xffff  }
0x315: {  	v14 =	vadd.f32 v14, v15;
	v11 =	vld.idx.msk [tilespmem:v11+s0+$0x0], $0xffff  }
0x316: {  	v15 =	vadd.f32 v21, v16;
	v16 =	vld.idx.msk [tilespmem:v10+s31+$0x0], $0xffff  }
0x317: {  	v13 =	vadd.f32 v13, v14;
	v10 =	vld.idx.msk [tilespmem:v10+s0+$0x0], $0xffff  }
0x318: {  	v14 =	vadd.f32 v18, v15;
	v15 =	vld.idx.msk [tilespmem:v9+s31+$0x0], $0xffff  }
0x319: {  	v12 =	vadd.f32 v12, v13;
	v9 =	vld.idx.msk [tilespmem:v9+s0+$0x0], $0xffff  }
0x31a: {  	v13 =	vadd.f32 v17, v14;
	v14 =	vld.idx.msk [tilespmem:v8+s31+$0x0], $0xffff  }
0x31b: {  	v11 =	vadd.f32 v11, v12;
	v12 =	vld.idx.msk [tilespmem:v8+s0+$0x0], $0xffff  }
0x31c: {  	v13 =	vadd.f32 v16, v13;
	v16 =	vld.idx.msk [tilespmem:v7+s31+$0x0], $0xffff  }
0x31d: {  	v10 =	vadd.f32 v10, v11;
	v8 =	vld.idx.msk [tilespmem:v7+s0+$0x0], $0xffff  }
.Ltmp5:
0x31e: {  	v11 =	vadd.f32 v15, v13;
	v7 =	vld.idx.msk [tilespmem:v6+s31+$0x0], $0xffff;
	(pc) =	sbr.rel @p0 .LBB2_12-.Ltmp5, $4  }
0x31f: {  	v9 =	vadd.f32 v9, v10;
	v6 =	vld.idx.msk [tilespmem:v6+s0+$0x0], $0xffff  }
0x320: {  	v10 =	vadd.f32 v14, v11;
	v17 =	vld.idx.msk [tilespmem:v5+s31+$0x0], $0xffff  }
0x321: {  	v9 =	vadd.f32 v12, v9;
	v19 =	vld.idx.msk [tilespmem:v5+s0+$0x0], $0xffff  }
0x322: {  	s21 =	sadd.s32 $0x20, s21;
	v5 =	vadd.f32 v16, v10;
	v18 =	vld.idx.msk [tilespmem:v3+s31+$0x0], $0xffff  }
0x323: {  	_ =	sdelay $0x2  }
0x324: {  	v8 =	vadd.f32 v8, v9  }
0x325: {  	v3 =	vld.idx.msk [tilespmem:v3+s0+$0x0], $0xffff;
	v5 =	vadd.f32 v7, v5  }
0x326: {  	v7 =	vld.idx.msk [tilespmem:v4+s31+$0x0], $0xffff;
	v6 =	vadd.f32 v6, v8  }
0x327: {  	v4 =	vld.idx.msk [tilespmem:v4+s0+$0x0], $0xffff;
	v5 =	vadd.f32 v17, v5  }
0x328: {  	v8 =	vld.idx.msk [tilespmem:v2+s31+$0x0], $0xffff;
	v6 =	vadd.f32 v19, v6  }
0x329: {  	v2 =	vld.idx.msk [tilespmem:v2+s0+$0x0], $0xffff;
	v5 =	vadd.f32 v18, v5  }
0x32a: {  	v9 =	vld.idx.msk [tilespmem:v1+s31+$0x0], $0xffff;
	v3 =	vadd.f32 v3, v6  }
0x32b: {  	v1 =	vld.idx.msk [tilespmem:v1+s0+$0x0], $0xffff;
	v5 =	vadd.f32 v7, v5  }
0x32c: {  	v3 =	vadd.f32 v4, v3  }
0x32d: {  	v4 =	vadd.f32 v8, v5  }
0x32e: {  	v2 =	vadd.f32 v2, v3  }
0x32f: {  	v3 =	vadd.f32 v9, v4  }
0x330: {  	v1 =	vadd.f32 v1, v2  }
0x331: {  	[tilespmem:s26+$0x0] =	vst v3  }
0x332: {  	s1 =	simm.s32 $0x0;
	s5 =	simm.s32 $0x1C700;
	[tilespmem:s28+$0x0] =	vst v1  }
0x333: {  	[hbm4b:s12+s1] =	stream.linear.scatter [tilespmem:s5], [sflag:$0x6], $0x80, $0x38;
	[tilespmem:$0x1CA00] =	vst v63  }
0x334: {  	s26 =	simm.s32 $0x1C900  }
0x335: {  	[hbm4b:s13+s1] =	stream.linear.scatter [tilespmem:s26], [sflag:$0x6], $0x80, $0x38;
	[tilespmem:$0x1CA00] =	vst v63  }
0x336: {  	_ =	swait.ge [sflag:s29], $0x2000  }
0x337: {  	[sflag:s29] =	ssyncset.done $0x0  }
0x338: {  	[sflag:s29] =	ssyncadd.s32 $0xFFFFE000  }
0x339: {  	_ =	swait.ge [sflag:s29], $0x2000  }
0x33a: {  	[sflag:s29] =	ssyncset.done $0x0  }
0x33b: {  	[sflag:s29] =	ssyncadd.s32 $0xFFFFE000  }
0x33c: {  	_ =	swait.ge [sflag:s29], $0x2000  }
0x33d: {  	[sflag:s29] =	ssyncset.done $0x0  }
0x33e: {  	s1 =	simm.s32 $0x0;
	[sflag:s29] =	ssyncadd.s32 $0xFFFFE000  }
0x33f: {  	v1 =	vld [tilespmem:s1+$0x66F0]  }
0x340: {  	v2 =	vld [tilespmem:s1+$0x66E0]  }
0x341: {  	v3 =	vld [tilespmem:s1+$0x66C0]  }
0x342: {  	v4 =	vld [tilespmem:s1+$0x66D0]  }
0x343: {  	v5 =	vld [tilespmem:s1+$0xE6C0]  }
0x344: {  	v6 =	vld [tilespmem:s1+$0xE6D0]  }
0x345: {  	v7 =	vld [tilespmem:s1+$0x166C0]  }
0x346: {  	v8 =	vld [tilespmem:s1+$0x166D0]  }
0x347: {  	v9 =	vld [tilespmem:s1+$0xE6E0]  }
0x348: {  	v10 =	vld [tilespmem:s1+$0x166E0]  }
0x349: {  	v11 =	vld [tilespmem:s1+$0xE6F0]  }
0x34a: {  	v12 =	vld [tilespmem:s1+$0x166F0]  }
0x34b: {  	v13 =	vld [tilespmem:s1+$0x6600]  }
0x34c: {  	v14 =	vld [tilespmem:s1+$0x6610]  }
0x34d: {  	v15 =	vld [tilespmem:s1+$0xE600]  }
0x34e: {  	v16 =	vld [tilespmem:s1+$0xE610]  }
0x34f: {  	v52 =	vld [tilespmem:s1+$0x16600]  }
0x350: {  	v53 =	vld [tilespmem:s1+$0x16610]  }
0x351: {  	v54 =	vld [tilespmem:s1+$0x6640]  }
0x352: {  	v20 =	vld [tilespmem:s1+$0x6650]  }
0x353: {  	v21 =	vld [tilespmem:s1+$0xE640]  }
0x354: {  	v22 =	vld [tilespmem:s1+$0xE650]  }
0x355: {  	v23 =	vld [tilespmem:s1+$0x16640]  }
0x356: {  	v24 =	vld [tilespmem:s1+$0x16650]  }
0x357: {  	v25 =	vld [tilespmem:s1+$0x6680]  }
0x358: {  	v26 =	vld [tilespmem:s1+$0x6690]  }
0x359: {  	v27 =	vld [tilespmem:s1+$0xE680]  }
0x35a: {  	v28 =	vld [tilespmem:s1+$0xE690]  }
0x35b: {  	v29 =	vld [tilespmem:s1+$0x16680]  }
0x35c: {  	v30 =	vld [tilespmem:s1+$0x16690]  }
0x35d: {  	v31 =	vld [tilespmem:s1+$0x6620];
	v5 =	vmul.f32 v5, v3;
	v6 =	vmul.f32 v6, v4  }
0x35e: {  	v56 =	vld [tilespmem:s1+$0x166A0];
	v3 =	vmul.f32 v7, v3;
	v4 =	vmul.f32 v8, v4  }
0x35f: {  	v58 =	vld [tilespmem:s1+$0x6630];
	v5 =	vadd.f32 v6, v5;
	v6 =	vmul.f32 v9, v2  }
0x360: {  	v7 =	vld [tilespmem:s1+$0xE620];
	v3 =	vadd.f32 v4, v3;
	v2 =	vmul.f32 v10, v2  }
0x361: {  	v8 =	vld [tilespmem:s1+$0x16620];
	v55 =	vmul.f32 v24, v20;
	v5 =	vadd.f32 v6, v5;
	v6 =	vmul.f32 v11, v1  }
0x362: {  	v57 =	vmul.f32 v28, v26;
	v4 =	vld [tilespmem:s1+$0x6660];
	v1 =	vmul.f32 v12, v1;
	v2 =	vadd.f32 v2, v3  }
0x363: {  	v9 =	vld [tilespmem:s1+$0xE660];
	v3 =	vmul.f32 v15, v13;
	v12 =	vadd.f32 v6, v5;
	v5 =	vmul.f32 v16, v14  }
0x364: {  	v10 =	vmul.f32 v52, v13;
	v11 =	vld [tilespmem:s1+$0x16660];
	v6 =	vmul.f32 v53, v14;
	v14 =	vadd.f32 v1, v2  }
0x365: {  	v13 =	vld [tilespmem:s1+$0x66A0];
	v1 =	vmul.f32 v21, v54;
	v3 =	vadd.f32 v5, v3;
	v5 =	vmul.f32 v22, v20  }
0x366: {  	v15 =	vld [tilespmem:s1+$0xE6A0];
	v2 =	vmul.f32 v23, v54;
	v10 =	vadd.f32 v6, v10;
	v6 =	vmul.f32 v27, v25  }
0x367: {  	v60 =	vld [tilespmem:s1+$0xE630];
	v59 =	vadd.f32 v5, v1;
	v1 =	vmul.f32 v29, v25;
	v5 =	vmul.f32 v30, v26  }
0x368: {  	v62 =	vld [tilespmem:s1+$0x16630];
	v7 =	vmul.f32 v7, v31;
	v2 =	vadd.f32 v55, v2  }
0x369: {  	v61 =	vadd.f32 v57, v6;
	v6 =	vld [tilespmem:s1+$0x6670];
	v63 =	vadd.f32 v5, v1;
	v5 =	vmul.f32 v8, v31  }
0x36a: {  	v8 =	vmul.f32 v9, v4;
	v1 =	vadd.f32 v7, v3;
	v3 =	vmul.f32 v11, v4;
	v9 =	vld [tilespmem:s1+$0xE670]  }
0x36b: {  	s17 =	simm.s32 $0x19E30;
	v11 =	vmul.f32 v15, v13;
	v13 =	vmul.f32 v56, v13;
	v5 =	vadd.f32 v5, v10;
	v10 =	vld [tilespmem:s1+$0x16670]  }
0x36c: {  	s21 =	simm.s32 $0x1BE30;
	s18 =	simm.s32 $0x190;
	s6 =	simm.s32 $0x400;
	[tilespmem:s17+$0x0] =	vst v12;
	v12 =	vmul.f32 v60, v58;
	v4 =	vadd.f32 v8, v59;
	v7 =	vadd.f32 v3, v2;
	v8 =	vld [tilespmem:s1+$0x66B0]  }
0x36d: {  	s28 =	simm.s32 $0x1C990;
	s5 =	simm.s32 $0x180;
	s26 =	simm.s32 $0x1C790;
	[tilespmem:s21+$0x0] =	vst v14;
	v2 =	vadd.f32 v11, v61;
	v3 =	vadd.f32 v13, v63;
	v13 =	vmul.f32 v62, v58;
	v11 =	vld [tilespmem:s1+$0xE6B0]  }
.LBB2_14:
0x36e: {  	v1 =	vadd.f32 v12, v1;
	v12 =	vld [tilespmem:s1+$0x166B0];
	s1 =	sshra.s32 s6, $0x2  }
0x36f: {  	v14 =	vld [tilespmem:s1+$0x66F0];
	v5 =	vadd.f32 v13, v5;
	v9 =	vmul.f32 v9, v6  }
0x370: {  	v13 =	vld [tilespmem:s1+$0x66E0];
	[tilespmem:s17+$0xFFFFFFD0] =	vst v1;
	v1 =	vmul.f32 v10, v6  }
0x371: {  	v6 =	vld [tilespmem:s1+$0x66C0];
	[tilespmem:s21+$0xFFFFFFD0] =	vst v5;
	v4 =	vadd.f32 v9, v4  }
0x372: {  	v5 =	vld [tilespmem:s1+$0x66D0];
	v1 =	vadd.f32 v1, v7;
	v7 =	vmul.f32 v11, v8  }
0x373: {  	v9 =	vld [tilespmem:s1+$0xE6C0];
	[tilespmem:s17+$0xFFFFFFE0] =	vst v4;
	v4 =	vmul.f32 v12, v8  }
0x374: {  	v8 =	vld [tilespmem:s1+$0xE6D0];
	[tilespmem:s21+$0xFFFFFFE0] =	vst v1;
	v1 =	vadd.f32 v7, v2  }
0x375: {  	s5 =	sadd.s32 $0x4, s5;
	v2 =	vld [tilespmem:s1+$0x166C0];
	v3 =	vadd.f32 v4, v3  }
0x376: {  	p0 =	slt.u32 s5, $0x1FC;
	v4 =	vld [tilespmem:s1+$0x166D0];
	[tilespmem:s17+$0xFFFFFFF0] =	vst v1  }
0x377: {  	v1 =	vld [tilespmem:s1+$0xE6E0];
	[tilespmem:s21+$0xFFFFFFF0] =	vst v3  }
0x378: {  	v3 =	vld [tilespmem:s1+$0x166E0]  }
0x379: {  	v7 =	vld [tilespmem:s1+$0xE6F0]  }
0x37a: {  	v9 =	vmul.f32 v9, v6;
	v8 =	vmul.f32 v8, v5;
	v10 =	vld [tilespmem:s1+$0x166F0]  }
0x37b: {  	v2 =	vmul.f32 v2, v6;
	v11 =	vld [tilespmem:s1+$0x6600];
	v4 =	vmul.f32 v4, v5  }
0x37c: {  	v6 =	vadd.f32 v8, v9;
	v5 =	vld [tilespmem:s1+$0x6610];
	v1 =	vmul.f32 v1, v13  }
0x37d: {  	v8 =	vld [tilespmem:s1+$0xE600];
	v2 =	vadd.f32 v4, v2;
	v3 =	vmul.f32 v3, v13  }
0x37e: {  	v4 =	vld [tilespmem:s1+$0xE610];
	v1 =	vadd.f32 v1, v6;
	v6 =	vmul.f32 v7, v14  }
0x37f: {  	v7 =	vld [tilespmem:s1+$0x16600];
	v2 =	vadd.f32 v3, v2;
	v3 =	vmul.f32 v10, v14  }
0x380: {  	v9 =	vld [tilespmem:s1+$0x16610];
	v1 =	vadd.f32 v6, v1  }
0x381: {  	s17 =	sadd.s32 $0x40, s17;
	v6 =	vld [tilespmem:s1+$0x6640];
	v2 =	vadd.f32 v3, v2  }
0x382: {  	s21 =	sadd.s32 $0x40, s21;
	v3 =	vmul.f32 v8, v11;
	v8 =	vld [tilespmem:s1+$0x6650];
	[tilespmem:s17+$0x0] =	vst v1  }
0x383: {  	v1 =	vmul.f32 v4, v5;
	v4 =	vld [tilespmem:s1+$0xE640];
	[tilespmem:s21+$0x0] =	vst v2  }
0x384: {  	v2 =	vmul.f32 v7, v11;
	v7 =	vld [tilespmem:s1+$0xE650]  }
0x385: {  	v1 =	vadd.f32 v1, v3;
	v3 =	vmul.f32 v9, v5;
	v5 =	vld [tilespmem:s1+$0x16640]  }
0x386: {  	v9 =	vld [tilespmem:s1+$0x16650]  }
0x387: {  	v2 =	vadd.f32 v3, v2;
	v3 =	vld [tilespmem:s1+$0x6680]  }
0x388: {  	v4 =	vmul.f32 v4, v6;
	v10 =	vld [tilespmem:s1+$0x6690]  }
0x389: {  	v7 =	vmul.f32 v7, v8;
	v11 =	vld [tilespmem:s1+$0xE680]  }
0x38a: {  	v5 =	vmul.f32 v5, v6;
	v6 =	vld [tilespmem:s1+$0xE690]  }
0x38b: {  	v4 =	vadd.f32 v7, v4;
	v7 =	vmul.f32 v9, v8;
	v8 =	vld [tilespmem:s1+$0x16680]  }
0x38c: {  	v9 =	vld [tilespmem:s1+$0x16690]  }
0x38d: {  	v12 =	vld [tilespmem:s1+$0x6620];
	v7 =	vadd.f32 v7, v5  }
0x38e: {  	v5 =	vld [tilespmem:s1+$0xE620];
	v11 =	vmul.f32 v11, v3  }
0x38f: {  	v13 =	vld [tilespmem:s1+$0x16620];
	v6 =	vmul.f32 v6, v10  }
0x390: {  	v14 =	vld [tilespmem:s1+$0x6660];
	v3 =	vmul.f32 v8, v3  }
0x391: {  	v8 =	vld [tilespmem:s1+$0xE660];
	v11 =	vadd.f32 v6, v11;
	v6 =	vmul.f32 v9, v10  }
0x392: {  	v9 =	vld [tilespmem:s1+$0x16660]  }
0x393: {  	v5 =	vmul.f32 v5, v12;
	v10 =	vld [tilespmem:s1+$0x66A0];
	v3 =	vadd.f32 v6, v3  }
0x394: {  	v6 =	vmul.f32 v13, v12;
	v12 =	vld [tilespmem:s1+$0xE6A0]  }
0x395: {  	v1 =	vadd.f32 v5, v1;
	v13 =	vld [tilespmem:s1+$0x166A0]  }
0x396: {  	v15 =	vld [tilespmem:s1+$0x6630];
	v5 =	vadd.f32 v6, v2;
	v2 =	vmul.f32 v8, v14  }
0x397: {  	v8 =	vld [tilespmem:s1+$0xE630];
	v9 =	vmul.f32 v9, v14  }
0x398: {  	v14 =	vld [tilespmem:s1+$0x16630];
	v4 =	vadd.f32 v2, v4  }
.Ltmp6:
0x399: {  	v6 =	vld [tilespmem:s1+$0x6670];
	v7 =	vadd.f32 v9, v7;
	v2 =	vmul.f32 v12, v10;
	(pc) =	sbr.rel @p0 .LBB2_14-.Ltmp6, $4  }
0x39a: {  	v9 =	vld [tilespmem:s1+$0xE670];
	v13 =	vmul.f32 v13, v10  }
0x39b: {  	v10 =	vld [tilespmem:s1+$0x16670];
	v2 =	vadd.f32 v2, v11  }
0x39c: {  	v12 =	vmul.f32 v8, v15;
	v8 =	vld [tilespmem:s1+$0x66B0];
	v3 =	vadd.f32 v13, v3  }
0x39d: {  	s6 =	sadd.s32 $0x400, s6;
	v13 =	vmul.f32 v14, v15;
	v11 =	vld [tilespmem:s1+$0xE6B0]  }
0x39e: {  	_ = 	snop  }
0x39f: {  	v14 =	vld [tilespmem:s1+$0x166B0]  }
0x3a0: {  	v1 =	vadd.f32 v12, v1;
	v9 =	vmul.f32 v9, v6;
	v6 =	vmul.f32 v10, v6  }
0x3a1: {  	s7 =	simm.s32 $0x180;
	v5 =	vadd.f32 v13, v5  }
0x3a2: {  	[tilespmem:s17+$0xFFFFFFD0] =	vst v1;
	v1 =	vmov s7;
	v6 =	vadd.f32 v6, v7;
	v7 =	vmov s18  }
0x3a3: {  	v4 =	vadd.f32 v9, v4;
	v9 =	vmul.f32 v11, v8;
	v7 =	vshll.u32 v7, $0x4  }
0x3a4: {  	[tilespmem:s21+$0xFFFFFFD0] =	vst v5;
	v5 =	vmul.f32 v14, v8;
	v8 =	vshll.u32 v1, $0x4;
	v1 =	vor.u32 v0, v7  }
0x3a5: {  	[tilespmem:s17+$0xFFFFFFE0] =	vst v4;
	v2 =	vadd.f32 v9, v2;
	v4 =	vor.u32 v0, v8  }
0x3a6: {  	[tilespmem:s21+$0xFFFFFFE0] =	vst v6;
	v3 =	vadd.f32 v5, v3  }
0x3a7: {  	[tilespmem:s17+$0xFFFFFFF0] =	vst v2  }
0x3a8: {  	v8 =	vor.u32 $0x3, v4;
	[tilespmem:s21+$0xFFFFFFF0] =	vst v3  }
0x3a9: {  	v5 =	vld.idx.msk [tilespmem:v1+s31+$0x0], $0xffff  }
0x3aa: {  	v10 =	vor.u32 $0x4, v4;
	v6 =	vld.idx.msk [tilespmem:v4+s31+$0x0], $0xffff  }
0x3ab: {  	v7 =	vld.idx.msk [tilespmem:v4+s0+$0x0], $0xffff  }
0x3ac: {  	v47 =	vor.u32 $0x5, v4;
	v53 =	vld.idx.msk [tilespmem:v1+s0+$0x0], $0xffff  }
0x3ad: {  	v48 =	vld.idx.msk [tilespmem:v8+s31+$0x0], $0xffff  }
0x3ae: {  	v49 =	vor.u32 $0x6, v4;
	v8 =	vld.idx.msk [tilespmem:v8+s0+$0x0], $0xffff  }
0x3af: {  	v15 =	vld.idx.msk [tilespmem:v10+s31+$0x0], $0xffff  }
0x3b0: {  	v16 =	vor.u32 $0x7, v4;
	v10 =	vld.idx.msk [tilespmem:v10+s0+$0x0], $0xffff  }
0x3b1: {  	v17 =	vld.idx.msk [tilespmem:v47+s31+$0x0], $0xffff  }
0x3b2: {  	v18 =	vor.u32 $0x8, v4;
	v12 =	vld.idx.msk [tilespmem:v47+s0+$0x0], $0xffff  }
0x3b3: {  	v19 =	vld.idx.msk [tilespmem:v49+s31+$0x0], $0xffff  }
0x3b4: {  	v20 =	vor.u32 $0x9, v4;
	v14 =	vld.idx.msk [tilespmem:v49+s0+$0x0], $0xffff  }
0x3b5: {  	v21 =	vld.idx.msk [tilespmem:v16+s31+$0x0], $0xffff  }
0x3b6: {  	v22 =	vor.u32 $0xA, v4;
	v16 =	vld.idx.msk [tilespmem:v16+s0+$0x0], $0xffff  }
0x3b7: {  	v2 =	vor.u32 $0x1, v4;
	v23 =	vld.idx.msk [tilespmem:v18+s31+$0x0], $0xffff  }
0x3b8: {  	v18 =	vld.idx.msk [tilespmem:v18+s0+$0x0], $0xffff  }
0x3b9: {  	v3 =	vor.u32 $0x2, v4;
	v25 =	vld.idx.msk [tilespmem:v20+s31+$0x0], $0xffff  }
0x3ba: {  	v20 =	vld.idx.msk [tilespmem:v20+s0+$0x0], $0xffff  }
0x3bb: {  	v27 =	vld.idx.msk [tilespmem:v22+s31+$0x0], $0xffff  }
0x3bc: {  	v24 =	vor.u32 $0xB, v4;
	v9 =	vld.idx.msk [tilespmem:v2+s31+$0x0], $0xffff  }
0x3bd: {  	v2 =	vld.idx.msk [tilespmem:v2+s0+$0x0], $0xffff  }
0x3be: {  	v30 =	vor.u32 $0xE, v4;
	v11 =	vld.idx.msk [tilespmem:v3+s31+$0x0], $0xffff  }
0x3bf: {  	v50 =	vor.u32 $0x1, v1;
	v3 =	vld.idx.msk [tilespmem:v3+s0+$0x0], $0xffff;
	v6 =	vadd.f32 $0.0e+00, v6  }
0x3c0: {  	v52 =	vor.u32 $0x2, v1;
	v22 =	vld.idx.msk [tilespmem:v22+s0+$0x0], $0xffff;
	v7 =	vadd.f32 $0.0e+00, v7  }
0x3c1: {  	v56 =	vor.u32 $0x5, v1;
	v29 =	vld.idx.msk [tilespmem:v24+s31+$0x0], $0xffff;
	v6 =	vadd.f32 v9, v6  }
0x3c2: {  	v26 =	vor.u32 $0xC, v4;
	v24 =	vld.idx.msk [tilespmem:v24+s0+$0x0], $0xffff;
	v2 =	vadd.f32 v2, v7  }
0x3c3: {  	v51 =	vld.idx.msk [tilespmem:v30+s0+$0x0], $0xffff;
	v6 =	vadd.f32 v11, v6  }
0x3c4: {  	v28 =	vor.u32 $0xD, v4;
	v54 =	vld.idx.msk [tilespmem:v50+s0+$0x0], $0xffff;
	v2 =	vadd.f32 v3, v2  }
0x3c5: {  	v55 =	vld.idx.msk [tilespmem:v52+s31+$0x0], $0xffff;
	v6 =	vadd.f32 v48, v6  }
0x3c6: {  	v59 =	vld.idx.msk [tilespmem:v56+s31+$0x0], $0xffff;
	v2 =	vadd.f32 v8, v2  }
0x3c7: {  	v7 =	vld.idx.msk [tilespmem:v26+s31+$0x0], $0xffff;
	v6 =	vadd.f32 v15, v6  }
0x3c8: {  	v4 =	vor.u32 $0xF, v4;
	v9 =	vld.idx.msk [tilespmem:v26+s0+$0x0], $0xffff;
	v2 =	vadd.f32 v10, v2  }
0x3c9: {  	v3 =	vld.idx.msk [tilespmem:v28+s31+$0x0], $0xffff;
	v6 =	vadd.f32 v17, v6  }
0x3ca: {  	v11 =	vld.idx.msk [tilespmem:v28+s0+$0x0], $0xffff;
	v2 =	vadd.f32 v12, v2  }
0x3cb: {  	v8 =	vld.idx.msk [tilespmem:v30+s31+$0x0], $0xffff;
	v15 =	vor.u32 $0x3, v1;
	v6 =	vadd.f32 v19, v6  }
0x3cc: {  	v17 =	vld.idx.msk [tilespmem:v50+s31+$0x0], $0xffff;
	v2 =	vadd.f32 v14, v2  }
0x3cd: {  	v10 =	vld.idx.msk [tilespmem:v4+s31+$0x0], $0xffff;
	v19 =	vor.u32 $0x4, v1;
	v6 =	vadd.f32 v21, v6  }
0x3ce: {  	v4 =	vld.idx.msk [tilespmem:v4+s0+$0x0], $0xffff;
	v2 =	vadd.f32 v16, v2  }
0x3cf: {  	v5 =	vadd.f32 $0.0e+00, v5;
	v16 =	vld.idx.msk [tilespmem:v52+s0+$0x0], $0xffff;
	v6 =	vadd.f32 v23, v6  }
0x3d0: {  	v58 =	vor.u32 $0x6, v1;
	v12 =	vadd.f32 $0.0e+00, v53;
	v57 =	vld.idx.msk [tilespmem:v15+s31+$0x0], $0xffff;
	v2 =	vadd.f32 v18, v2  }
0x3d1: {  	v15 =	vld.idx.msk [tilespmem:v15+s0+$0x0], $0xffff;
	v5 =	vadd.f32 v17, v5;
	v6 =	vadd.f32 v25, v6  }
0x3d2: {  	v12 =	vadd.f32 v54, v12;
	v18 =	vor.u32 $0x7, v1;
	v17 =	vld.idx.msk [tilespmem:v19+s31+$0x0], $0xffff;
	v2 =	vadd.f32 v20, v2  }
0x3d3: {  	v19 =	vld.idx.msk [tilespmem:v19+s0+$0x0], $0xffff;
	v5 =	vadd.f32 v55, v5;
	v20 =	vor.u32 $0x8, v1;
	v6 =	vadd.f32 v27, v6  }
0x3d4: {  	v21 =	vld.idx.msk [tilespmem:v56+s0+$0x0], $0xffff;
	v12 =	vadd.f32 v16, v12;
	v2 =	vadd.f32 v22, v2  }
0x3d5: {  	v62 =	vor.u32 $0xB, v1;
	v23 =	vld.idx.msk [tilespmem:v58+s0+$0x0], $0xffff;
	v5 =	vadd.f32 v57, v5;
	v6 =	vadd.f32 v29, v6  }
0x3d6: {  	v16 =	vld.idx.msk [tilespmem:v58+s31+$0x0], $0xffff;
	v12 =	vadd.f32 v15, v12;
	v2 =	vadd.f32 v24, v2  }
0x3d7: {  	v60 =	vor.u32 $0x9, v1;
	v15 =	vld.idx.msk [tilespmem:v18+s31+$0x0], $0xffff;
	v5 =	vadd.f32 v17, v5;
	v6 =	vadd.f32 v7, v6  }
0x3d8: {  	v61 =	vld.idx.msk [tilespmem:v20+s31+$0x0], $0xffff;
	v2 =	vadd.f32 v9, v2;
	v7 =	vadd.f32 v19, v12  }
0x3d9: {  	v17 =	vor.u32 $0xA, v1;
	v9 =	vld.idx.msk [tilespmem:v18+s0+$0x0], $0xffff;
	v5 =	vadd.f32 v59, v5;
	v6 =	vadd.f32 v3, v6  }
0x3da: {  	v19 =	vld.idx.msk [tilespmem:v62+s0+$0x0], $0xffff;
	v2 =	vadd.f32 v11, v2;
	v7 =	vadd.f32 v21, v7  }
0x3db: {  	v11 =	vld.idx.msk [tilespmem:v20+s0+$0x0], $0xffff;
	v5 =	vadd.f32 v16, v5;
	v6 =	vadd.f32 v8, v6  }
0x3dc: {  	v16 =	vld.idx.msk [tilespmem:v60+s31+$0x0], $0xffff;
	v3 =	vor.u32 $0xC, v1;
	v2 =	vadd.f32 v51, v2;
	v63 =	vadd.f32 v23, v7  }
0x3dd: {  	v8 =	vld.idx.msk [tilespmem:v60+s0+$0x0], $0xffff;
	v5 =	vadd.f32 v15, v5;
	v10 =	vadd.f32 v10, v6  }
0x3de: {  	v7 =	vld.idx.msk [tilespmem:v17+s31+$0x0], $0xffff;
	v15 =	vadd.f32 v4, v2;
	v9 =	vadd.f32 v9, v63;
	v4 =	vor.u32 $0xD, v1  }
0x3df: {  	v6 =	vld.idx.msk [tilespmem:v17+s0+$0x0], $0xffff;
	v5 =	vadd.f32 v61, v5  }
0x3e0: {  	v17 =	vld.idx.msk [tilespmem:v62+s31+$0x0], $0xffff;
	v2 =	vor.u32 $0xE, v1;
	[tilespmem:s26+$0xFFFFFFF0] =	vst v10;
	v9 =	vadd.f32 v11, v9  }
0x3e1: {  	s1 =	simm.s32 $0x18;
	s21 =	simm.s32 $0x1B0;
	v1 =	vor.u32 $0xF, v1;
	v18 =	vld.idx.msk [tilespmem:v3+s31+$0x0], $0xffff;
	v5 =	vadd.f32 v16, v5;
	[tilespmem:s28+$0xFFFFFFF0] =	vst v15  }
.LBB2_16:
0x3e2: {  	s5 =	sadd.s32 $0xFFFFFFF0, s21;
	v10 =	vmov s21;
	v8 =	vadd.f32 v8, v9;
	v20 =	vld.idx.msk [tilespmem:v3+s0+$0x0], $0xffff  }
0x3e3: {  	s1 =	sadd.s32 $0x2, s1;
	v3 =	vmov s5;
	v9 =	vshll.u32 v10, $0x4;
	v21 =	vadd.f32 v7, v5;
	v22 =	vld.idx.msk [tilespmem:v4+s31+$0x0], $0xffff  }
0x3e4: {  	p0 =	slt.u32 s1, $0x1E;
	v3 =	vshll.u32 v3, $0x4;
	v15 =	vor.u32 v0, v9;
	v23 =	vadd.f32 v6, v8;
	v24 =	vld.idx.msk [tilespmem:v4+s0+$0x0], $0xffff  }
0x3e5: {  	v25 =	vor.u32 v0, v3;
	v16 =	vor.u32 $0x1, v15;
	v14 =	vor.u32 $0x2, v15;
	v26 =	vld.idx.msk [tilespmem:v2+s31+$0x0], $0xffff  }
0x3e6: {  	v13 =	vor.u32 $0x3, v15;
	v12 =	vor.u32 $0x4, v15;
	v11 =	vor.u32 $0x5, v15;
	v27 =	vld.idx.msk [tilespmem:v2+s0+$0x0], $0xffff  }
0x3e7: {  	v10 =	vor.u32 $0x6, v15;
	v9 =	vor.u32 $0x7, v15;
	v28 =	vor.u32 $0x1, v25;
	v29 =	vld.idx.msk [tilespmem:v1+s31+$0x0], $0xffff  }
0x3e8: {  	v8 =	vor.u32 $0x8, v15;
	v7 =	vor.u32 $0x9, v15;
	v6 =	vor.u32 $0xA, v15;
	v30 =	vld.idx.msk [tilespmem:v1+s0+$0x0], $0xffff  }
0x3e9: {  	v5 =	vor.u32 $0xB, v15;
	v3 =	vor.u32 $0xC, v15;
	v31 =	vor.u32 $0x2, v25;
	v32 =	vld.idx.msk [tilespmem:v15+s31+$0x0], $0xffff  }
0x3ea: {  	v4 =	vor.u32 $0xD, v15;
	v17 =	vadd.f32 v17, v21;
	v19 =	vadd.f32 v19, v23;
	v33 =	vld.idx.msk [tilespmem:v25+s31+$0x0], $0xffff  }
0x3eb: {  	v23 =	vor.u32 $0x3, v25;
	v2 =	vor.u32 $0xE, v15;
	v1 =	vor.u32 $0xF, v15;
	v21 =	vld.idx.msk [tilespmem:v25+s0+$0x0], $0xffff  }
0x3ec: {  	v17 =	vadd.f32 v18, v17;
	v18 =	vadd.f32 v20, v19;
	v34 =	vld.idx.msk [tilespmem:v28+s31+$0x0], $0xffff  }
0x3ed: {  	v20 =	vor.u32 $0x4, v25;
	v19 =	vld.idx.msk [tilespmem:v28+s0+$0x0], $0xffff  }
0x3ee: {  	v17 =	vadd.f32 v22, v17;
	v18 =	vadd.f32 v24, v18;
	v28 =	vld.idx.msk [tilespmem:v31+s31+$0x0], $0xffff  }
0x3ef: {  	v24 =	vor.u32 $0x5, v25;
	v22 =	vld.idx.msk [tilespmem:v31+s0+$0x0], $0xffff;
	v31 =	vadd.f32 $0.0e+00, v32  }
0x3f0: {  	v17 =	vadd.f32 v26, v17;
	v32 =	vadd.f32 $0.0e+00, v33;
	v33 =	vld.idx.msk [tilespmem:v23+s31+$0x0], $0xffff  }
0x3f1: {  	v26 =	vor.u32 $0x6, v25;
	v18 =	vadd.f32 v27, v18;
	v21 =	vadd.f32 $0.0e+00, v21;
	v23 =	vld.idx.msk [tilespmem:v23+s0+$0x0], $0xffff  }
0x3f2: {  	v17 =	vadd.f32 v29, v17;
	v27 =	vadd.f32 v34, v32;
	v32 =	vld.idx.msk [tilespmem:v20+s31+$0x0], $0xffff  }
0x3f3: {  	v18 =	vadd.f32 v30, v18;
	v19 =	vadd.f32 v19, v21;
	v21 =	vor.u32 $0x7, v25;
	v20 =	vld.idx.msk [tilespmem:v20+s0+$0x0], $0xffff  }
0x3f4: {  	v27 =	vadd.f32 v28, v27;
	v28 =	vld.idx.msk [tilespmem:v24+s31+$0x0], $0xffff;
	[tilespmem:s26+$0x0] =	vst v17  }
0x3f5: {  	v17 =	vadd.f32 v22, v19;
	v22 =	vor.u32 $0x8, v25;
	v19 =	vld.idx.msk [tilespmem:v24+s0+$0x0], $0xffff;
	[tilespmem:s28+$0x0] =	vst v18  }
0x3f6: {  	v18 =	vadd.f32 v33, v27;
	v24 =	vld.idx.msk [tilespmem:v26+s31+$0x0], $0xffff  }
0x3f7: {  	v17 =	vadd.f32 v23, v17;
	v23 =	vld.idx.msk [tilespmem:v26+s0+$0x0], $0xffff;
	v26 =	vor.u32 $0x9, v25  }
0x3f8: {  	v18 =	vadd.f32 v32, v18;
	v27 =	vld.idx.msk [tilespmem:v21+s31+$0x0], $0xffff  }
0x3f9: {  	v17 =	vadd.f32 v20, v17;
	v20 =	vld.idx.msk [tilespmem:v21+s0+$0x0], $0xffff;
	v21 =	vor.u32 $0xA, v25  }
0x3fa: {  	v18 =	vadd.f32 v28, v18;
	v28 =	vld.idx.msk [tilespmem:v22+s31+$0x0], $0xffff  }
0x3fb: {  	v17 =	vadd.f32 v19, v17;
	v19 =	vld.idx.msk [tilespmem:v22+s0+$0x0], $0xffff;
	v22 =	vor.u32 $0xB, v25  }
0x3fc: {  	v18 =	vadd.f32 v24, v18;
	v24 =	vld.idx.msk [tilespmem:v26+s31+$0x0], $0xffff  }
0x3fd: {  	v17 =	vadd.f32 v23, v17;
	v23 =	vld.idx.msk [tilespmem:v26+s0+$0x0], $0xffff;
	v26 =	vor.u32 $0xC, v25  }
0x3fe: {  	v18 =	vadd.f32 v27, v18;
	v27 =	vld.idx.msk [tilespmem:v21+s31+$0x0], $0xffff  }
0x3ff: {  	v17 =	vadd.f32 v20, v17;
	v20 =	vld.idx.msk [tilespmem:v21+s0+$0x0], $0xffff;
	v21 =	vor.u32 $0xD, v25  }
0x400: {  	v18 =	vadd.f32 v28, v18;
	v28 =	vld.idx.msk [tilespmem:v22+s31+$0x0], $0xffff  }
0x401: {  	v17 =	vadd.f32 v19, v17;
	v19 =	vld.idx.msk [tilespmem:v22+s0+$0x0], $0xffff;
	v22 =	vor.u32 $0xE, v25  }
0x402: {  	v18 =	vadd.f32 v24, v18;
	v24 =	vld.idx.msk [tilespmem:v26+s31+$0x0], $0xffff  }
0x403: {  	v25 =	vor.u32 $0xF, v25;
	v17 =	vadd.f32 v23, v17;
	v23 =	vld.idx.msk [tilespmem:v26+s0+$0x0], $0xffff  }
0x404: {  	v18 =	vadd.f32 v27, v18;
	v26 =	vld.idx.msk [tilespmem:v21+s31+$0x0], $0xffff  }
0x405: {  	v17 =	vadd.f32 v20, v17;
	v20 =	vld.idx.msk [tilespmem:v21+s0+$0x0], $0xffff  }
0x406: {  	v18 =	vadd.f32 v28, v18;
	v21 =	vld.idx.msk [tilespmem:v22+s31+$0x0], $0xffff  }
0x407: {  	v17 =	vadd.f32 v19, v17;
	v19 =	vld.idx.msk [tilespmem:v22+s0+$0x0], $0xffff  }
0x408: {  	v18 =	vadd.f32 v24, v18;
	v22 =	vld.idx.msk [tilespmem:v25+s31+$0x0], $0xffff  }
0x409: {  	v17 =	vadd.f32 v23, v17;
	v23 =	vld.idx.msk [tilespmem:v25+s0+$0x0], $0xffff  }
0x40a: {  	v18 =	vadd.f32 v26, v18;
	v15 =	vld.idx.msk [tilespmem:v15+s0+$0x0], $0xffff  }
0x40b: {  	v17 =	vadd.f32 v20, v17;
	v20 =	vld.idx.msk [tilespmem:v16+s31+$0x0], $0xffff  }
0x40c: {  	v18 =	vadd.f32 v21, v18;
	v16 =	vld.idx.msk [tilespmem:v16+s0+$0x0], $0xffff  }
0x40d: {  	v17 =	vadd.f32 v19, v17;
	v19 =	vld.idx.msk [tilespmem:v14+s31+$0x0], $0xffff  }
0x40e: {  	v18 =	vadd.f32 v22, v18;
	v14 =	vld.idx.msk [tilespmem:v14+s0+$0x0], $0xffff  }
0x40f: {  	s26 =	sadd.s32 $0x20, s26;
	v17 =	vadd.f32 v23, v17;
	v21 =	vld.idx.msk [tilespmem:v13+s31+$0x0], $0xffff  }
0x410: {  	s28 =	sadd.s32 $0x20, s28;
	v15 =	vadd.f32 $0.0e+00, v15;
	[tilespmem:s26+$0xFFFFFFF0] =	vst v18;
	v13 =	vld.idx.msk [tilespmem:v13+s0+$0x0], $0xffff  }
0x411: {  	[tilespmem:s28+$0xFFFFFFF0] =	vst v17;
	v17 =	vadd.f32 v20, v31;
	v18 =	vld.idx.msk [tilespmem:v12+s31+$0x0], $0xffff  }
0x412: {  	v15 =	vadd.f32 v16, v15;
	v12 =	vld.idx.msk [tilespmem:v12+s0+$0x0], $0xffff  }
0x413: {  	v16 =	vadd.f32 v19, v17;
	v17 =	vld.idx.msk [tilespmem:v11+s31+$0x0], $0xffff  }
0x414: {  	v14 =	vadd.f32 v14, v15;
	v11 =	vld.idx.msk [tilespmem:v11+s0+$0x0], $0xffff  }
0x415: {  	v15 =	vadd.f32 v21, v16;
	v16 =	vld.idx.msk [tilespmem:v10+s31+$0x0], $0xffff  }
0x416: {  	v13 =	vadd.f32 v13, v14;
	v10 =	vld.idx.msk [tilespmem:v10+s0+$0x0], $0xffff  }
0x417: {  	v14 =	vadd.f32 v18, v15;
	v15 =	vld.idx.msk [tilespmem:v9+s31+$0x0], $0xffff  }
0x418: {  	v12 =	vadd.f32 v12, v13;
	v9 =	vld.idx.msk [tilespmem:v9+s0+$0x0], $0xffff  }
0x419: {  	v13 =	vadd.f32 v17, v14;
	v14 =	vld.idx.msk [tilespmem:v8+s31+$0x0], $0xffff  }
0x41a: {  	v11 =	vadd.f32 v11, v12;
	v12 =	vld.idx.msk [tilespmem:v8+s0+$0x0], $0xffff  }
0x41b: {  	v13 =	vadd.f32 v16, v13;
	v16 =	vld.idx.msk [tilespmem:v7+s31+$0x0], $0xffff  }
0x41c: {  	v10 =	vadd.f32 v10, v11;
	v8 =	vld.idx.msk [tilespmem:v7+s0+$0x0], $0xffff  }
.Ltmp7:
0x41d: {  	v11 =	vadd.f32 v15, v13;
	v7 =	vld.idx.msk [tilespmem:v6+s31+$0x0], $0xffff;
	(pc) =	sbr.rel @p0 .LBB2_16-.Ltmp7, $4  }
0x41e: {  	v9 =	vadd.f32 v9, v10;
	v6 =	vld.idx.msk [tilespmem:v6+s0+$0x0], $0xffff  }
0x41f: {  	v10 =	vadd.f32 v14, v11;
	v17 =	vld.idx.msk [tilespmem:v5+s31+$0x0], $0xffff  }
0x420: {  	v9 =	vadd.f32 v12, v9;
	v19 =	vld.idx.msk [tilespmem:v5+s0+$0x0], $0xffff  }
0x421: {  	s21 =	sadd.s32 $0x20, s21;
	v5 =	vadd.f32 v16, v10;
	v18 =	vld.idx.msk [tilespmem:v3+s31+$0x0], $0xffff  }
0x422: {  	_ =	sdelay $0x2  }
0x423: {  	v8 =	vadd.f32 v8, v9  }
0x424: {  	v3 =	vld.idx.msk [tilespmem:v3+s0+$0x0], $0xffff;
	v5 =	vadd.f32 v7, v5  }
0x425: {  	v59 =	vld.idx.msk [tilespmem:v4+s31+$0x0], $0xffff;
	v6 =	vadd.f32 v6, v8  }
0x426: {  	v60 =	vld.idx.msk [tilespmem:v4+s0+$0x0], $0xffff;
	v5 =	vadd.f32 v17, v5  }
0x427: {  	v61 =	vld.idx.msk [tilespmem:v2+s31+$0x0], $0xffff;
	v6 =	vadd.f32 v19, v6  }
0x428: {  	v2 =	vld.idx.msk [tilespmem:v2+s0+$0x0], $0xffff;
	v5 =	vadd.f32 v18, v5  }
0x429: {  	v62 =	vld.idx.msk [tilespmem:v1+s31+$0x0], $0xffff;
	v3 =	vadd.f32 v3, v6  }
0x42a: {  	v1 =	vld.idx.msk [tilespmem:v1+s0+$0x0], $0xffff;
	v5 =	vadd.f32 v59, v5  }
0x42b: {  	v3 =	vadd.f32 v60, v3  }
0x42c: {  	v63 =	vadd.f32 v61, v5  }
0x42d: {  	v2 =	vadd.f32 v2, v3  }
0x42e: {  	v3 =	vadd.f32 v62, v63  }
0x42f: {  	v1 =	vadd.f32 v1, v2  }
0x430: {  	[tilespmem:s26+$0x0] =	vst v3  }
0x431: {  	s1 =	simm.s32 $0x1C780;
	[tilespmem:s28+$0x0] =	vst v1  }
0x432: {  	[hbm4b:s14+s2] =	stream.linear.scatter [tilespmem:s1], [sflag:$0x6], $0x80, $0x38;
	[tilespmem:$0x1CA00] =	vst v63  }
0x433: {  	s28 =	simm.s32 $0x1C980  }
0x434: {  	[hbm4b:s15+s2] =	stream.linear.scatter [tilespmem:s28], [sflag:$0x6], $0x80, $0x38;
	[tilespmem:$0x1CA00] =	vst v63  }
0x435: {  	_ =	swait.ge [sflag:s23], $0x80  }
0x436: {  	[sflag:s23] =	ssyncset.done $0x0  }
0x437: {  	[sflag:s23] =	ssyncadd.s32 $0xFFFFFF80  }
0x438: {  	_ =	swait.ge [sflag:s23], $0x80  }
0x439: {  	[sflag:s23] =	ssyncset.done $0x0  }
0x43a: {  	[sflag:s23] =	ssyncadd.s32 $0xFFFFFF80  }
0x43b: {  	_ =	swait.ge [sflag:s23], $0x80  }
0x43c: {  	[sflag:s23] =	ssyncset.done $0x0  }
0x43d: {  	[sflag:s23] =	ssyncadd.s32 $0xFFFFFF80  }
0x43e: {  	_ =	swait.ge [sflag:s23], $0x80  }
0x43f: {  	[sflag:s23] =	ssyncset.done $0x0  }
0x440: {  	[sflag:s23] =	ssyncadd.s32 $0xFFFFFF80  }
0x441: {  	_ =	swait.ge [sflag:s23], $0x80  }
0x442: {  	[sflag:s23] =	ssyncset.done $0x0  }
0x443: {  	[sflag:s23] =	ssyncadd.s32 $0xFFFFFF80  }
0x444: {  	_ =	swait.ge [sflag:s23], $0x80  }
0x445: {  	[sflag:s23] =	ssyncset.done $0x0  }
0x446: {  	s24 =	sadd.s32 $0x1, s24;
	[sflag:s23] =	ssyncadd.s32 $0xFFFFFF80  }
0x447: {  	p0 =	sne.s32 s24, s16;
	_ =	swait.ge [sflag:s23], $0x80  }
.Ltmp8:
0x448: {  	[sflag:s23] =	ssyncset.done $0x0;
	(pc) =	sbr.rel @p0 .LBB2_1-.Ltmp8, $4  }
0x449: {  	[sflag:s23] =	ssyncadd.s32 $0xFFFFFF80  }
0x44a: {  	_ =	swait.ge [sflag:s23], $0x80  }
0x44b: {  	[sflag:s23] =	ssyncset.done $0x0  }
0x44c: {  	[sflag:s23] =	ssyncadd.s32 $0xFFFFFF80  }
0x44d: {  	_ =	sfence.sel $0x180000  }
0x44e: {  	[bflag:$0x0] =	sbarrier.arrive $0xFFFF  }
0x44f: {  	_ =	strace $0x90000047  }
0x450: {  	s0 =	stileid.u32;
	[bflag:$0x2] =	sbarrier.arrive $0xFFFF  }
0x451: {  	p0 =	sne.s32 s0, $0x0;
	s0 =	rddreg [dreg:$0x6]  }
0x452: {  	s0 =	sadd.s32 @!p0 $0x100000, s0  }
0x453: {  	[sflag:s0] =	ssyncadd.tile.s32 @!p0 $0x1;
	_ =	shalt  }
.Lfunc_end2:
_tile_overlayer_lowered:
.L_overlay_start_2:
0x454: {  	(tag) =	ssettag $0x2  }
0x455: {  	s0 =	rddreg [dreg:$0x0];
	s2 =	stileid.u32  }
0x456: {  	s1 =	rddreg [dreg:$0x1];
	p0 =	sne.s32 s2, $0x0  }
0x457: {  	s3 =	rddreg [dreg:$0x2];
	[bflag:$0x3] =	sbarrier.arrive $0xFFFF;
	s2 =	simm.s32 @!p0 $0x1C07  }
0x458: {  	[timem:s3], [sflag:s2] =	dma.local @!p0 [hbm:s0], s1  }
0x459: {  	s0 =	simm.s32 @!p0 $0x7  }
0x45a: {  	_ =	swait.ge @!p0 [sflag:s0], s1  }
0x45b: {  	s1 =	ssub.s32 @!p0 $0x0, s1;
	[sflag:s0] =	ssyncset.done @!p0 $0x0  }
0x45c: {  	[sflag:s0] =	ssyncadd.s32 @!p0 s1  }
0x45d: {  	[bflag:$0x3] =	sbarrier.arrive $0xFFFF  }
0x45e: {  	_ =	shalt  }

</sc_bundles>
